<compile_context>
chip_gen: v7x
topology: tpu7x:2x2x1
jax: 0.10.2.dev20260603
libtpu: 0.0.44.dev20260713+nightly
codegen_flags: <defaults>
</compile_context>

<pallas_src>
import jax
import jax.numpy as jnp
from jax import lax
from jax.experimental import pallas as pl
from jax.experimental.pallas import tpu as pltpu
from jax.experimental.pallas import tpu_sc as plsc

VOCAB = 1000000
EMBED_DIM = 64
PAD_DIM = 128
BATCH = 16384
SEQ = 200

NC = 2
NS = 16
NW = NC * NS
LANES = 16

ROWS_PER_W = BATCH // NW
NB = 4
IDX_PER_CHUNK = NB * SEQ
STREAM = 100
NSTREAMS = IDX_PER_CHUNK // STREAM
NCHUNKS = ROWS_PER_W // NB
NPAIRS = NCHUNKS // 2
SCALE = 1.0 / SEQ


def _encoder_body(dseq, table, out, idx0, idx1, rows0, rows1, outst,
                  sem0, sem1):
    wid = lax.axis_index("s") * NC + lax.axis_index("c")
    base_row = wid * ROWS_PER_W

    idx_bufs = (idx0, idx1)
    row_bufs = (rows0, rows1)
    sems = (sem0, sem1)

    def fire(c, buf):
        ib, rb, sem = idx_bufs[buf], row_bufs[buf], sems[buf]
        irow0 = (base_row + c * NB) * (SEQ // STREAM)
        pltpu.sync_copy(dseq.at[pl.ds(irow0, NSTREAMS)], ib)
        for j in range(NSTREAMS):
            pltpu.async_copy(table.at[ib.at[j]],
                             rb.at[pl.ds(j * STREAM, STREAM)], sem)

    def drain(buf):
        rb, sem = row_bufs[buf], sems[buf]
        pltpu.make_async_copy(table.at[pl.ds(0, IDX_PER_CHUNK)], rb, sem).wait()

    def compute(c, buf):
        rb = row_bufs[buf]
        for b in range(NB):
            rbase = b * SEQ

            def body(j, accs):
                return tuple(
                    acc + rb[rbase + j, pl.ds(k * LANES, LANES)]
                    for k, acc in enumerate(accs)
                )

            zero = jnp.zeros((LANES,), jnp.float32)
            accs = lax.fori_loop(0, SEQ, body, (zero,) * (EMBED_DIM // LANES),
                                 unroll=4)
            for k, acc in enumerate(accs):
                outst[b, pl.ds(k * LANES, LANES)] = acc * SCALE
        pltpu.sync_copy(outst, out.at[pl.ds(base_row + c * NB, NB)])

    fire(0, 0)

    def pair(p, _):
        c0 = 2 * p
        fire(c0 + 1, 1)
        drain(0)
        compute(c0, 0)

        @pl.when(p + 1 < NPAIRS)
        def _():
            fire(c0 + 2, 0)

        drain(1)
        compute(c0 + 1, 1)
        return ()

    lax.fori_loop(0, NPAIRS, pair, ())


@jax.jit
def kernel(drug_seq, emb_table):
    tpad = jnp.pad(emb_table, ((0, 0), (0, PAD_DIM - EMBED_DIM)))
    t2 = tpad.reshape(2 * VOCAB, EMBED_DIM)
    dseq = (drug_seq.astype(jnp.int32) * 2).reshape(
        BATCH * (SEQ // STREAM), STREAM)
    mesh = plsc.VectorSubcoreMesh(core_axis_name="c", subcore_axis_name="s")
    f = pl.kernel(
        _encoder_body,
        out_type=jax.ShapeDtypeStruct((BATCH, EMBED_DIM), jnp.float32),
        mesh=mesh,
        scratch_types=[
            pltpu.VMEM((NSTREAMS, STREAM), jnp.int32),
            pltpu.VMEM((NSTREAMS, STREAM), jnp.int32),
            pltpu.VMEM((IDX_PER_CHUNK, EMBED_DIM), jnp.float32),
            pltpu.VMEM((IDX_PER_CHUNK, EMBED_DIM), jnp.float32),
            pltpu.VMEM((NB, EMBED_DIM), jnp.float32),
            pltpu.SemaphoreType.DMA,
            pltpu.SemaphoreType.DMA,
        ],
        compiler_params=pltpu.CompilerParams(use_tc_tiling_on_sc=False),
    )
    return f(dseq, t2)

# --- scband reference (transcript-rebuilt; emitter-appended) ---
"""Pipeline reference for scband-drug-sequence-encoder-46523085751023 (READ-ONLY COPY).

The authoritative reference and input builder live on the scoring server;
editing this copy changes nothing except your own understanding.
"""

import jax, jax.numpy as jnp
import numpy as np

VOCAB = 1000000
EMBED_DIM = 64
BATCH = 16384
SEQ = 200

def setup_inputs(seed: int = 0) -> dict:
    key = jax.random.key(seed)
    k1, k2 = jax.random.split(key)
    drug_seq = jax.random.randint(k1, (BATCH, SEQ), 0, VOCAB, dtype=jnp.int64 if jax.config.jax_enable_x64 else jnp.int32)
    emb_table = jax.random.normal(k2, (VOCAB, EMBED_DIM), dtype=jnp.float32)
    return {"drug_seq": drug_seq, "emb_table": emb_table}

def reference(drug_seq, emb_table):
    # embedded = self.embedding(drug_seq)  -> gather rows
    embedded = jnp.take(emb_table, drug_seq, axis=0)  # [B, S, D]
    # return embedded.mean(dim=1)
    return embedded.mean(axis=1)  # [B, D]

if __name__ == "__main__":
    import jax
    _d = setup_inputs()
    print(jax.jit(kernel)(*tuple(_d.values())))

</pallas_src>

<mosaic_0001>
#map = affine_map<(d0, d1) -> (0, 0)>
module attributes {stable_mosaic.version = 14 : i64} {
  func.func @_encoder_body(%arg0: i32, %arg1: i32, %arg2: memref<32768x100xi32, #tpu.memory_space<hbm>>, %arg3: memref<2000000x64xf32, #tpu.memory_space<hbm>>, %arg4: memref<16384x64xf32, #tpu.memory_space<hbm>>, %arg5: memref<8x100xi32, #tpu.memory_space<vmem>>, %arg6: memref<8x100xi32, #tpu.memory_space<vmem>>, %arg7: memref<800x64xf32, #tpu.memory_space<vmem>>, %arg8: memref<800x64xf32, #tpu.memory_space<vmem>>, %arg9: memref<4x64xf32, #tpu.memory_space<vmem>>, %arg10: memref<!tpu.dma_semaphore, #tpu.memory_space<semaphore_mem>>, %arg11: memref<!tpu.dma_semaphore, #tpu.memory_space<semaphore_mem>>) attributes {dimension_semantics = [#tpu.dimension_semantics<core_parallel>, #tpu.dimension_semantics<subcore_parallel>], iteration_bounds = array<i64: 2, 16>, scalar_prefetch = 0 : i64, scratch_operands = 7 : i64, tpu.core_type = #tpu.core_type<sc_vector_subcore>, window_params = [{transform_indices = #map}, {transform_indices = #map}, {transform_indices = #map}]} {
    %mul3A = arith.constant 2 : i32
    %mul3A_0 = arith.muli %arg1, %mul3A : i32
    %add3A = arith.addi %mul3A_0, %arg0 : i32
    %mul3A_1 = arith.constant 512 : i32
    %mul3A_2 = arith.muli %add3A, %mul3A_1 : i32
    %add3A_3 = arith.constant 0 : i32
    %add3A_4 = arith.addi %mul3A_2, %add3A_3 : i32
    %mul3A_5 = arith.constant 2 : i32
    %mul3A_6 = arith.muli %add3A_4, %mul3A_5 : i32
    "tpu.region"() ({
      %run_scoped3A = tpu.sem_alloc : memref<!tpu.dma_semaphore, #tpu.memory_space<semaphore_mem>>
      %dma_start3A_90 = arith.constant 0 : i32
      %dma_start3A_91 = tpu.memref_slice %arg2[%mul3A_6, %dma_start3A_90] : memref<32768x100xi32, #tpu.memory_space<hbm>> -> memref<8x100xi32, #tpu.memory_space<hbm>>
      %dma_start3A_92 = arith.constant 0 : i32
      %dma_start3A_93 = tpu.memref_slice %arg2[%mul3A_6, %dma_start3A_92] : memref<32768x100xi32, #tpu.memory_space<hbm>> -> memref<8x100xi32, #tpu.memory_space<hbm>>
      tpu.enqueue_dma source(%dma_start3A_93 : memref<8x100xi32, #tpu.memory_space<hbm>>) target(%arg5 : memref<8x100xi32, #tpu.memory_space<vmem>>) target_semaphore(%run_scoped3A : memref<!tpu.dma_semaphore, #tpu.memory_space<semaphore_mem>>)
      %dma_wait3A = arith.constant 0 : i32
      %dma_wait3A_94 = tpu.memref_slice %arg2[%mul3A_6, %dma_wait3A] : memref<32768x100xi32, #tpu.memory_space<hbm>> -> memref<8x100xi32, #tpu.memory_space<hbm>>
      %dma_wait3A_95 = arith.constant 0 : i32
      %dma_wait3A_96 = tpu.memref_slice %arg2[%mul3A_6, %dma_wait3A_95] : memref<32768x100xi32, #tpu.memory_space<hbm>> -> memref<8x100xi32, #tpu.memory_space<hbm>>
      tpu.wait_dma2 semaphore(%run_scoped3A : memref<!tpu.dma_semaphore, #tpu.memory_space<semaphore_mem>>) src(%dma_wait3A_96 : memref<8x100xi32, #tpu.memory_space<hbm>>) dst(%arg5 : memref<8x100xi32, #tpu.memory_space<vmem>>)
      tpu.yield
    }) : () -> ()
    %dma_start3A = arith.constant 0 : i32
    %dma_start3A_7 = arith.constant 0 : i32
    %dma_start3A_8 = arith.constant 0 : i32
    %dma_start3A_9 = tpu.memref_slice %arg7[%dma_start3A_7, %dma_start3A_8] : memref<800x64xf32, #tpu.memory_space<vmem>> -> memref<100x64xf32, #tpu.memory_space<vmem>>
    %dma_start3A_10 = arith.constant 0 : i32
    %dma_start3A_11 = tpu.memref_slice %arg5[%dma_start3A, %dma_start3A_10] : memref<8x100xi32, #tpu.memory_space<vmem>> -> memref<1x100xi32, #tpu.memory_space<vmem>>
    %dma_start3A_12 = tpu.memref_squeeze %dma_start3A_11 : memref<1x100xi32, #tpu.memory_space<vmem>> -> memref<100xi32, #tpu.memory_space<vmem>>
    %dma_start3A_13 = arith.constant 0 : i32
    %dma_start3A_14 = arith.constant 0 : i32
    %dma_start3A_15 = tpu.memref_slice %arg3[%dma_start3A_13, %dma_start3A_14] : memref<2000000x64xf32, #tpu.memory_space<hbm>> -> memref<2000000x64xf32, #tpu.memory_space<hbm>>
    tpu.enqueue_indirect_dma source(%dma_start3A_15 : memref<2000000x64xf32, #tpu.memory_space<hbm>>) target(%dma_start3A_9 : memref<100x64xf32, #tpu.memory_space<vmem>>) offsets(%dma_start3A_12 : memref<100xi32, #tpu.memory_space<vmem>>) semaphore(%arg10 : memref<!tpu.dma_semaphore, #tpu.memory_space<semaphore_mem>>)
    %dma_start3A_16 = arith.constant 1 : i32
    %dma_start3A_17 = arith.constant 100 : i32
    %dma_start3A_18 = arith.constant 0 : i32
    %dma_start3A_19 = tpu.memref_slice %arg7[%dma_start3A_17, %dma_start3A_18] : memref<800x64xf32, #tpu.memory_space<vmem>> -> memref<100x64xf32, #tpu.memory_space<vmem>>
    %dma_start3A_20 = arith.constant 0 : i32
    %dma_start3A_21 = tpu.memref_slice %arg5[%dma_start3A_16, %dma_start3A_20] : memref<8x100xi32, #tpu.memory_space<vmem>> -> memref<1x100xi32, #tpu.memory_space<vmem>>
    %dma_start3A_22 = tpu.memref_squeeze %dma_start3A_21 : memref<1x100xi32, #tpu.memory_space<vmem>> -> memref<100xi32, #tpu.memory_space<vmem>>
    %dma_start3A_23 = arith.constant 0 : i32
    %dma_start3A_24 = arith.constant 0 : i32
    %dma_start3A_25 = tpu.memref_slice %arg3[%dma_start3A_23, %dma_start3A_24] : memref<2000000x64xf32, #tpu.memory_space<hbm>> -> memref<2000000x64xf32, #tpu.memory_space<hbm>>
    tpu.enqueue_indirect_dma source(%dma_start3A_25 : memref<2000000x64xf32, #tpu.memory_space<hbm>>) target(%dma_start3A_19 : memref<100x64xf32, #tpu.memory_space<vmem>>) offsets(%dma_start3A_22 : memref<100xi32, #tpu.memory_space<vmem>>) semaphore(%arg10 : memref<!tpu.dma_semaphore, #tpu.memory_space<semaphore_mem>>)
    %dma_start3A_26 = arith.constant 2 : i32
    %dma_start3A_27 = arith.constant 200 : i32
    %dma_start3A_28 = arith.constant 0 : i32
    %dma_start3A_29 = tpu.memref_slice %arg7[%dma_start3A_27, %dma_start3A_28] : memref<800x64xf32, #tpu.memory_space<vmem>> -> memref<100x64xf32, #tpu.memory_space<vmem>>
    %dma_start3A_30 = arith.constant 0 : i32
    %dma_start3A_31 = tpu.memref_slice %arg5[%dma_start3A_26, %dma_start3A_30] : memref<8x100xi32, #tpu.memory_space<vmem>> -> memref<1x100xi32, #tpu.memory_space<vmem>>
    %dma_start3A_32 = tpu.memref_squeeze %dma_start3A_31 : memref<1x100xi32, #tpu.memory_space<vmem>> -> memref<100xi32, #tpu.memory_space<vmem>>
    %dma_start3A_33 = arith.constant 0 : i32
    %dma_start3A_34 = arith.constant 0 : i32
    %dma_start3A_35 = tpu.memref_slice %arg3[%dma_start3A_33, %dma_start3A_34] : memref<2000000x64xf32, #tpu.memory_space<hbm>> -> memref<2000000x64xf32, #tpu.memory_space<hbm>>
    tpu.enqueue_indirect_dma source(%dma_start3A_35 : memref<2000000x64xf32, #tpu.memory_space<hbm>>) target(%dma_start3A_29 : memref<100x64xf32, #tpu.memory_space<vmem>>) offsets(%dma_start3A_32 : memref<100xi32, #tpu.memory_space<vmem>>) semaphore(%arg10 : memref<!tpu.dma_semaphore, #tpu.memory_space<semaphore_mem>>)
    %dma_start3A_36 = arith.constant 3 : i32
    %dma_start3A_37 = arith.constant 300 : i32
    %dma_start3A_38 = arith.constant 0 : i32
    %dma_start3A_39 = tpu.memref_slice %arg7[%dma_start3A_37, %dma_start3A_38] : memref<800x64xf32, #tpu.memory_space<vmem>> -> memref<100x64xf32, #tpu.memory_space<vmem>>
    %dma_start3A_40 = arith.constant 0 : i32
    %dma_start3A_41 = tpu.memref_slice %arg5[%dma_start3A_36, %dma_start3A_40] : memref<8x100xi32, #tpu.memory_space<vmem>> -> memref<1x100xi32, #tpu.memory_space<vmem>>
    %dma_start3A_42 = tpu.memref_squeeze %dma_start3A_41 : memref<1x100xi32, #tpu.memory_space<vmem>> -> memref<100xi32, #tpu.memory_space<vmem>>
    %dma_start3A_43 = arith.constant 0 : i32
    %dma_start3A_44 = arith.constant 0 : i32
    %dma_start3A_45 = tpu.memref_slice %arg3[%dma_start3A_43, %dma_start3A_44] : memref<2000000x64xf32, #tpu.memory_space<hbm>> -> memref<2000000x64xf32, #tpu.memory_space<hbm>>
    tpu.enqueue_indirect_dma source(%dma_start3A_45 : memref<2000000x64xf32, #tpu.memory_space<hbm>>) target(%dma_start3A_39 : memref<100x64xf32, #tpu.memory_space<vmem>>) offsets(%dma_start3A_42 : memref<100xi32, #tpu.memory_space<vmem>>) semaphore(%arg10 : memref<!tpu.dma_semaphore, #tpu.memory_space<semaphore_mem>>)
    %dma_start3A_46 = arith.constant 4 : i32
    %dma_start3A_47 = arith.constant 400 : i32
    %dma_start3A_48 = arith.constant 0 : i32
    %dma_start3A_49 = tpu.memref_slice %arg7[%dma_start3A_47, %dma_start3A_48] : memref<800x64xf32, #tpu.memory_space<vmem>> -> memref<100x64xf32, #tpu.memory_space<vmem>>
    %dma_start3A_50 = arith.constant 0 : i32
    %dma_start3A_51 = tpu.memref_slice %arg5[%dma_start3A_46, %dma_start3A_50] : memref<8x100xi32, #tpu.memory_space<vmem>> -> memref<1x100xi32, #tpu.memory_space<vmem>>
    %dma_start3A_52 = tpu.memref_squeeze %dma_start3A_51 : memref<1x100xi32, #tpu.memory_space<vmem>> -> memref<100xi32, #tpu.memory_space<vmem>>
    %dma_start3A_53 = arith.constant 0 : i32
    %dma_start3A_54 = arith.constant 0 : i32
    %dma_start3A_55 = tpu.memref_slice %arg3[%dma_start3A_53, %dma_start3A_54] : memref<2000000x64xf32, #tpu.memory_space<hbm>> -> memref<2000000x64xf32, #tpu.memory_space<hbm>>
    tpu.enqueue_indirect_dma source(%dma_start3A_55 : memref<2000000x64xf32, #tpu.memory_space<hbm>>) target(%dma_start3A_49 : memref<100x64xf32, #tpu.memory_space<vmem>>) offsets(%dma_start3A_52 : memref<100xi32, #tpu.memory_space<vmem>>) semaphore(%arg10 : memref<!tpu.dma_semaphore, #tpu.memory_space<semaphore_mem>>)
    %dma_start3A_56 = arith.constant 5 : i32
    %dma_start3A_57 = arith.constant 500 : i32
    %dma_start3A_58 = arith.constant 0 : i32
    %dma_start3A_59 = tpu.memref_slice %arg7[%dma_start3A_57, %dma_start3A_58] : memref<800x64xf32, #tpu.memory_space<vmem>> -> memref<100x64xf32, #tpu.memory_space<vmem>>
    %dma_start3A_60 = arith.constant 0 : i32
    %dma_start3A_61 = tpu.memref_slice %arg5[%dma_start3A_56, %dma_start3A_60] : memref<8x100xi32, #tpu.memory_space<vmem>> -> memref<1x100xi32, #tpu.memory_space<vmem>>
    %dma_start3A_62 = tpu.memref_squeeze %dma_start3A_61 : memref<1x100xi32, #tpu.memory_space<vmem>> -> memref<100xi32, #tpu.memory_space<vmem>>
    %dma_start3A_63 = arith.constant 0 : i32
    %dma_start3A_64 = arith.constant 0 : i32
    %dma_start3A_65 = tpu.memref_slice %arg3[%dma_start3A_63, %dma_start3A_64] : memref<2000000x64xf32, #tpu.memory_space<hbm>> -> memref<2000000x64xf32, #tpu.memory_space<hbm>>
    tpu.enqueue_indirect_dma source(%dma_start3A_65 : memref<2000000x64xf32, #tpu.memory_space<hbm>>) target(%dma_start3A_59 : memref<100x64xf32, #tpu.memory_space<vmem>>) offsets(%dma_start3A_62 : memref<100xi32, #tpu.memory_space<vmem>>) semaphore(%arg10 : memref<!tpu.dma_semaphore, #tpu.memory_space<semaphore_mem>>)
    %dma_start3A_66 = arith.constant 6 : i32
    %dma_start3A_67 = arith.constant 600 : i32
    %dma_start3A_68 = arith.constant 0 : i32
    %dma_start3A_69 = tpu.memref_slice %arg7[%dma_start3A_67, %dma_start3A_68] : memref<800x64xf32, #tpu.memory_space<vmem>> -> memref<100x64xf32, #tpu.memory_space<vmem>>
    %dma_start3A_70 = arith.constant 0 : i32
    %dma_start3A_71 = tpu.memref_slice %arg5[%dma_start3A_66, %dma_start3A_70] : memref<8x100xi32, #tpu.memory_space<vmem>> -> memref<1x100xi32, #tpu.memory_space<vmem>>
    %dma_start3A_72 = tpu.memref_squeeze %dma_start3A_71 : memref<1x100xi32, #tpu.memory_space<vmem>> -> memref<100xi32, #tpu.memory_space<vmem>>
    %dma_start3A_73 = arith.constant 0 : i32
    %dma_start3A_74 = arith.constant 0 : i32
    %dma_start3A_75 = tpu.memref_slice %arg3[%dma_start3A_73, %dma_start3A_74] : memref<2000000x64xf32, #tpu.memory_space<hbm>> -> memref<2000000x64xf32, #tpu.memory_space<hbm>>
    tpu.enqueue_indirect_dma source(%dma_start3A_75 : memref<2000000x64xf32, #tpu.memory_space<hbm>>) target(%dma_start3A_69 : memref<100x64xf32, #tpu.memory_space<vmem>>) offsets(%dma_start3A_72 : memref<100xi32, #tpu.memory_space<vmem>>) semaphore(%arg10 : memref<!tpu.dma_semaphore, #tpu.memory_space<semaphore_mem>>)
    %dma_start3A_76 = arith.constant 7 : i32
    %dma_start3A_77 = arith.constant 700 : i32
    %dma_start3A_78 = arith.constant 0 : i32
    %dma_start3A_79 = tpu.memref_slice %arg7[%dma_start3A_77, %dma_start3A_78] : memref<800x64xf32, #tpu.memory_space<vmem>> -> memref<100x64xf32, #tpu.memory_space<vmem>>
    %dma_start3A_80 = arith.constant 0 : i32
    %dma_start3A_81 = tpu.memref_slice %arg5[%dma_start3A_76, %dma_start3A_80] : memref<8x100xi32, #tpu.memory_space<vmem>> -> memref<1x100xi32, #tpu.memory_space<vmem>>
    %dma_start3A_82 = tpu.memref_squeeze %dma_start3A_81 : memref<1x100xi32, #tpu.memory_space<vmem>> -> memref<100xi32, #tpu.memory_space<vmem>>
    %dma_start3A_83 = arith.constant 0 : i32
    %dma_start3A_84 = arith.constant 0 : i32
    %dma_start3A_85 = tpu.memref_slice %arg3[%dma_start3A_83, %dma_start3A_84] : memref<2000000x64xf32, #tpu.memory_space<hbm>> -> memref<2000000x64xf32, #tpu.memory_space<hbm>>
    tpu.enqueue_indirect_dma source(%dma_start3A_85 : memref<2000000x64xf32, #tpu.memory_space<hbm>>) target(%dma_start3A_79 : memref<100x64xf32, #tpu.memory_space<vmem>>) offsets(%dma_start3A_82 : memref<100xi32, #tpu.memory_space<vmem>>) semaphore(%arg10 : memref<!tpu.dma_semaphore, #tpu.memory_space<semaphore_mem>>)
    %scan3A = arith.constant 0 : i32
    %scan3A_86 = arith.constant 64 : i32
    %scan3A_87 = arith.addi %scan3A, %scan3A_86 : i32
    %scan3A_88 = arith.constant 1 : i32
    scf.for %scan3A_90 = %scan3A to %scan3A_87 step %scan3A_88  : i32 {
      %mul3A_91 = arith.constant 2 : i32
      %mul3A_92 = arith.muli %mul3A_91, %scan3A_90 : i32
      %add3A_93 = arith.constant 1 : i32
      %add3A_94 = arith.addi %mul3A_92, %add3A_93 : i32
      %mul3A_95 = arith.constant 4 : i32
      %mul3A_96 = arith.muli %add3A_94, %mul3A_95 : i32
      %add3A_97 = arith.addi %mul3A_2, %mul3A_96 : i32
      %mul3A_98 = arith.constant 2 : i32
      %mul3A_99 = arith.muli %add3A_97, %mul3A_98 : i32
      "tpu.region"() ({
        %run_scoped3A = tpu.sem_alloc : memref<!tpu.dma_semaphore, #tpu.memory_space<semaphore_mem>>
        %dma_start3A_553 = arith.constant 0 : i32
        %dma_start3A_554 = tpu.memref_slice %arg2[%mul3A_99, %dma_start3A_553] : memref<32768x100xi32, #tpu.memory_space<hbm>> -> memref<8x100xi32, #tpu.memory_space<hbm>>
        %dma_start3A_555 = arith.constant 0 : i32
        %dma_start3A_556 = tpu.memref_slice %arg2[%mul3A_99, %dma_start3A_555] : memref<32768x100xi32, #tpu.memory_space<hbm>> -> memref<8x100xi32, #tpu.memory_space<hbm>>
        tpu.enqueue_dma source(%dma_start3A_556 : memref<8x100xi32, #tpu.memory_space<hbm>>) target(%arg6 : memref<8x100xi32, #tpu.memory_space<vmem>>) target_semaphore(%run_scoped3A : memref<!tpu.dma_semaphore, #tpu.memory_space<semaphore_mem>>)
        %dma_wait3A_557 = arith.constant 0 : i32
        %dma_wait3A_558 = tpu.memref_slice %arg2[%mul3A_99, %dma_wait3A_557] : memref<32768x100xi32, #tpu.memory_space<hbm>> -> memref<8x100xi32, #tpu.memory_space<hbm>>
        %dma_wait3A_559 = arith.constant 0 : i32
        %dma_wait3A_560 = tpu.memref_slice %arg2[%mul3A_99, %dma_wait3A_559] : memref<32768x100xi32, #tpu.memory_space<hbm>> -> memref<8x100xi32, #tpu.memory_space<hbm>>
        tpu.wait_dma2 semaphore(%run_scoped3A : memref<!tpu.dma_semaphore, #tpu.memory_space<semaphore_mem>>) src(%dma_wait3A_560 : memref<8x100xi32, #tpu.memory_space<hbm>>) dst(%arg6 : memref<8x100xi32, #tpu.memory_space<vmem>>)
        tpu.yield
      }) : () -> ()
      %dma_start3A_100 = arith.constant 0 : i32
      %dma_start3A_101 = arith.constant 0 : i32
      %dma_start3A_102 = arith.constant 0 : i32
      %dma_start3A_103 = tpu.memref_slice %arg8[%dma_start3A_101, %dma_start3A_102] : memref<800x64xf32, #tpu.memory_space<vmem>> -> memref<100x64xf32, #tpu.memory_space<vmem>>
      %dma_start3A_104 = arith.constant 0 : i32
      %dma_start3A_105 = tpu.memref_slice %arg6[%dma_start3A_100, %dma_start3A_104] : memref<8x100xi32, #tpu.memory_space<vmem>> -> memref<1x100xi32, #tpu.memory_space<vmem>>
      %dma_start3A_106 = tpu.memref_squeeze %dma_start3A_105 : memref<1x100xi32, #tpu.memory_space<vmem>> -> memref<100xi32, #tpu.memory_space<vmem>>
      %dma_start3A_107 = arith.constant 0 : i32
      %dma_start3A_108 = arith.constant 0 : i32
      %dma_start3A_109 = tpu.memref_slice %arg3[%dma_start3A_107, %dma_start3A_108] : memref<2000000x64xf32, #tpu.memory_space<hbm>> -> memref<2000000x64xf32, #tpu.memory_space<hbm>>
      tpu.enqueue_indirect_dma source(%dma_start3A_109 : memref<2000000x64xf32, #tpu.memory_space<hbm>>) target(%dma_start3A_103 : memref<100x64xf32, #tpu.memory_space<vmem>>) offsets(%dma_start3A_106 : memref<100xi32, #tpu.memory_space<vmem>>) semaphore(%arg11 : memref<!tpu.dma_semaphore, #tpu.memory_space<semaphore_mem>>)
      %dma_start3A_110 = arith.constant 1 : i32
      %dma_start3A_111 = arith.constant 100 : i32
      %dma_start3A_112 = arith.constant 0 : i32
      %dma_start3A_113 = tpu.memref_slice %arg8[%dma_start3A_111, %dma_start3A_112] : memref<800x64xf32, #tpu.memory_space<vmem>> -> memref<100x64xf32, #tpu.memory_space<vmem>>
      %dma_start3A_114 = arith.constant 0 : i32
      %dma_start3A_115 = tpu.memref_slice %arg6[%dma_start3A_110, %dma_start3A_114] : memref<8x100xi32, #tpu.memory_space<vmem>> -> memref<1x100xi32, #tpu.memory_space<vmem>>
      %dma_start3A_116 = tpu.memref_squeeze %dma_start3A_115 : memref<1x100xi32, #tpu.memory_space<vmem>> -> memref<100xi32, #tpu.memory_space<vmem>>
      %dma_start3A_117 = arith.constant 0 : i32
      %dma_start3A_118 = arith.constant 0 : i32
      %dma_start3A_119 = tpu.memref_slice %arg3[%dma_start3A_117, %dma_start3A_118] : memref<2000000x64xf32, #tpu.memory_space<hbm>> -> memref<2000000x64xf32, #tpu.memory_space<hbm>>
      tpu.enqueue_indirect_dma source(%dma_start3A_119 : memref<2000000x64xf32, #tpu.memory_space<hbm>>) target(%dma_start3A_113 : memref<100x64xf32, #tpu.memory_space<vmem>>) offsets(%dma_start3A_116 : memref<100xi32, #tpu.memory_space<vmem>>) semaphore(%arg11 : memref<!tpu.dma_semaphore, #tpu.memory_space<semaphore_mem>>)
      %dma_start3A_120 = arith.constant 2 : i32
      %dma_start3A_121 = arith.constant 200 : i32
      %dma_start3A_122 = arith.constant 0 : i32
      %dma_start3A_123 = tpu.memref_slice %arg8[%dma_start3A_121, %dma_start3A_122] : memref<800x64xf32, #tpu.memory_space<vmem>> -> memref<100x64xf32, #tpu.memory_space<vmem>>
      %dma_start3A_124 = arith.constant 0 : i32
      %dma_start3A_125 = tpu.memref_slice %arg6[%dma_start3A_120, %dma_start3A_124] : memref<8x100xi32, #tpu.memory_space<vmem>> -> memref<1x100xi32, #tpu.memory_space<vmem>>
      %dma_start3A_126 = tpu.memref_squeeze %dma_start3A_125 : memref<1x100xi32, #tpu.memory_space<vmem>> -> memref<100xi32, #tpu.memory_space<vmem>>
      %dma_start3A_127 = arith.constant 0 : i32
      %dma_start3A_128 = arith.constant 0 : i32
      %dma_start3A_129 = tpu.memref_slice %arg3[%dma_start3A_127, %dma_start3A_128] : memref<2000000x64xf32, #tpu.memory_space<hbm>> -> memref<2000000x64xf32, #tpu.memory_space<hbm>>
      tpu.enqueue_indirect_dma source(%dma_start3A_129 : memref<2000000x64xf32, #tpu.memory_space<hbm>>) target(%dma_start3A_123 : memref<100x64xf32, #tpu.memory_space<vmem>>) offsets(%dma_start3A_126 : memref<100xi32, #tpu.memory_space<vmem>>) semaphore(%arg11 : memref<!tpu.dma_semaphore, #tpu.memory_space<semaphore_mem>>)
      %dma_start3A_130 = arith.constant 3 : i32
      %dma_start3A_131 = arith.constant 300 : i32
      %dma_start3A_132 = arith.constant 0 : i32
      %dma_start3A_133 = tpu.memref_slice %arg8[%dma_start3A_131, %dma_start3A_132] : memref<800x64xf32, #tpu.memory_space<vmem>> -> memref<100x64xf32, #tpu.memory_space<vmem>>
      %dma_start3A_134 = arith.constant 0 : i32
      %dma_start3A_135 = tpu.memref_slice %arg6[%dma_start3A_130, %dma_start3A_134] : memref<8x100xi32, #tpu.memory_space<vmem>> -> memref<1x100xi32, #tpu.memory_space<vmem>>
      %dma_start3A_136 = tpu.memref_squeeze %dma_start3A_135 : memref<1x100xi32, #tpu.memory_space<vmem>> -> memref<100xi32, #tpu.memory_space<vmem>>
      %dma_start3A_137 = arith.constant 0 : i32
      %dma_start3A_138 = arith.constant 0 : i32
      %dma_start3A_139 = tpu.memref_slice %arg3[%dma_start3A_137, %dma_start3A_138] : memref<2000000x64xf32, #tpu.memory_space<hbm>> -> memref<2000000x64xf32, #tpu.memory_space<hbm>>
      tpu.enqueue_indirect_dma source(%dma_start3A_139 : memref<2000000x64xf32, #tpu.memory_space<hbm>>) target(%dma_start3A_133 : memref<100x64xf32, #tpu.memory_space<vmem>>) offsets(%dma_start3A_136 : memref<100xi32, #tpu.memory_space<vmem>>) semaphore(%arg11 : memref<!tpu.dma_semaphore, #tpu.memory_space<semaphore_mem>>)
      %dma_start3A_140 = arith.constant 4 : i32
      %dma_start3A_141 = arith.constant 400 : i32
      %dma_start3A_142 = arith.constant 0 : i32
      %dma_start3A_143 = tpu.memref_slice %arg8[%dma_start3A_141, %dma_start3A_142] : memref<800x64xf32, #tpu.memory_space<vmem>> -> memref<100x64xf32, #tpu.memory_space<vmem>>
      %dma_start3A_144 = arith.constant 0 : i32
      %dma_start3A_145 = tpu.memref_slice %arg6[%dma_start3A_140, %dma_start3A_144] : memref<8x100xi32, #tpu.memory_space<vmem>> -> memref<1x100xi32, #tpu.memory_space<vmem>>
      %dma_start3A_146 = tpu.memref_squeeze %dma_start3A_145 : memref<1x100xi32, #tpu.memory_space<vmem>> -> memref<100xi32, #tpu.memory_space<vmem>>
      %dma_start3A_147 = arith.constant 0 : i32
      %dma_start3A_148 = arith.constant 0 : i32
      %dma_start3A_149 = tpu.memref_slice %arg3[%dma_start3A_147, %dma_start3A_148] : memref<2000000x64xf32, #tpu.memory_space<hbm>> -> memref<2000000x64xf32, #tpu.memory_space<hbm>>
      tpu.enqueue_indirect_dma source(%dma_start3A_149 : memref<2000000x64xf32, #tpu.memory_space<hbm>>) target(%dma_start3A_143 : memref<100x64xf32, #tpu.memory_space<vmem>>) offsets(%dma_start3A_146 : memref<100xi32, #tpu.memory_space<vmem>>) semaphore(%arg11 : memref<!tpu.dma_semaphore, #tpu.memory_space<semaphore_mem>>)
      %dma_start3A_150 = arith.constant 5 : i32
      %dma_start3A_151 = arith.constant 500 : i32
      %dma_start3A_152 = arith.constant 0 : i32
      %dma_start3A_153 = tpu.memref_slice %arg8[%dma_start3A_151, %dma_start3A_152] : memref<800x64xf32, #tpu.memory_space<vmem>> -> memref<100x64xf32, #tpu.memory_space<vmem>>
      %dma_start3A_154 = arith.constant 0 : i32
      %dma_start3A_155 = tpu.memref_slice %arg6[%dma_start3A_150, %dma_start3A_154] : memref<8x100xi32, #tpu.memory_space<vmem>> -> memref<1x100xi32, #tpu.memory_space<vmem>>
      %dma_start3A_156 = tpu.memref_squeeze %dma_start3A_155 : memref<1x100xi32, #tpu.memory_space<vmem>> -> memref<100xi32, #tpu.memory_space<vmem>>
      %dma_start3A_157 = arith.constant 0 : i32
      %dma_start3A_158 = arith.constant 0 : i32
      %dma_start3A_159 = tpu.memref_slice %arg3[%dma_start3A_157, %dma_start3A_158] : memref<2000000x64xf32, #tpu.memory_space<hbm>> -> memref<2000000x64xf32, #tpu.memory_space<hbm>>
      tpu.enqueue_indirect_dma source(%dma_start3A_159 : memref<2000000x64xf32, #tpu.memory_space<hbm>>) target(%dma_start3A_153 : memref<100x64xf32, #tpu.memory_space<vmem>>) offsets(%dma_start3A_156 : memref<100xi32, #tpu.memory_space<vmem>>) semaphore(%arg11 : memref<!tpu.dma_semaphore, #tpu.memory_space<semaphore_mem>>)
      %dma_start3A_160 = arith.constant 6 : i32
      %dma_start3A_161 = arith.constant 600 : i32
      %dma_start3A_162 = arith.constant 0 : i32
      %dma_start3A_163 = tpu.memref_slice %arg8[%dma_start3A_161, %dma_start3A_162] : memref<800x64xf32, #tpu.memory_space<vmem>> -> memref<100x64xf32, #tpu.memory_space<vmem>>
      %dma_start3A_164 = arith.constant 0 : i32
      %dma_start3A_165 = tpu.memref_slice %arg6[%dma_start3A_160, %dma_start3A_164] : memref<8x100xi32, #tpu.memory_space<vmem>> -> memref<1x100xi32, #tpu.memory_space<vmem>>
      %dma_start3A_166 = tpu.memref_squeeze %dma_start3A_165 : memref<1x100xi32, #tpu.memory_space<vmem>> -> memref<100xi32, #tpu.memory_space<vmem>>
      %dma_start3A_167 = arith.constant 0 : i32
      %dma_start3A_168 = arith.constant 0 : i32
      %dma_start3A_169 = tpu.memref_slice %arg3[%dma_start3A_167, %dma_start3A_168] : memref<2000000x64xf32, #tpu.memory_space<hbm>> -> memref<2000000x64xf32, #tpu.memory_space<hbm>>
      tpu.enqueue_indirect_dma source(%dma_start3A_169 : memref<2000000x64xf32, #tpu.memory_space<hbm>>) target(%dma_start3A_163 : memref<100x64xf32, #tpu.memory_space<vmem>>) offsets(%dma_start3A_166 : memref<100xi32, #tpu.memory_space<vmem>>) semaphore(%arg11 : memref<!tpu.dma_semaphore, #tpu.memory_space<semaphore_mem>>)
      %dma_start3A_170 = arith.constant 7 : i32
      %dma_start3A_171 = arith.constant 700 : i32
      %dma_start3A_172 = arith.constant 0 : i32
      %dma_start3A_173 = tpu.memref_slice %arg8[%dma_start3A_171, %dma_start3A_172] : memref<800x64xf32, #tpu.memory_space<vmem>> -> memref<100x64xf32, #tpu.memory_space<vmem>>
      %dma_start3A_174 = arith.constant 0 : i32
      %dma_start3A_175 = tpu.memref_slice %arg6[%dma_start3A_170, %dma_start3A_174] : memref<8x100xi32, #tpu.memory_space<vmem>> -> memref<1x100xi32, #tpu.memory_space<vmem>>
      %dma_start3A_176 = tpu.memref_squeeze %dma_start3A_175 : memref<1x100xi32, #tpu.memory_space<vmem>> -> memref<100xi32, #tpu.memory_space<vmem>>
      %dma_start3A_177 = arith.constant 0 : i32
      %dma_start3A_178 = arith.constant 0 : i32
      %dma_start3A_179 = tpu.memref_slice %arg3[%dma_start3A_177, %dma_start3A_178] : memref<2000000x64xf32, #tpu.memory_space<hbm>> -> memref<2000000x64xf32, #tpu.memory_space<hbm>>
      tpu.enqueue_indirect_dma source(%dma_start3A_179 : memref<2000000x64xf32, #tpu.memory_space<hbm>>) target(%dma_start3A_173 : memref<100x64xf32, #tpu.memory_space<vmem>>) offsets(%dma_start3A_176 : memref<100xi32, #tpu.memory_space<vmem>>) semaphore(%arg11 : memref<!tpu.dma_semaphore, #tpu.memory_space<semaphore_mem>>)
      %dma_wait3A = arith.constant 0 : i32
      %dma_wait3A_180 = arith.constant 0 : i32
      %dma_wait3A_181 = tpu.memref_slice %arg3[%dma_wait3A, %dma_wait3A_180] : memref<2000000x64xf32, #tpu.memory_space<hbm>> -> memref<800x64xf32, #tpu.memory_space<hbm>>
      %dma_wait3A_182 = arith.constant 0 : i32
      %dma_wait3A_183 = arith.constant 0 : i32
      %dma_wait3A_184 = tpu.memref_slice %arg3[%dma_wait3A_182, %dma_wait3A_183] : memref<2000000x64xf32, #tpu.memory_space<hbm>> -> memref<800x64xf32, #tpu.memory_space<hbm>>
      tpu.wait_dma2 semaphore(%arg10 : memref<!tpu.dma_semaphore, #tpu.memory_space<semaphore_mem>>) src(%dma_wait3A_184 : memref<800x64xf32, #tpu.memory_space<hbm>>) dst(%arg7 : memref<800x64xf32, #tpu.memory_space<vmem>>)
      %broadcast_in_dim3A = arith.constant 0.000000e+00 : f32
      %broadcast_in_dim3A_185 = vector.broadcast %broadcast_in_dim3A : f32 to vector<16xf32>
      %scan3A_186 = arith.constant 0 : i32
      %scan3A_187 = arith.constant 200 : i32
      %scan3A_188 = arith.addi %scan3A_186, %scan3A_187 : i32
      %scan3A_189 = arith.constant 4 : i32
      %scan3A_190:4 = scf.for %scan3A_553 = %scan3A_186 to %scan3A_188 step %scan3A_189 iter_args(%scan3A_554 = %broadcast_in_dim3A_185, %scan3A_555 = %broadcast_in_dim3A_185, %scan3A_556 = %broadcast_in_dim3A_185, %scan3A_557 = %broadcast_in_dim3A_185) -> (vector<16xf32>, vector<16xf32>, vector<16xf32>, vector<16xf32>)  : i32 {
        %add3A_558 = arith.constant 0 : i32
        %add3A_559 = arith.addi %add3A_558, %scan3A_553 : i32
        %get3A = arith.index_cast %add3A_559 : i32 to index
        %get3A_560 = arith.constant 0 : index
        %get3A_561 = tpu.vector_load %arg7[%get3A, %get3A_560] {strides = array<i32>} : memref<800x64xf32, #tpu.memory_space<vmem>>, vector<1x16xf32>,
        %get3A_562 = vector.shape_cast %get3A_561 : vector<1x16xf32> to vector<16xf32>
        %add3A_563 = arith.addf %scan3A_554, %get3A_562 : vector<16xf32>
        %add3A_564 = arith.constant 0 : i32
        %add3A_565 = arith.addi %add3A_564, %scan3A_553 : i32
        %get3A_566 = arith.index_cast %add3A_565 : i32 to index
        %get3A_567 = arith.constant 16 : index
        %get3A_568 = tpu.vector_load %arg7[%get3A_566, %get3A_567] {strides = array<i32>} : memref<800x64xf32, #tpu.memory_space<vmem>>, vector<1x16xf32>,
        %get3A_569 = vector.shape_cast %get3A_568 : vector<1x16xf32> to vector<16xf32>
        %add3A_570 = arith.addf %scan3A_555, %get3A_569 : vector<16xf32>
        %add3A_571 = arith.constant 0 : i32
        %add3A_572 = arith.addi %add3A_571, %scan3A_553 : i32
        %get3A_573 = arith.index_cast %add3A_572 : i32 to index
        %get3A_574 = arith.constant 32 : index
        %get3A_575 = tpu.vector_load %arg7[%get3A_573, %get3A_574] {strides = array<i32>} : memref<800x64xf32, #tpu.memory_space<vmem>>, vector<1x16xf32>,
        %get3A_576 = vector.shape_cast %get3A_575 : vector<1x16xf32> to vector<16xf32>
        %add3A_577 = arith.addf %scan3A_556, %get3A_576 : vector<16xf32>
        %add3A_578 = arith.constant 0 : i32
        %add3A_579 = arith.addi %add3A_578, %scan3A_553 : i32
        %get3A_580 = arith.index_cast %add3A_579 : i32 to index
        %get3A_581 = arith.constant 48 : index
        %get3A_582 = tpu.vector_load %arg7[%get3A_580, %get3A_581] {strides = array<i32>} : memref<800x64xf32, #tpu.memory_space<vmem>>, vector<1x16xf32>,
        %get3A_583 = vector.shape_cast %get3A_582 : vector<1x16xf32> to vector<16xf32>
        %add3A_584 = arith.addf %scan3A_557, %get3A_583 : vector<16xf32>
        %scan3A_585 = arith.constant 1 : i32
        %scan3A_586 = arith.addi %scan3A_553, %scan3A_585 : i32
        %add3A_587 = arith.constant 0 : i32
        %add3A_588 = arith.addi %add3A_587, %scan3A_586 : i32
        %get3A_589 = arith.index_cast %add3A_588 : i32 to index
        %get3A_590 = arith.constant 0 : index
        %get3A_591 = tpu.vector_load %arg7[%get3A_589, %get3A_590] {strides = array<i32>} : memref<800x64xf32, #tpu.memory_space<vmem>>, vector<1x16xf32>,
        %get3A_592 = vector.shape_cast %get3A_591 : vector<1x16xf32> to vector<16xf32>
        %add3A_593 = arith.addf %add3A_563, %get3A_592 : vector<16xf32>
        %add3A_594 = arith.constant 0 : i32
        %add3A_595 = arith.addi %add3A_594, %scan3A_586 : i32
        %get3A_596 = arith.index_cast %add3A_595 : i32 to index
        %get3A_597 = arith.constant 16 : index
        %get3A_598 = tpu.vector_load %arg7[%get3A_596, %get3A_597] {strides = array<i32>} : memref<800x64xf32, #tpu.memory_space<vmem>>, vector<1x16xf32>,
        %get3A_599 = vector.shape_cast %get3A_598 : vector<1x16xf32> to vector<16xf32>
        %add3A_600 = arith.addf %add3A_570, %get3A_599 : vector<16xf32>
        %add3A_601 = arith.constant 0 : i32
        %add3A_602 = arith.addi %add3A_601, %scan3A_586 : i32
        %get3A_603 = arith.index_cast %add3A_602 : i32 to index
        %get3A_604 = arith.constant 32 : index
        %get3A_605 = tpu.vector_load %arg7[%get3A_603, %get3A_604] {strides = array<i32>} : memref<800x64xf32, #tpu.memory_space<vmem>>, vector<1x16xf32>,
        %get3A_606 = vector.shape_cast %get3A_605 : vector<1x16xf32> to vector<16xf32>
        %add3A_607 = arith.addf %add3A_577, %get3A_606 : vector<16xf32>
        %add3A_608 = arith.constant 0 : i32
        %add3A_609 = arith.addi %add3A_608, %scan3A_586 : i32
        %get3A_610 = arith.index_cast %add3A_609 : i32 to index
        %get3A_611 = arith.constant 48 : index
        %get3A_612 = tpu.vector_load %arg7[%get3A_610, %get3A_611] {strides = array<i32>} : memref<800x64xf32, #tpu.memory_space<vmem>>, vector<1x16xf32>,
        %get3A_613 = vector.shape_cast %get3A_612 : vector<1x16xf32> to vector<16xf32>
        %add3A_614 = arith.addf %add3A_584, %get3A_613 : vector<16xf32>
        %scan3A_615 = arith.constant 2 : i32
        %scan3A_616 = arith.addi %scan3A_553, %scan3A_615 : i32
        %add3A_617 = arith.constant 0 : i32
        %add3A_618 = arith.addi %add3A_617, %scan3A_616 : i32
        %get3A_619 = arith.index_cast %add3A_618 : i32 to index
        %get3A_620 = arith.constant 0 : index
        %get3A_621 = tpu.vector_load %arg7[%get3A_619, %get3A_620] {strides = array<i32>} : memref<800x64xf32, #tpu.memory_space<vmem>>, vector<1x16xf32>,
        %get3A_622 = vector.shape_cast %get3A_621 : vector<1x16xf32> to vector<16xf32>
        %add3A_623 = arith.addf %add3A_593, %get3A_622 : vector<16xf32>
        %add3A_624 = arith.constant 0 : i32
        %add3A_625 = arith.addi %add3A_624, %scan3A_616 : i32
        %get3A_626 = arith.index_cast %add3A_625 : i32 to index
        %get3A_627 = arith.constant 16 : index
        %get3A_628 = tpu.vector_load %arg7[%get3A_626, %get3A_627] {strides = array<i32>} : memref<800x64xf32, #tpu.memory_space<vmem>>, vector<1x16xf32>,
        %get3A_629 = vector.shape_cast %get3A_628 : vector<1x16xf32> to vector<16xf32>
        %add3A_630 = arith.addf %add3A_600, %get3A_629 : vector<16xf32>
        %add3A_631 = arith.constant 0 : i32
        %add3A_632 = arith.addi %add3A_631, %scan3A_616 : i32
        %get3A_633 = arith.index_cast %add3A_632 : i32 to index
        %get3A_634 = arith.constant 32 : index
        %get3A_635 = tpu.vector_load %arg7[%get3A_633, %get3A_634] {strides = array<i32>} : memref<800x64xf32, #tpu.memory_space<vmem>>, vector<1x16xf32>,
        %get3A_636 = vector.shape_cast %get3A_635 : vector<1x16xf32> to vector<16xf32>
        %add3A_637 = arith.addf %add3A_607, %get3A_636 : vector<16xf32>
        %add3A_638 = arith.constant 0 : i32
        %add3A_639 = arith.addi %add3A_638, %scan3A_616 : i32
        %get3A_640 = arith.index_cast %add3A_639 : i32 to index
        %get3A_641 = arith.constant 48 : index
        %get3A_642 = tpu.vector_load %arg7[%get3A_640, %get3A_641] {strides = array<i32>} : memref<800x64xf32, #tpu.memory_space<vmem>>, vector<1x16xf32>,
        %get3A_643 = vector.shape_cast %get3A_642 : vector<1x16xf32> to vector<16xf32>
        %add3A_644 = arith.addf %add3A_614, %get3A_643 : vector<16xf32>
        %scan3A_645 = arith.constant 3 : i32
        %scan3A_646 = arith.addi %scan3A_553, %scan3A_645 : i32
        %add3A_647 = arith.constant 0 : i32
        %add3A_648 = arith.addi %add3A_647, %scan3A_646 : i32
        %get3A_649 = arith.index_cast %add3A_648 : i32 to index
        %get3A_650 = arith.constant 0 : index
        %get3A_651 = tpu.vector_load %arg7[%get3A_649, %get3A_650] {strides = array<i32>} : memref<800x64xf32, #tpu.memory_space<vmem>>, vector<1x16xf32>,
        %get3A_652 = vector.shape_cast %get3A_651 : vector<1x16xf32> to vector<16xf32>
        %add3A_653 = arith.addf %add3A_623, %get3A_652 : vector<16xf32>
        %add3A_654 = arith.constant 0 : i32
        %add3A_655 = arith.addi %add3A_654, %scan3A_646 : i32
        %get3A_656 = arith.index_cast %add3A_655 : i32 to index
        %get3A_657 = arith.constant 16 : index
        %get3A_658 = tpu.vector_load %arg7[%get3A_656, %get3A_657] {strides = array<i32>} : memref<800x64xf32, #tpu.memory_space<vmem>>, vector<1x16xf32>,
        %get3A_659 = vector.shape_cast %get3A_658 : vector<1x16xf32> to vector<16xf32>
        %add3A_660 = arith.addf %add3A_630, %get3A_659 : vector<16xf32>
        %add3A_661 = arith.constant 0 : i32
        %add3A_662 = arith.addi %add3A_661, %scan3A_646 : i32
        %get3A_663 = arith.index_cast %add3A_662 : i32 to index
        %get3A_664 = arith.constant 32 : index
        %get3A_665 = tpu.vector_load %arg7[%get3A_663, %get3A_664] {strides = array<i32>} : memref<800x64xf32, #tpu.memory_space<vmem>>, vector<1x16xf32>,
        %get3A_666 = vector.shape_cast %get3A_665 : vector<1x16xf32> to vector<16xf32>
        %add3A_667 = arith.addf %add3A_637, %get3A_666 : vector<16xf32>
        %add3A_668 = arith.constant 0 : i32
        %add3A_669 = arith.addi %add3A_668, %scan3A_646 : i32
        %get3A_670 = arith.index_cast %add3A_669 : i32 to index
        %get3A_671 = arith.constant 48 : index
        %get3A_672 = tpu.vector_load %arg7[%get3A_670, %get3A_671] {strides = array<i32>} : memref<800x64xf32, #tpu.memory_space<vmem>>, vector<1x16xf32>,
        %get3A_673 = vector.shape_cast %get3A_672 : vector<1x16xf32> to vector<16xf32>
        %add3A_674 = arith.addf %add3A_644, %get3A_673 : vector<16xf32>
        scf.yield %add3A_653, %add3A_660, %add3A_667, %add3A_674 : vector<16xf32>, vector<16xf32>, vector<16xf32>, vector<16xf32>
      }
      %scan3A_191 = arith.constant 200 : i32
      %mul3A_192 = arith.constant 5.000000e-03 : f32
      %mul3A_193 = vector.broadcast %mul3A_192 : f32 to vector<16xf32>
      %mul3A_194 = arith.mulf %scan3A_190#0, %mul3A_193 : vector<16xf32>
      %swap3A = arith.constant 0 : i32
      %swap3A_195 = arith.index_cast %swap3A : i32 to index
      %swap3A_196 = arith.constant 0 : index
      %swap3A_197 = tpu.vector_load %arg9[%swap3A_195, %swap3A_196] {strides = array<i32>} : memref<4x64xf32, #tpu.memory_space<vmem>>, vector<1x16xf32>,
      %swap3A_198 = vector.shape_cast %swap3A_197 : vector<1x16xf32> to vector<16xf32>
      %swap3A_199 = vector.shape_cast %mul3A_194 : vector<16xf32> to vector<1x16xf32>
      tpu.vector_store %arg9[%swap3A_195, %swap3A_196], %swap3A_199 {strides = array<i32>} : memref<4x64xf32, #tpu.memory_space<vmem>>, vector<1x16xf32>,
      %mul3A_200 = arith.constant 5.000000e-03 : f32
      %mul3A_201 = vector.broadcast %mul3A_200 : f32 to vector<16xf32>
      %mul3A_202 = arith.mulf %scan3A_190#1, %mul3A_201 : vector<16xf32>
      %swap3A_203 = arith.constant 0 : i32
      %swap3A_204 = arith.index_cast %swap3A_203 : i32 to index
      %swap3A_205 = arith.constant 16 : index
      %swap3A_206 = tpu.vector_load %arg9[%swap3A_204, %swap3A_205] {strides = array<i32>} : memref<4x64xf32, #tpu.memory_space<vmem>>, vector<1x16xf32>,
      %swap3A_207 = vector.shape_cast %swap3A_206 : vector<1x16xf32> to vector<16xf32>
      %swap3A_208 = vector.shape_cast %mul3A_202 : vector<16xf32> to vector<1x16xf32>
      tpu.vector_store %arg9[%swap3A_204, %swap3A_205], %swap3A_208 {strides = array<i32>} : memref<4x64xf32, #tpu.memory_space<vmem>>, vector<1x16xf32>,
      %mul3A_209 = arith.constant 5.000000e-03 : f32
      %mul3A_210 = vector.broadcast %mul3A_209 : f32 to vector<16xf32>
      %mul3A_211 = arith.mulf %scan3A_190#2, %mul3A_210 : vector<16xf32>
      %swap3A_212 = arith.constant 0 : i32
      %swap3A_213 = arith.index_cast %swap3A_212 : i32 to index
      %swap3A_214 = arith.constant 32 : index
      %swap3A_215 = tpu.vector_load %arg9[%swap3A_213, %swap3A_214] {strides = array<i32>} : memref<4x64xf32, #tpu.memory_space<vmem>>, vector<1x16xf32>,
      %swap3A_216 = vector.shape_cast %swap3A_215 : vector<1x16xf32> to vector<16xf32>
      %swap3A_217 = vector.shape_cast %mul3A_211 : vector<16xf32> to vector<1x16xf32>
      tpu.vector_store %arg9[%swap3A_213, %swap3A_214], %swap3A_217 {strides = array<i32>} : memref<4x64xf32, #tpu.memory_space<vmem>>, vector<1x16xf32>,
      %mul3A_218 = arith.constant 5.000000e-03 : f32
      %mul3A_219 = vector.broadcast %mul3A_218 : f32 to vector<16xf32>
      %mul3A_220 = arith.mulf %scan3A_190#3, %mul3A_219 : vector<16xf32>
      %swap3A_221 = arith.constant 0 : i32
      %swap3A_222 = arith.index_cast %swap3A_221 : i32 to index
      %swap3A_223 = arith.constant 48 : index
      %swap3A_224 = tpu.vector_load %arg9[%swap3A_222, %swap3A_223] {strides = array<i32>} : memref<4x64xf32, #tpu.memory_space<vmem>>, vector<1x16xf32>,
      %swap3A_225 = vector.shape_cast %swap3A_224 : vector<1x16xf32> to vector<16xf32>
      %swap3A_226 = vector.shape_cast %mul3A_220 : vector<16xf32> to vector<1x16xf32>
      tpu.vector_store %arg9[%swap3A_222, %swap3A_223], %swap3A_226 {strides = array<i32>} : memref<4x64xf32, #tpu.memory_space<vmem>>, vector<1x16xf32>,
      %broadcast_in_dim3A_227 = arith.constant 0.000000e+00 : f32
      %broadcast_in_dim3A_228 = vector.broadcast %broadcast_in_dim3A_227 : f32 to vector<16xf32>
      %scan3A_229 = arith.constant 0 : i32
      %scan3A_230 = arith.constant 200 : i32
      %scan3A_231 = arith.addi %scan3A_229, %scan3A_230 : i32
      %scan3A_232 = arith.constant 4 : i32
      %scan3A_233:4 = scf.for %scan3A_553 = %scan3A_229 to %scan3A_231 step %scan3A_232 iter_args(%scan3A_554 = %broadcast_in_dim3A_228, %scan3A_555 = %broadcast_in_dim3A_228, %scan3A_556 = %broadcast_in_dim3A_228, %scan3A_557 = %broadcast_in_dim3A_228) -> (vector<16xf32>, vector<16xf32>, vector<16xf32>, vector<16xf32>)  : i32 {
        %add3A_558 = arith.constant 200 : i32
        %add3A_559 = arith.addi %add3A_558, %scan3A_553 : i32
        %get3A = arith.index_cast %add3A_559 : i32 to index
        %get3A_560 = arith.constant 0 : index
        %get3A_561 = tpu.vector_load %arg7[%get3A, %get3A_560] {strides = array<i32>} : memref<800x64xf32, #tpu.memory_space<vmem>>, vector<1x16xf32>,
        %get3A_562 = vector.shape_cast %get3A_561 : vector<1x16xf32> to vector<16xf32>
        %add3A_563 = arith.addf %scan3A_554, %get3A_562 : vector<16xf32>
        %add3A_564 = arith.constant 200 : i32
        %add3A_565 = arith.addi %add3A_564, %scan3A_553 : i32
        %get3A_566 = arith.index_cast %add3A_565 : i32 to index
        %get3A_567 = arith.constant 16 : index
        %get3A_568 = tpu.vector_load %arg7[%get3A_566, %get3A_567] {strides = array<i32>} : memref<800x64xf32, #tpu.memory_space<vmem>>, vector<1x16xf32>,
        %get3A_569 = vector.shape_cast %get3A_568 : vector<1x16xf32> to vector<16xf32>
        %add3A_570 = arith.addf %scan3A_555, %get3A_569 : vector<16xf32>
        %add3A_571 = arith.constant 200 : i32
        %add3A_572 = arith.addi %add3A_571, %scan3A_553 : i32
        %get3A_573 = arith.index_cast %add3A_572 : i32 to index
        %get3A_574 = arith.constant 32 : index
        %get3A_575 = tpu.vector_load %arg7[%get3A_573, %get3A_574] {strides = array<i32>} : memref<800x64xf32, #tpu.memory_space<vmem>>, vector<1x16xf32>,
        %get3A_576 = vector.shape_cast %get3A_575 : vector<1x16xf32> to vector<16xf32>
        %add3A_577 = arith.addf %scan3A_556, %get3A_576 : vector<16xf32>
        %add3A_578 = arith.constant 200 : i32
        %add3A_579 = arith.addi %add3A_578, %scan3A_553 : i32
        %get3A_580 = arith.index_cast %add3A_579 : i32 to index
        %get3A_581 = arith.constant 48 : index
        %get3A_582 = tpu.vector_load %arg7[%get3A_580, %get3A_581] {strides = array<i32>} : memref<800x64xf32, #tpu.memory_space<vmem>>, vector<1x16xf32>,
        %get3A_583 = vector.shape_cast %get3A_582 : vector<1x16xf32> to vector<16xf32>
        %add3A_584 = arith.addf %scan3A_557, %get3A_583 : vector<16xf32>
        %scan3A_585 = arith.constant 1 : i32
        %scan3A_586 = arith.addi %scan3A_553, %scan3A_585 : i32
        %add3A_587 = arith.constant 200 : i32
        %add3A_588 = arith.addi %add3A_587, %scan3A_586 : i32
        %get3A_589 = arith.index_cast %add3A_588 : i32 to index
        %get3A_590 = arith.constant 0 : index
        %get3A_591 = tpu.vector_load %arg7[%get3A_589, %get3A_590] {strides = array<i32>} : memref<800x64xf32, #tpu.memory_space<vmem>>, vector<1x16xf32>,
        %get3A_592 = vector.shape_cast %get3A_591 : vector<1x16xf32> to vector<16xf32>
        %add3A_593 = arith.addf %add3A_563, %get3A_592 : vector<16xf32>
        %add3A_594 = arith.constant 200 : i32
        %add3A_595 = arith.addi %add3A_594, %scan3A_586 : i32
        %get3A_596 = arith.index_cast %add3A_595 : i32 to index
        %get3A_597 = arith.constant 16 : index
        %get3A_598 = tpu.vector_load %arg7[%get3A_596, %get3A_597] {strides = array<i32>} : memref<800x64xf32, #tpu.memory_space<vmem>>, vector<1x16xf32>,
        %get3A_599 = vector.shape_cast %get3A_598 : vector<1x16xf32> to vector<16xf32>
        %add3A_600 = arith.addf %add3A_570, %get3A_599 : vector<16xf32>
        %add3A_601 = arith.constant 200 : i32
        %add3A_602 = arith.addi %add3A_601, %scan3A_586 : i32
        %get3A_603 = arith.index_cast %add3A_602 : i32 to index
        %get3A_604 = arith.constant 32 : index
        %get3A_605 = tpu.vector_load %arg7[%get3A_603, %get3A_604] {strides = array<i32>} : memref<800x64xf32, #tpu.memory_space<vmem>>, vector<1x16xf32>,
        %get3A_606 = vector.shape_cast %get3A_605 : vector<1x16xf32> to vector<16xf32>
        %add3A_607 = arith.addf %add3A_577, %get3A_606 : vector<16xf32>
        %add3A_608 = arith.constant 200 : i32
        %add3A_609 = arith.addi %add3A_608, %scan3A_586 : i32
        %get3A_610 = arith.index_cast %add3A_609 : i32 to index
        %get3A_611 = arith.constant 48 : index
        %get3A_612 = tpu.vector_load %arg7[%get3A_610, %get3A_611] {strides = array<i32>} : memref<800x64xf32, #tpu.memory_space<vmem>>, vector<1x16xf32>,
        %get3A_613 = vector.shape_cast %get3A_612 : vector<1x16xf32> to vector<16xf32>
        %add3A_614 = arith.addf %add3A_584, %get3A_613 : vector<16xf32>
        %scan3A_615 = arith.constant 2 : i32
        %scan3A_616 = arith.addi %scan3A_553, %scan3A_615 : i32
        %add3A_617 = arith.constant 200 : i32
        %add3A_618 = arith.addi %add3A_617, %scan3A_616 : i32
        %get3A_619 = arith.index_cast %add3A_618 : i32 to index
        %get3A_620 = arith.constant 0 : index
        %get3A_621 = tpu.vector_load %arg7[%get3A_619, %get3A_620] {strides = array<i32>} : memref<800x64xf32, #tpu.memory_space<vmem>>, vector<1x16xf32>,
        %get3A_622 = vector.shape_cast %get3A_621 : vector<1x16xf32> to vector<16xf32>
        %add3A_623 = arith.addf %add3A_593, %get3A_622 : vector<16xf32>
        %add3A_624 = arith.constant 200 : i32
        %add3A_625 = arith.addi %add3A_624, %scan3A_616 : i32
        %get3A_626 = arith.index_cast %add3A_625 : i32 to index
        %get3A_627 = arith.constant 16 : index
        %get3A_628 = tpu.vector_load %arg7[%get3A_626, %get3A_627] {strides = array<i32>} : memref<800x64xf32, #tpu.memory_space<vmem>>, vector<1x16xf32>,
        %get3A_629 = vector.shape_cast %get3A_628 : vector<1x16xf32> to vector<16xf32>
        %add3A_630 = arith.addf %add3A_600, %get3A_629 : vector<16xf32>
        %add3A_631 = arith.constant 200 : i32
        %add3A_632 = arith.addi %add3A_631, %scan3A_616 : i32
        %get3A_633 = arith.index_cast %add3A_632 : i32 to index
        %get3A_634 = arith.constant 32 : index
        %get3A_635 = tpu.vector_load %arg7[%get3A_633, %get3A_634] {strides = array<i32>} : memref<800x64xf32, #tpu.memory_space<vmem>>, vector<1x16xf32>,
        %get3A_636 = vector.shape_cast %get3A_635 : vector<1x16xf32> to vector<16xf32>
        %add3A_637 = arith.addf %add3A_607, %get3A_636 : vector<16xf32>
        %add3A_638 = arith.constant 200 : i32
        %add3A_639 = arith.addi %add3A_638, %scan3A_616 : i32
        %get3A_640 = arith.index_cast %add3A_639 : i32 to index
        %get3A_641 = arith.constant 48 : index
        %get3A_642 = tpu.vector_load %arg7[%get3A_640, %get3A_641] {strides = array<i32>} : memref<800x64xf32, #tpu.memory_space<vmem>>, vector<1x16xf32>,
        %get3A_643 = vector.shape_cast %get3A_642 : vector<1x16xf32> to vector<16xf32>
        %add3A_644 = arith.addf %add3A_614, %get3A_643 : vector<16xf32>
        %scan3A_645 = arith.constant 3 : i32
        %scan3A_646 = arith.addi %scan3A_553, %scan3A_645 : i32
        %add3A_647 = arith.constant 200 : i32
        %add3A_648 = arith.addi %add3A_647, %scan3A_646 : i32
        %get3A_649 = arith.index_cast %add3A_648 : i32 to index
        %get3A_650 = arith.constant 0 : index
        %get3A_651 = tpu.vector_load %arg7[%get3A_649, %get3A_650] {strides = array<i32>} : memref<800x64xf32, #tpu.memory_space<vmem>>, vector<1x16xf32>,
        %get3A_652 = vector.shape_cast %get3A_651 : vector<1x16xf32> to vector<16xf32>
        %add3A_653 = arith.addf %add3A_623, %get3A_652 : vector<16xf32>
        %add3A_654 = arith.constant 200 : i32
        %add3A_655 = arith.addi %add3A_654, %scan3A_646 : i32
        %get3A_656 = arith.index_cast %add3A_655 : i32 to index
        %get3A_657 = arith.constant 16 : index
        %get3A_658 = tpu.vector_load %arg7[%get3A_656, %get3A_657] {strides = array<i32>} : memref<800x64xf32, #tpu.memory_space<vmem>>, vector<1x16xf32>,
        %get3A_659 = vector.shape_cast %get3A_658 : vector<1x16xf32> to vector<16xf32>
        %add3A_660 = arith.addf %add3A_630, %get3A_659 : vector<16xf32>
        %add3A_661 = arith.constant 200 : i32
        %add3A_662 = arith.addi %add3A_661, %scan3A_646 : i32
        %get3A_663 = arith.index_cast %add3A_662 : i32 to index
        %get3A_664 = arith.constant 32 : index
        %get3A_665 = tpu.vector_load %arg7[%get3A_663, %get3A_664] {strides = array<i32>} : memref<800x64xf32, #tpu.memory_space<vmem>>, vector<1x16xf32>,
        %get3A_666 = vector.shape_cast %get3A_665 : vector<1x16xf32> to vector<16xf32>
        %add3A_667 = arith.addf %add3A_637, %get3A_666 : vector<16xf32>
        %add3A_668 = arith.constant 200 : i32
        %add3A_669 = arith.addi %add3A_668, %scan3A_646 : i32
        %get3A_670 = arith.index_cast %add3A_669 : i32 to index
        %get3A_671 = arith.constant 48 : index
        %get3A_672 = tpu.vector_load %arg7[%get3A_670, %get3A_671] {strides = array<i32>} : memref<800x64xf32, #tpu.memory_space<vmem>>, vector<1x16xf32>,
        %get3A_673 = vector.shape_cast %get3A_672 : vector<1x16xf32> to vector<16xf32>
        %add3A_674 = arith.addf %add3A_644, %get3A_673 : vector<16xf32>
        scf.yield %add3A_653, %add3A_660, %add3A_667, %add3A_674 : vector<16xf32>, vector<16xf32>, vector<16xf32>, vector<16xf32>
      }
      %scan3A_234 = arith.constant 200 : i32
      %mul3A_235 = arith.constant 5.000000e-03 : f32
      %mul3A_236 = vector.broadcast %mul3A_235 : f32 to vector<16xf32>
      %mul3A_237 = arith.mulf %scan3A_233#0, %mul3A_236 : vector<16xf32>
      %swap3A_238 = arith.constant 1 : i32
      %swap3A_239 = arith.index_cast %swap3A_238 : i32 to index
      %swap3A_240 = arith.constant 0 : index
      %swap3A_241 = tpu.vector_load %arg9[%swap3A_239, %swap3A_240] {strides = array<i32>} : memref<4x64xf32, #tpu.memory_space<vmem>>, vector<1x16xf32>,
      %swap3A_242 = vector.shape_cast %swap3A_241 : vector<1x16xf32> to vector<16xf32>
      %swap3A_243 = vector.shape_cast %mul3A_237 : vector<16xf32> to vector<1x16xf32>
      tpu.vector_store %arg9[%swap3A_239, %swap3A_240], %swap3A_243 {strides = array<i32>} : memref<4x64xf32, #tpu.memory_space<vmem>>, vector<1x16xf32>,
      %mul3A_244 = arith.constant 5.000000e-03 : f32
      %mul3A_245 = vector.broadcast %mul3A_244 : f32 to vector<16xf32>
      %mul3A_246 = arith.mulf %scan3A_233#1, %mul3A_245 : vector<16xf32>
      %swap3A_247 = arith.constant 1 : i32
      %swap3A_248 = arith.index_cast %swap3A_247 : i32 to index
      %swap3A_249 = arith.constant 16 : index
      %swap3A_250 = tpu.vector_load %arg9[%swap3A_248, %swap3A_249] {strides = array<i32>} : memref<4x64xf32, #tpu.memory_space<vmem>>, vector<1x16xf32>,
      %swap3A_251 = vector.shape_cast %swap3A_250 : vector<1x16xf32> to vector<16xf32>
      %swap3A_252 = vector.shape_cast %mul3A_246 : vector<16xf32> to vector<1x16xf32>
      tpu.vector_store %arg9[%swap3A_248, %swap3A_249], %swap3A_252 {strides = array<i32>} : memref<4x64xf32, #tpu.memory_space<vmem>>, vector<1x16xf32>,
      %mul3A_253 = arith.constant 5.000000e-03 : f32
      %mul3A_254 = vector.broadcast %mul3A_253 : f32 to vector<16xf32>
      %mul3A_255 = arith.mulf %scan3A_233#2, %mul3A_254 : vector<16xf32>
      %swap3A_256 = arith.constant 1 : i32
      %swap3A_257 = arith.index_cast %swap3A_256 : i32 to index
      %swap3A_258 = arith.constant 32 : index
      %swap3A_259 = tpu.vector_load %arg9[%swap3A_257, %swap3A_258] {strides = array<i32>} : memref<4x64xf32, #tpu.memory_space<vmem>>, vector<1x16xf32>,
      %swap3A_260 = vector.shape_cast %swap3A_259 : vector<1x16xf32> to vector<16xf32>
      %swap3A_261 = vector.shape_cast %mul3A_255 : vector<16xf32> to vector<1x16xf32>
      tpu.vector_store %arg9[%swap3A_257, %swap3A_258], %swap3A_261 {strides = array<i32>} : memref<4x64xf32, #tpu.memory_space<vmem>>, vector<1x16xf32>,
      %mul3A_262 = arith.constant 5.000000e-03 : f32
      %mul3A_263 = vector.broadcast %mul3A_262 : f32 to vector<16xf32>
      %mul3A_264 = arith.mulf %scan3A_233#3, %mul3A_263 : vector<16xf32>
      %swap3A_265 = arith.constant 1 : i32
      %swap3A_266 = arith.index_cast %swap3A_265 : i32 to index
      %swap3A_267 = arith.constant 48 : index
      %swap3A_268 = tpu.vector_load %arg9[%swap3A_266, %swap3A_267] {strides = array<i32>} : memref<4x64xf32, #tpu.memory_space<vmem>>, vector<1x16xf32>,
      %swap3A_269 = vector.shape_cast %swap3A_268 : vector<1x16xf32> to vector<16xf32>
      %swap3A_270 = vector.shape_cast %mul3A_264 : vector<16xf32> to vector<1x16xf32>
      tpu.vector_store %arg9[%swap3A_266, %swap3A_267], %swap3A_270 {strides = array<i32>} : memref<4x64xf32, #tpu.memory_space<vmem>>, vector<1x16xf32>,
      %broadcast_in_dim3A_271 = arith.constant 0.000000e+00 : f32
      %broadcast_in_dim3A_272 = vector.broadcast %broadcast_in_dim3A_271 : f32 to vector<16xf32>
      %scan3A_273 = arith.constant 0 : i32
      %scan3A_274 = arith.constant 200 : i32
      %scan3A_275 = arith.addi %scan3A_273, %scan3A_274 : i32
      %scan3A_276 = arith.constant 4 : i32
      %scan3A_277:4 = scf.for %scan3A_553 = %scan3A_273 to %scan3A_275 step %scan3A_276 iter_args(%scan3A_554 = %broadcast_in_dim3A_272, %scan3A_555 = %broadcast_in_dim3A_272, %scan3A_556 = %broadcast_in_dim3A_272, %scan3A_557 = %broadcast_in_dim3A_272) -> (vector<16xf32>, vector<16xf32>, vector<16xf32>, vector<16xf32>)  : i32 {
        %add3A_558 = arith.constant 400 : i32
        %add3A_559 = arith.addi %add3A_558, %scan3A_553 : i32
        %get3A = arith.index_cast %add3A_559 : i32 to index
        %get3A_560 = arith.constant 0 : index
        %get3A_561 = tpu.vector_load %arg7[%get3A, %get3A_560] {strides = array<i32>} : memref<800x64xf32, #tpu.memory_space<vmem>>, vector<1x16xf32>,
        %get3A_562 = vector.shape_cast %get3A_561 : vector<1x16xf32> to vector<16xf32>
        %add3A_563 = arith.addf %scan3A_554, %get3A_562 : vector<16xf32>
        %add3A_564 = arith.constant 400 : i32
        %add3A_565 = arith.addi %add3A_564, %scan3A_553 : i32
        %get3A_566 = arith.index_cast %add3A_565 : i32 to index
        %get3A_567 = arith.constant 16 : index
        %get3A_568 = tpu.vector_load %arg7[%get3A_566, %get3A_567] {strides = array<i32>} : memref<800x64xf32, #tpu.memory_space<vmem>>, vector<1x16xf32>,
        %get3A_569 = vector.shape_cast %get3A_568 : vector<1x16xf32> to vector<16xf32>
        %add3A_570 = arith.addf %scan3A_555, %get3A_569 : vector<16xf32>
        %add3A_571 = arith.constant 400 : i32
        %add3A_572 = arith.addi %add3A_571, %scan3A_553 : i32
        %get3A_573 = arith.index_cast %add3A_572 : i32 to index
        %get3A_574 = arith.constant 32 : index
        %get3A_575 = tpu.vector_load %arg7[%get3A_573, %get3A_574] {strides = array<i32>} : memref<800x64xf32, #tpu.memory_space<vmem>>, vector<1x16xf32>,
        %get3A_576 = vector.shape_cast %get3A_575 : vector<1x16xf32> to vector<16xf32>
        %add3A_577 = arith.addf %scan3A_556, %get3A_576 : vector<16xf32>
        %add3A_578 = arith.constant 400 : i32
        %add3A_579 = arith.addi %add3A_578, %scan3A_553 : i32
        %get3A_580 = arith.index_cast %add3A_579 : i32 to index
        %get3A_581 = arith.constant 48 : index
        %get3A_582 = tpu.vector_load %arg7[%get3A_580, %get3A_581] {strides = array<i32>} : memref<800x64xf32, #tpu.memory_space<vmem>>, vector<1x16xf32>,
        %get3A_583 = vector.shape_cast %get3A_582 : vector<1x16xf32> to vector<16xf32>
        %add3A_584 = arith.addf %scan3A_557, %get3A_583 : vector<16xf32>
        %scan3A_585 = arith.constant 1 : i32
        %scan3A_586 = arith.addi %scan3A_553, %scan3A_585 : i32
        %add3A_587 = arith.constant 400 : i32
        %add3A_588 = arith.addi %add3A_587, %scan3A_586 : i32
        %get3A_589 = arith.index_cast %add3A_588 : i32 to index
        %get3A_590 = arith.constant 0 : index
        %get3A_591 = tpu.vector_load %arg7[%get3A_589, %get3A_590] {strides = array<i32>} : memref<800x64xf32, #tpu.memory_space<vmem>>, vector<1x16xf32>,
        %get3A_592 = vector.shape_cast %get3A_591 : vector<1x16xf32> to vector<16xf32>
        %add3A_593 = arith.addf %add3A_563, %get3A_592 : vector<16xf32>
        %add3A_594 = arith.constant 400 : i32
        %add3A_595 = arith.addi %add3A_594, %scan3A_586 : i32
        %get3A_596 = arith.index_cast %add3A_595 : i32 to index
        %get3A_597 = arith.constant 16 : index
        %get3A_598 = tpu.vector_load %arg7[%get3A_596, %get3A_597] {strides = array<i32>} : memref<800x64xf32, #tpu.memory_space<vmem>>, vector<1x16xf32>,
        %get3A_599 = vector.shape_cast %get3A_598 : vector<1x16xf32> to vector<16xf32>
        %add3A_600 = arith.addf %add3A_570, %get3A_599 : vector<16xf32>
        %add3A_601 = arith.constant 400 : i32
        %add3A_602 = arith.addi %add3A_601, %scan3A_586 : i32
        %get3A_603 = arith.index_cast %add3A_602 : i32 to index
        %get3A_604 = arith.constant 32 : index
        %get3A_605 = tpu.vector_load %arg7[%get3A_603, %get3A_604] {strides = array<i32>} : memref<800x64xf32, #tpu.memory_space<vmem>>, vector<1x16xf32>,
        %get3A_606 = vector.shape_cast %get3A_605 : vector<1x16xf32> to vector<16xf32>
        %add3A_607 = arith.addf %add3A_577, %get3A_606 : vector<16xf32>
        %add3A_608 = arith.constant 400 : i32
        %add3A_609 = arith.addi %add3A_608, %scan3A_586 : i32
        %get3A_610 = arith.index_cast %add3A_609 : i32 to index
        %get3A_611 = arith.constant 48 : index
        %get3A_612 = tpu.vector_load %arg7[%get3A_610, %get3A_611] {strides = array<i32>} : memref<800x64xf32, #tpu.memory_space<vmem>>, vector<1x16xf32>,
        %get3A_613 = vector.shape_cast %get3A_612 : vector<1x16xf32> to vector<16xf32>
        %add3A_614 = arith.addf %add3A_584, %get3A_613 : vector<16xf32>
        %scan3A_615 = arith.constant 2 : i32
        %scan3A_616 = arith.addi %scan3A_553, %scan3A_615 : i32
        %add3A_617 = arith.constant 400 : i32
        %add3A_618 = arith.addi %add3A_617, %scan3A_616 : i32
        %get3A_619 = arith.index_cast %add3A_618 : i32 to index
        %get3A_620 = arith.constant 0 : index
        %get3A_621 = tpu.vector_load %arg7[%get3A_619, %get3A_620] {strides = array<i32>} : memref<800x64xf32, #tpu.memory_space<vmem>>, vector<1x16xf32>,
        %get3A_622 = vector.shape_cast %get3A_621 : vector<1x16xf32> to vector<16xf32>
        %add3A_623 = arith.addf %add3A_593, %get3A_622 : vector<16xf32>
        %add3A_624 = arith.constant 400 : i32
        %add3A_625 = arith.addi %add3A_624, %scan3A_616 : i32
        %get3A_626 = arith.index_cast %add3A_625 : i32 to index
        %get3A_627 = arith.constant 16 : index
        %get3A_628 = tpu.vector_load %arg7[%get3A_626, %get3A_627] {strides = array<i32>} : memref<800x64xf32, #tpu.memory_space<vmem>>, vector<1x16xf32>,
        %get3A_629 = vector.shape_cast %get3A_628 : vector<1x16xf32> to vector<16xf32>
        %add3A_630 = arith.addf %add3A_600, %get3A_629 : vector<16xf32>
        %add3A_631 = arith.constant 400 : i32
        %add3A_632 = arith.addi %add3A_631, %scan3A_616 : i32
        %get3A_633 = arith.index_cast %add3A_632 : i32 to index
        %get3A_634 = arith.constant 32 : index
        %get3A_635 = tpu.vector_load %arg7[%get3A_633, %get3A_634] {strides = array<i32>} : memref<800x64xf32, #tpu.memory_space<vmem>>, vector<1x16xf32>,
        %get3A_636 = vector.shape_cast %get3A_635 : vector<1x16xf32> to vector<16xf32>
        %add3A_637 = arith.addf %add3A_607, %get3A_636 : vector<16xf32>
        %add3A_638 = arith.constant 400 : i32
        %add3A_639 = arith.addi %add3A_638, %scan3A_616 : i32
        %get3A_640 = arith.index_cast %add3A_639 : i32 to index
        %get3A_641 = arith.constant 48 : index
        %get3A_642 = tpu.vector_load %arg7[%get3A_640, %get3A_641] {strides = array<i32>} : memref<800x64xf32, #tpu.memory_space<vmem>>, vector<1x16xf32>,
        %get3A_643 = vector.shape_cast %get3A_642 : vector<1x16xf32> to vector<16xf32>
        %add3A_644 = arith.addf %add3A_614, %get3A_643 : vector<16xf32>
        %scan3A_645 = arith.constant 3 : i32
        %scan3A_646 = arith.addi %scan3A_553, %scan3A_645 : i32
        %add3A_647 = arith.constant 400 : i32
        %add3A_648 = arith.addi %add3A_647, %scan3A_646 : i32
        %get3A_649 = arith.index_cast %add3A_648 : i32 to index
        %get3A_650 = arith.constant 0 : index
        %get3A_651 = tpu.vector_load %arg7[%get3A_649, %get3A_650] {strides = array<i32>} : memref<800x64xf32, #tpu.memory_space<vmem>>, vector<1x16xf32>,
        %get3A_652 = vector.shape_cast %get3A_651 : vector<1x16xf32> to vector<16xf32>
        %add3A_653 = arith.addf %add3A_623, %get3A_652 : vector<16xf32>
        %add3A_654 = arith.constant 400 : i32
        %add3A_655 = arith.addi %add3A_654, %scan3A_646 : i32
        %get3A_656 = arith.index_cast %add3A_655 : i32 to index
        %get3A_657 = arith.constant 16 : index
        %get3A_658 = tpu.vector_load %arg7[%get3A_656, %get3A_657] {strides = array<i32>} : memref<800x64xf32, #tpu.memory_space<vmem>>, vector<1x16xf32>,
        %get3A_659 = vector.shape_cast %get3A_658 : vector<1x16xf32> to vector<16xf32>
        %add3A_660 = arith.addf %add3A_630, %get3A_659 : vector<16xf32>
        %add3A_661 = arith.constant 400 : i32
        %add3A_662 = arith.addi %add3A_661, %scan3A_646 : i32
        %get3A_663 = arith.index_cast %add3A_662 : i32 to index
        %get3A_664 = arith.constant 32 : index
        %get3A_665 = tpu.vector_load %arg7[%get3A_663, %get3A_664] {strides = array<i32>} : memref<800x64xf32, #tpu.memory_space<vmem>>, vector<1x16xf32>,
        %get3A_666 = vector.shape_cast %get3A_665 : vector<1x16xf32> to vector<16xf32>
        %add3A_667 = arith.addf %add3A_637, %get3A_666 : vector<16xf32>
        %add3A_668 = arith.constant 400 : i32
        %add3A_669 = arith.addi %add3A_668, %scan3A_646 : i32
        %get3A_670 = arith.index_cast %add3A_669 : i32 to index
        %get3A_671 = arith.constant 48 : index
        %get3A_672 = tpu.vector_load %arg7[%get3A_670, %get3A_671] {strides = array<i32>} : memref<800x64xf32, #tpu.memory_space<vmem>>, vector<1x16xf32>,
        %get3A_673 = vector.shape_cast %get3A_672 : vector<1x16xf32> to vector<16xf32>
        %add3A_674 = arith.addf %add3A_644, %get3A_673 : vector<16xf32>
        scf.yield %add3A_653, %add3A_660, %add3A_667, %add3A_674 : vector<16xf32>, vector<16xf32>, vector<16xf32>, vector<16xf32>
      }
      %scan3A_278 = arith.constant 200 : i32
      %mul3A_279 = arith.constant 5.000000e-03 : f32
      %mul3A_280 = vector.broadcast %mul3A_279 : f32 to vector<16xf32>
      %mul3A_281 = arith.mulf %scan3A_277#0, %mul3A_280 : vector<16xf32>
      %swap3A_282 = arith.constant 2 : i32
      %swap3A_283 = arith.index_cast %swap3A_282 : i32 to index
      %swap3A_284 = arith.constant 0 : index
      %swap3A_285 = tpu.vector_load %arg9[%swap3A_283, %swap3A_284] {strides = array<i32>} : memref<4x64xf32, #tpu.memory_space<vmem>>, vector<1x16xf32>,
      %swap3A_286 = vector.shape_cast %swap3A_285 : vector<1x16xf32> to vector<16xf32>
      %swap3A_287 = vector.shape_cast %mul3A_281 : vector<16xf32> to vector<1x16xf32>
      tpu.vector_store %arg9[%swap3A_283, %swap3A_284], %swap3A_287 {strides = array<i32>} : memref<4x64xf32, #tpu.memory_space<vmem>>, vector<1x16xf32>,
      %mul3A_288 = arith.constant 5.000000e-03 : f32
      %mul3A_289 = vector.broadcast %mul3A_288 : f32 to vector<16xf32>
      %mul3A_290 = arith.mulf %scan3A_277#1, %mul3A_289 : vector<16xf32>
      %swap3A_291 = arith.constant 2 : i32
      %swap3A_292 = arith.index_cast %swap3A_291 : i32 to index
      %swap3A_293 = arith.constant 16 : index
      %swap3A_294 = tpu.vector_load %arg9[%swap3A_292, %swap3A_293] {strides = array<i32>} : memref<4x64xf32, #tpu.memory_space<vmem>>, vector<1x16xf32>,
      %swap3A_295 = vector.shape_cast %swap3A_294 : vector<1x16xf32> to vector<16xf32>
      %swap3A_296 = vector.shape_cast %mul3A_290 : vector<16xf32> to vector<1x16xf32>
      tpu.vector_store %arg9[%swap3A_292, %swap3A_293], %swap3A_296 {strides = array<i32>} : memref<4x64xf32, #tpu.memory_space<vmem>>, vector<1x16xf32>,
      %mul3A_297 = arith.constant 5.000000e-03 : f32
      %mul3A_298 = vector.broadcast %mul3A_297 : f32 to vector<16xf32>
      %mul3A_299 = arith.mulf %scan3A_277#2, %mul3A_298 : vector<16xf32>
      %swap3A_300 = arith.constant 2 : i32
      %swap3A_301 = arith.index_cast %swap3A_300 : i32 to index
      %swap3A_302 = arith.constant 32 : index
      %swap3A_303 = tpu.vector_load %arg9[%swap3A_301, %swap3A_302] {strides = array<i32>} : memref<4x64xf32, #tpu.memory_space<vmem>>, vector<1x16xf32>,
      %swap3A_304 = vector.shape_cast %swap3A_303 : vector<1x16xf32> to vector<16xf32>
      %swap3A_305 = vector.shape_cast %mul3A_299 : vector<16xf32> to vector<1x16xf32>
      tpu.vector_store %arg9[%swap3A_301, %swap3A_302], %swap3A_305 {strides = array<i32>} : memref<4x64xf32, #tpu.memory_space<vmem>>, vector<1x16xf32>,
      %mul3A_306 = arith.constant 5.000000e-03 : f32
      %mul3A_307 = vector.broadcast %mul3A_306 : f32 to vector<16xf32>
      %mul3A_308 = arith.mulf %scan3A_277#3, %mul3A_307 : vector<16xf32>
      %swap3A_309 = arith.constant 2 : i32
      %swap3A_310 = arith.index_cast %swap3A_309 : i32 to index
      %swap3A_311 = arith.constant 48 : index
      %swap3A_312 = tpu.vector_load %arg9[%swap3A_310, %swap3A_311] {strides = array<i32>} : memref<4x64xf32, #tpu.memory_space<vmem>>, vector<1x16xf32>,
      %swap3A_313 = vector.shape_cast %swap3A_312 : vector<1x16xf32> to vector<16xf32>
      %swap3A_314 = vector.shape_cast %mul3A_308 : vector<16xf32> to vector<1x16xf32>
      tpu.vector_store %arg9[%swap3A_310, %swap3A_311], %swap3A_314 {strides = array<i32>} : memref<4x64xf32, #tpu.memory_space<vmem>>, vector<1x16xf32>,
      %broadcast_in_dim3A_315 = arith.constant 0.000000e+00 : f32
      %broadcast_in_dim3A_316 = vector.broadcast %broadcast_in_dim3A_315 : f32 to vector<16xf32>
      %scan3A_317 = arith.constant 0 : i32
      %scan3A_318 = arith.constant 200 : i32
      %scan3A_319 = arith.addi %scan3A_317, %scan3A_318 : i32
      %scan3A_320 = arith.constant 4 : i32
      %scan3A_321:4 = scf.for %scan3A_553 = %scan3A_317 to %scan3A_319 step %scan3A_320 iter_args(%scan3A_554 = %broadcast_in_dim3A_316, %scan3A_555 = %broadcast_in_dim3A_316, %scan3A_556 = %broadcast_in_dim3A_316, %scan3A_557 = %broadcast_in_dim3A_316) -> (vector<16xf32>, vector<16xf32>, vector<16xf32>, vector<16xf32>)  : i32 {
        %add3A_558 = arith.constant 600 : i32
        %add3A_559 = arith.addi %add3A_558, %scan3A_553 : i32
        %get3A = arith.index_cast %add3A_559 : i32 to index
        %get3A_560 = arith.constant 0 : index
        %get3A_561 = tpu.vector_load %arg7[%get3A, %get3A_560] {strides = array<i32>} : memref<800x64xf32, #tpu.memory_space<vmem>>, vector<1x16xf32>,
        %get3A_562 = vector.shape_cast %get3A_561 : vector<1x16xf32> to vector<16xf32>
        %add3A_563 = arith.addf %scan3A_554, %get3A_562 : vector<16xf32>
        %add3A_564 = arith.constant 600 : i32
        %add3A_565 = arith.addi %add3A_564, %scan3A_553 : i32
        %get3A_566 = arith.index_cast %add3A_565 : i32 to index
        %get3A_567 = arith.constant 16 : index
        %get3A_568 = tpu.vector_load %arg7[%get3A_566, %get3A_567] {strides = array<i32>} : memref<800x64xf32, #tpu.memory_space<vmem>>, vector<1x16xf32>,
        %get3A_569 = vector.shape_cast %get3A_568 : vector<1x16xf32> to vector<16xf32>
        %add3A_570 = arith.addf %scan3A_555, %get3A_569 : vector<16xf32>
        %add3A_571 = arith.constant 600 : i32
        %add3A_572 = arith.addi %add3A_571, %scan3A_553 : i32
        %get3A_573 = arith.index_cast %add3A_572 : i32 to index
        %get3A_574 = arith.constant 32 : index
        %get3A_575 = tpu.vector_load %arg7[%get3A_573, %get3A_574] {strides = array<i32>} : memref<800x64xf32, #tpu.memory_space<vmem>>, vector<1x16xf32>,
        %get3A_576 = vector.shape_cast %get3A_575 : vector<1x16xf32> to vector<16xf32>
        %add3A_577 = arith.addf %scan3A_556, %get3A_576 : vector<16xf32>
        %add3A_578 = arith.constant 600 : i32
        %add3A_579 = arith.addi %add3A_578, %scan3A_553 : i32
        %get3A_580 = arith.index_cast %add3A_579 : i32 to index
        %get3A_581 = arith.constant 48 : index
        %get3A_582 = tpu.vector_load %arg7[%get3A_580, %get3A_581] {strides = array<i32>} : memref<800x64xf32, #tpu.memory_space<vmem>>, vector<1x16xf32>,
        %get3A_583 = vector.shape_cast %get3A_582 : vector<1x16xf32> to vector<16xf32>
        %add3A_584 = arith.addf %scan3A_557, %get3A_583 : vector<16xf32>
        %scan3A_585 = arith.constant 1 : i32
        %scan3A_586 = arith.addi %scan3A_553, %scan3A_585 : i32
        %add3A_587 = arith.constant 600 : i32
        %add3A_588 = arith.addi %add3A_587, %scan3A_586 : i32
        %get3A_589 = arith.index_cast %add3A_588 : i32 to index
        %get3A_590 = arith.constant 0 : index
        %get3A_591 = tpu.vector_load %arg7[%get3A_589, %get3A_590] {strides = array<i32>} : memref<800x64xf32, #tpu.memory_space<vmem>>, vector<1x16xf32>,
        %get3A_592 = vector.shape_cast %get3A_591 : vector<1x16xf32> to vector<16xf32>
        %add3A_593 = arith.addf %add3A_563, %get3A_592 : vector<16xf32>
        %add3A_594 = arith.constant 600 : i32
        %add3A_595 = arith.addi %add3A_594, %scan3A_586 : i32
        %get3A_596 = arith.index_cast %add3A_595 : i32 to index
        %get3A_597 = arith.constant 16 : index
        %get3A_598 = tpu.vector_load %arg7[%get3A_596, %get3A_597] {strides = array<i32>} : memref<800x64xf32, #tpu.memory_space<vmem>>, vector<1x16xf32>,
        %get3A_599 = vector.shape_cast %get3A_598 : vector<1x16xf32> to vector<16xf32>
        %add3A_600 = arith.addf %add3A_570, %get3A_599 : vector<16xf32>
        %add3A_601 = arith.constant 600 : i32
        %add3A_602 = arith.addi %add3A_601, %scan3A_586 : i32
        %get3A_603 = arith.index_cast %add3A_602 : i32 to index
        %get3A_604 = arith.constant 32 : index
        %get3A_605 = tpu.vector_load %arg7[%get3A_603, %get3A_604] {strides = array<i32>} : memref<800x64xf32, #tpu.memory_space<vmem>>, vector<1x16xf32>,
        %get3A_606 = vector.shape_cast %get3A_605 : vector<1x16xf32> to vector<16xf32>
        %add3A_607 = arith.addf %add3A_577, %get3A_606 : vector<16xf32>
        %add3A_608 = arith.constant 600 : i32
        %add3A_609 = arith.addi %add3A_608, %scan3A_586 : i32
        %get3A_610 = arith.index_cast %add3A_609 : i32 to index
        %get3A_611 = arith.constant 48 : index
        %get3A_612 = tpu.vector_load %arg7[%get3A_610, %get3A_611] {strides = array<i32>} : memref<800x64xf32, #tpu.memory_space<vmem>>, vector<1x16xf32>,
        %get3A_613 = vector.shape_cast %get3A_612 : vector<1x16xf32> to vector<16xf32>
        %add3A_614 = arith.addf %add3A_584, %get3A_613 : vector<16xf32>
        %scan3A_615 = arith.constant 2 : i32
        %scan3A_616 = arith.addi %scan3A_553, %scan3A_615 : i32
        %add3A_617 = arith.constant 600 : i32
        %add3A_618 = arith.addi %add3A_617, %scan3A_616 : i32
        %get3A_619 = arith.index_cast %add3A_618 : i32 to index
        %get3A_620 = arith.constant 0 : index
        %get3A_621 = tpu.vector_load %arg7[%get3A_619, %get3A_620] {strides = array<i32>} : memref<800x64xf32, #tpu.memory_space<vmem>>, vector<1x16xf32>,
        %get3A_622 = vector.shape_cast %get3A_621 : vector<1x16xf32> to vector<16xf32>
        %add3A_623 = arith.addf %add3A_593, %get3A_622 : vector<16xf32>
        %add3A_624 = arith.constant 600 : i32
        %add3A_625 = arith.addi %add3A_624, %scan3A_616 : i32
        %get3A_626 = arith.index_cast %add3A_625 : i32 to index
        %get3A_627 = arith.constant 16 : index
        %get3A_628 = tpu.vector_load %arg7[%get3A_626, %get3A_627] {strides = array<i32>} : memref<800x64xf32, #tpu.memory_space<vmem>>, vector<1x16xf32>,
        %get3A_629 = vector.shape_cast %get3A_628 : vector<1x16xf32> to vector<16xf32>
        %add3A_630 = arith.addf %add3A_600, %get3A_629 : vector<16xf32>
        %add3A_631 = arith.constant 600 : i32
        %add3A_632 = arith.addi %add3A_631, %scan3A_616 : i32
        %get3A_633 = arith.index_cast %add3A_632 : i32 to index
        %get3A_634 = arith.constant 32 : index
        %get3A_635 = tpu.vector_load %arg7[%get3A_633, %get3A_634] {strides = array<i32>} : memref<800x64xf32, #tpu.memory_space<vmem>>, vector<1x16xf32>,
        %get3A_636 = vector.shape_cast %get3A_635 : vector<1x16xf32> to vector<16xf32>
        %add3A_637 = arith.addf %add3A_607, %get3A_636 : vector<16xf32>
        %add3A_638 = arith.constant 600 : i32
        %add3A_639 = arith.addi %add3A_638, %scan3A_616 : i32
        %get3A_640 = arith.index_cast %add3A_639 : i32 to index
        %get3A_641 = arith.constant 48 : index
        %get3A_642 = tpu.vector_load %arg7[%get3A_640, %get3A_641] {strides = array<i32>} : memref<800x64xf32, #tpu.memory_space<vmem>>, vector<1x16xf32>,
        %get3A_643 = vector.shape_cast %get3A_642 : vector<1x16xf32> to vector<16xf32>
        %add3A_644 = arith.addf %add3A_614, %get3A_643 : vector<16xf32>
        %scan3A_645 = arith.constant 3 : i32
        %scan3A_646 = arith.addi %scan3A_553, %scan3A_645 : i32
        %add3A_647 = arith.constant 600 : i32
        %add3A_648 = arith.addi %add3A_647, %scan3A_646 : i32
        %get3A_649 = arith.index_cast %add3A_648 : i32 to index
        %get3A_650 = arith.constant 0 : index
        %get3A_651 = tpu.vector_load %arg7[%get3A_649, %get3A_650] {strides = array<i32>} : memref<800x64xf32, #tpu.memory_space<vmem>>, vector<1x16xf32>,
        %get3A_652 = vector.shape_cast %get3A_651 : vector<1x16xf32> to vector<16xf32>
        %add3A_653 = arith.addf %add3A_623, %get3A_652 : vector<16xf32>
        %add3A_654 = arith.constant 600 : i32
        %add3A_655 = arith.addi %add3A_654, %scan3A_646 : i32
        %get3A_656 = arith.index_cast %add3A_655 : i32 to index
        %get3A_657 = arith.constant 16 : index
        %get3A_658 = tpu.vector_load %arg7[%get3A_656, %get3A_657] {strides = array<i32>} : memref<800x64xf32, #tpu.memory_space<vmem>>, vector<1x16xf32>,
        %get3A_659 = vector.shape_cast %get3A_658 : vector<1x16xf32> to vector<16xf32>
        %add3A_660 = arith.addf %add3A_630, %get3A_659 : vector<16xf32>
        %add3A_661 = arith.constant 600 : i32
        %add3A_662 = arith.addi %add3A_661, %scan3A_646 : i32
        %get3A_663 = arith.index_cast %add3A_662 : i32 to index
        %get3A_664 = arith.constant 32 : index
        %get3A_665 = tpu.vector_load %arg7[%get3A_663, %get3A_664] {strides = array<i32>} : memref<800x64xf32, #tpu.memory_space<vmem>>, vector<1x16xf32>,
        %get3A_666 = vector.shape_cast %get3A_665 : vector<1x16xf32> to vector<16xf32>
        %add3A_667 = arith.addf %add3A_637, %get3A_666 : vector<16xf32>
        %add3A_668 = arith.constant 600 : i32
        %add3A_669 = arith.addi %add3A_668, %scan3A_646 : i32
        %get3A_670 = arith.index_cast %add3A_669 : i32 to index
        %get3A_671 = arith.constant 48 : index
        %get3A_672 = tpu.vector_load %arg7[%get3A_670, %get3A_671] {strides = array<i32>} : memref<800x64xf32, #tpu.memory_space<vmem>>, vector<1x16xf32>,
        %get3A_673 = vector.shape_cast %get3A_672 : vector<1x16xf32> to vector<16xf32>
        %add3A_674 = arith.addf %add3A_644, %get3A_673 : vector<16xf32>
        scf.yield %add3A_653, %add3A_660, %add3A_667, %add3A_674 : vector<16xf32>, vector<16xf32>, vector<16xf32>, vector<16xf32>
      }
      %scan3A_322 = arith.constant 200 : i32
      %mul3A_323 = arith.constant 5.000000e-03 : f32
      %mul3A_324 = vector.broadcast %mul3A_323 : f32 to vector<16xf32>
      %mul3A_325 = arith.mulf %scan3A_321#0, %mul3A_324 : vector<16xf32>
      %swap3A_326 = arith.constant 3 : i32
      %swap3A_327 = arith.index_cast %swap3A_326 : i32 to index
      %swap3A_328 = arith.constant 0 : index
      %swap3A_329 = tpu.vector_load %arg9[%swap3A_327, %swap3A_328] {strides = array<i32>} : memref<4x64xf32, #tpu.memory_space<vmem>>, vector<1x16xf32>,
      %swap3A_330 = vector.shape_cast %swap3A_329 : vector<1x16xf32> to vector<16xf32>
      %swap3A_331 = vector.shape_cast %mul3A_325 : vector<16xf32> to vector<1x16xf32>
      tpu.vector_store %arg9[%swap3A_327, %swap3A_328], %swap3A_331 {strides = array<i32>} : memref<4x64xf32, #tpu.memory_space<vmem>>, vector<1x16xf32>,
      %mul3A_332 = arith.constant 5.000000e-03 : f32
      %mul3A_333 = vector.broadcast %mul3A_332 : f32 to vector<16xf32>
      %mul3A_334 = arith.mulf %scan3A_321#1, %mul3A_333 : vector<16xf32>
      %swap3A_335 = arith.constant 3 : i32
      %swap3A_336 = arith.index_cast %swap3A_335 : i32 to index
      %swap3A_337 = arith.constant 16 : index
      %swap3A_338 = tpu.vector_load %arg9[%swap3A_336, %swap3A_337] {strides = array<i32>} : memref<4x64xf32, #tpu.memory_space<vmem>>, vector<1x16xf32>,
      %swap3A_339 = vector.shape_cast %swap3A_338 : vector<1x16xf32> to vector<16xf32>
      %swap3A_340 = vector.shape_cast %mul3A_334 : vector<16xf32> to vector<1x16xf32>
      tpu.vector_store %arg9[%swap3A_336, %swap3A_337], %swap3A_340 {strides = array<i32>} : memref<4x64xf32, #tpu.memory_space<vmem>>, vector<1x16xf32>,
      %mul3A_341 = arith.constant 5.000000e-03 : f32
      %mul3A_342 = vector.broadcast %mul3A_341 : f32 to vector<16xf32>
      %mul3A_343 = arith.mulf %scan3A_321#2, %mul3A_342 : vector<16xf32>
      %swap3A_344 = arith.constant 3 : i32
      %swap3A_345 = arith.index_cast %swap3A_344 : i32 to index
      %swap3A_346 = arith.constant 32 : index
      %swap3A_347 = tpu.vector_load %arg9[%swap3A_345, %swap3A_346] {strides = array<i32>} : memref<4x64xf32, #tpu.memory_space<vmem>>, vector<1x16xf32>,
      %swap3A_348 = vector.shape_cast %swap3A_347 : vector<1x16xf32> to vector<16xf32>
      %swap3A_349 = vector.shape_cast %mul3A_343 : vector<16xf32> to vector<1x16xf32>
      tpu.vector_store %arg9[%swap3A_345, %swap3A_346], %swap3A_349 {strides = array<i32>} : memref<4x64xf32, #tpu.memory_space<vmem>>, vector<1x16xf32>,
      %mul3A_350 = arith.constant 5.000000e-03 : f32
      %mul3A_351 = vector.broadcast %mul3A_350 : f32 to vector<16xf32>
      %mul3A_352 = arith.mulf %scan3A_321#3, %mul3A_351 : vector<16xf32>
      %swap3A_353 = arith.constant 3 : i32
      %swap3A_354 = arith.index_cast %swap3A_353 : i32 to index
      %swap3A_355 = arith.constant 48 : index
      %swap3A_356 = tpu.vector_load %arg9[%swap3A_354, %swap3A_355] {strides = array<i32>} : memref<4x64xf32, #tpu.memory_space<vmem>>, vector<1x16xf32>,
      %swap3A_357 = vector.shape_cast %swap3A_356 : vector<1x16xf32> to vector<16xf32>
      %swap3A_358 = vector.shape_cast %mul3A_352 : vector<16xf32> to vector<1x16xf32>
      tpu.vector_store %arg9[%swap3A_354, %swap3A_355], %swap3A_358 {strides = array<i32>} : memref<4x64xf32, #tpu.memory_space<vmem>>, vector<1x16xf32>,
      %mul3A_359 = arith.constant 4 : i32
      %mul3A_360 = arith.muli %mul3A_92, %mul3A_359 : i32
      %add3A_361 = arith.addi %mul3A_2, %mul3A_360 : i32
      "tpu.region"() ({
        %run_scoped3A = tpu.sem_alloc : memref<!tpu.dma_semaphore, #tpu.memory_space<semaphore_mem>>
        %dma_start3A_553 = arith.constant 0 : i32
        %dma_start3A_554 = tpu.memref_slice %arg4[%add3A_361, %dma_start3A_553] : memref<16384x64xf32, #tpu.memory_space<hbm>> -> memref<4x64xf32, #tpu.memory_space<hbm>>
        %dma_start3A_555 = arith.constant 0 : i32
        %dma_start3A_556 = tpu.memref_slice %arg4[%add3A_361, %dma_start3A_555] : memref<16384x64xf32, #tpu.memory_space<hbm>> -> memref<4x64xf32, #tpu.memory_space<hbm>>
        tpu.enqueue_dma source(%arg9 : memref<4x64xf32, #tpu.memory_space<vmem>>) target(%dma_start3A_556 : memref<4x64xf32, #tpu.memory_space<hbm>>) target_semaphore(%run_scoped3A : memref<!tpu.dma_semaphore, #tpu.memory_space<semaphore_mem>>)
        %dma_wait3A_557 = arith.constant 0 : i32
        %dma_wait3A_558 = tpu.memref_slice %arg4[%add3A_361, %dma_wait3A_557] : memref<16384x64xf32, #tpu.memory_space<hbm>> -> memref<4x64xf32, #tpu.memory_space<hbm>>
        %dma_wait3A_559 = arith.constant 0 : i32
        %dma_wait3A_560 = tpu.memref_slice %arg4[%add3A_361, %dma_wait3A_559] : memref<16384x64xf32, #tpu.memory_space<hbm>> -> memref<4x64xf32, #tpu.memory_space<hbm>>
        tpu.wait_dma2 semaphore(%run_scoped3A : memref<!tpu.dma_semaphore, #tpu.memory_space<semaphore_mem>>) src(%arg9 : memref<4x64xf32, #tpu.memory_space<vmem>>) dst(%dma_wait3A_560 : memref<4x64xf32, #tpu.memory_space<hbm>>)
        tpu.yield
      }) : () -> ()
      %add3A_362 = arith.constant 1 : i32
      %add3A_363 = arith.addi %scan3A_90, %add3A_362 : i32
      %lt3A = arith.constant 64 : i32
      %lt3A_364 = arith.cmpi slt, %add3A_363, %lt3A : i32
      %convert_element_type3A = arith.extui %lt3A_364 : i1 to i32
      %cond3A = arith.constant 0 : i32
      %cond3A_365 = arith.cmpi ne, %convert_element_type3A, %cond3A : i32
      scf.if %cond3A_365 {
        %add3A_553 = arith.constant 2 : i32
        %add3A_554 = arith.addi %mul3A_92, %add3A_553 : i32
        %mul3A_555 = arith.constant 4 : i32
        %mul3A_556 = arith.muli %add3A_554, %mul3A_555 : i32
        %add3A_557 = arith.addi %mul3A_2, %mul3A_556 : i32
        %mul3A_558 = arith.constant 2 : i32
        %mul3A_559 = arith.muli %add3A_557, %mul3A_558 : i32
        "tpu.region"() ({
          %run_scoped3A = tpu.sem_alloc : memref<!tpu.dma_semaphore, #tpu.memory_space<semaphore_mem>>
          %dma_start3A_640 = arith.constant 0 : i32
          %dma_start3A_641 = tpu.memref_slice %arg2[%mul3A_559, %dma_start3A_640] : memref<32768x100xi32, #tpu.memory_space<hbm>> -> memref<8x100xi32, #tpu.memory_space<hbm>>
          %dma_start3A_642 = arith.constant 0 : i32
          %dma_start3A_643 = tpu.memref_slice %arg2[%mul3A_559, %dma_start3A_642] : memref<32768x100xi32, #tpu.memory_space<hbm>> -> memref<8x100xi32, #tpu.memory_space<hbm>>
          tpu.enqueue_dma source(%dma_start3A_643 : memref<8x100xi32, #tpu.memory_space<hbm>>) target(%arg5 : memref<8x100xi32, #tpu.memory_space<vmem>>) target_semaphore(%run_scoped3A : memref<!tpu.dma_semaphore, #tpu.memory_space<semaphore_mem>>)
          %dma_wait3A_644 = arith.constant 0 : i32
          %dma_wait3A_645 = tpu.memref_slice %arg2[%mul3A_559, %dma_wait3A_644] : memref<32768x100xi32, #tpu.memory_space<hbm>> -> memref<8x100xi32, #tpu.memory_space<hbm>>
          %dma_wait3A_646 = arith.constant 0 : i32
          %dma_wait3A_647 = tpu.memref_slice %arg2[%mul3A_559, %dma_wait3A_646] : memref<32768x100xi32, #tpu.memory_space<hbm>> -> memref<8x100xi32, #tpu.memory_space<hbm>>
          tpu.wait_dma2 semaphore(%run_scoped3A : memref<!tpu.dma_semaphore, #tpu.memory_space<semaphore_mem>>) src(%dma_wait3A_647 : memref<8x100xi32, #tpu.memory_space<hbm>>) dst(%arg5 : memref<8x100xi32, #tpu.memory_space<vmem>>)
          tpu.yield
        }) : () -> ()
        %dma_start3A_560 = arith.constant 0 : i32
        %dma_start3A_561 = arith.constant 0 : i32
        %dma_start3A_562 = arith.constant 0 : i32
        %dma_start3A_563 = tpu.memref_slice %arg7[%dma_start3A_561, %dma_start3A_562] : memref<800x64xf32, #tpu.memory_space<vmem>> -> memref<100x64xf32, #tpu.memory_space<vmem>>
        %dma_start3A_564 = arith.constant 0 : i32
        %dma_start3A_565 = tpu.memref_slice %arg5[%dma_start3A_560, %dma_start3A_564] : memref<8x100xi32, #tpu.memory_space<vmem>> -> memref<1x100xi32, #tpu.memory_space<vmem>>
        %dma_start3A_566 = tpu.memref_squeeze %dma_start3A_565 : memref<1x100xi32, #tpu.memory_space<vmem>> -> memref<100xi32, #tpu.memory_space<vmem>>
        %dma_start3A_567 = arith.constant 0 : i32
        %dma_start3A_568 = arith.constant 0 : i32
        %dma_start3A_569 = tpu.memref_slice %arg3[%dma_start3A_567, %dma_start3A_568] : memref<2000000x64xf32, #tpu.memory_space<hbm>> -> memref<2000000x64xf32, #tpu.memory_space<hbm>>
        tpu.enqueue_indirect_dma source(%dma_start3A_569 : memref<2000000x64xf32, #tpu.memory_space<hbm>>) target(%dma_start3A_563 : memref<100x64xf32, #tpu.memory_space<vmem>>) offsets(%dma_start3A_566 : memref<100xi32, #tpu.memory_space<vmem>>) semaphore(%arg10 : memref<!tpu.dma_semaphore, #tpu.memory_space<semaphore_mem>>)
        %dma_start3A_570 = arith.constant 1 : i32
        %dma_start3A_571 = arith.constant 100 : i32
        %dma_start3A_572 = arith.constant 0 : i32
        %dma_start3A_573 = tpu.memref_slice %arg7[%dma_start3A_571, %dma_start3A_572] : memref<800x64xf32, #tpu.memory_space<vmem>> -> memref<100x64xf32, #tpu.memory_space<vmem>>
        %dma_start3A_574 = arith.constant 0 : i32
        %dma_start3A_575 = tpu.memref_slice %arg5[%dma_start3A_570, %dma_start3A_574] : memref<8x100xi32, #tpu.memory_space<vmem>> -> memref<1x100xi32, #tpu.memory_space<vmem>>
        %dma_start3A_576 = tpu.memref_squeeze %dma_start3A_575 : memref<1x100xi32, #tpu.memory_space<vmem>> -> memref<100xi32, #tpu.memory_space<vmem>>
        %dma_start3A_577 = arith.constant 0 : i32
        %dma_start3A_578 = arith.constant 0 : i32
        %dma_start3A_579 = tpu.memref_slice %arg3[%dma_start3A_577, %dma_start3A_578] : memref<2000000x64xf32, #tpu.memory_space<hbm>> -> memref<2000000x64xf32, #tpu.memory_space<hbm>>
        tpu.enqueue_indirect_dma source(%dma_start3A_579 : memref<2000000x64xf32, #tpu.memory_space<hbm>>) target(%dma_start3A_573 : memref<100x64xf32, #tpu.memory_space<vmem>>) offsets(%dma_start3A_576 : memref<100xi32, #tpu.memory_space<vmem>>) semaphore(%arg10 : memref<!tpu.dma_semaphore, #tpu.memory_space<semaphore_mem>>)
        %dma_start3A_580 = arith.constant 2 : i32
        %dma_start3A_581 = arith.constant 200 : i32
        %dma_start3A_582 = arith.constant 0 : i32
        %dma_start3A_583 = tpu.memref_slice %arg7[%dma_start3A_581, %dma_start3A_582] : memref<800x64xf32, #tpu.memory_space<vmem>> -> memref<100x64xf32, #tpu.memory_space<vmem>>
        %dma_start3A_584 = arith.constant 0 : i32
        %dma_start3A_585 = tpu.memref_slice %arg5[%dma_start3A_580, %dma_start3A_584] : memref<8x100xi32, #tpu.memory_space<vmem>> -> memref<1x100xi32, #tpu.memory_space<vmem>>
        %dma_start3A_586 = tpu.memref_squeeze %dma_start3A_585 : memref<1x100xi32, #tpu.memory_space<vmem>> -> memref<100xi32, #tpu.memory_space<vmem>>
        %dma_start3A_587 = arith.constant 0 : i32
        %dma_start3A_588 = arith.constant 0 : i32
        %dma_start3A_589 = tpu.memref_slice %arg3[%dma_start3A_587, %dma_start3A_588] : memref<2000000x64xf32, #tpu.memory_space<hbm>> -> memref<2000000x64xf32, #tpu.memory_space<hbm>>
        tpu.enqueue_indirect_dma source(%dma_start3A_589 : memref<2000000x64xf32, #tpu.memory_space<hbm>>) target(%dma_start3A_583 : memref<100x64xf32, #tpu.memory_space<vmem>>) offsets(%dma_start3A_586 : memref<100xi32, #tpu.memory_space<vmem>>) semaphore(%arg10 : memref<!tpu.dma_semaphore, #tpu.memory_space<semaphore_mem>>)
        %dma_start3A_590 = arith.constant 3 : i32
        %dma_start3A_591 = arith.constant 300 : i32
        %dma_start3A_592 = arith.constant 0 : i32
        %dma_start3A_593 = tpu.memref_slice %arg7[%dma_start3A_591, %dma_start3A_592] : memref<800x64xf32, #tpu.memory_space<vmem>> -> memref<100x64xf32, #tpu.memory_space<vmem>>
        %dma_start3A_594 = arith.constant 0 : i32
        %dma_start3A_595 = tpu.memref_slice %arg5[%dma_start3A_590, %dma_start3A_594] : memref<8x100xi32, #tpu.memory_space<vmem>> -> memref<1x100xi32, #tpu.memory_space<vmem>>
        %dma_start3A_596 = tpu.memref_squeeze %dma_start3A_595 : memref<1x100xi32, #tpu.memory_space<vmem>> -> memref<100xi32, #tpu.memory_space<vmem>>
        %dma_start3A_597 = arith.constant 0 : i32
        %dma_start3A_598 = arith.constant 0 : i32
        %dma_start3A_599 = tpu.memref_slice %arg3[%dma_start3A_597, %dma_start3A_598] : memref<2000000x64xf32, #tpu.memory_space<hbm>> -> memref<2000000x64xf32, #tpu.memory_space<hbm>>
        tpu.enqueue_indirect_dma source(%dma_start3A_599 : memref<2000000x64xf32, #tpu.memory_space<hbm>>) target(%dma_start3A_593 : memref<100x64xf32, #tpu.memory_space<vmem>>) offsets(%dma_start3A_596 : memref<100xi32, #tpu.memory_space<vmem>>) semaphore(%arg10 : memref<!tpu.dma_semaphore, #tpu.memory_space<semaphore_mem>>)
        %dma_start3A_600 = arith.constant 4 : i32
        %dma_start3A_601 = arith.constant 400 : i32
        %dma_start3A_602 = arith.constant 0 : i32
        %dma_start3A_603 = tpu.memref_slice %arg7[%dma_start3A_601, %dma_start3A_602] : memref<800x64xf32, #tpu.memory_space<vmem>> -> memref<100x64xf32, #tpu.memory_space<vmem>>
        %dma_start3A_604 = arith.constant 0 : i32
        %dma_start3A_605 = tpu.memref_slice %arg5[%dma_start3A_600, %dma_start3A_604] : memref<8x100xi32, #tpu.memory_space<vmem>> -> memref<1x100xi32, #tpu.memory_space<vmem>>
        %dma_start3A_606 = tpu.memref_squeeze %dma_start3A_605 : memref<1x100xi32, #tpu.memory_space<vmem>> -> memref<100xi32, #tpu.memory_space<vmem>>
        %dma_start3A_607 = arith.constant 0 : i32
        %dma_start3A_608 = arith.constant 0 : i32
        %dma_start3A_609 = tpu.memref_slice %arg3[%dma_start3A_607, %dma_start3A_608] : memref<2000000x64xf32, #tpu.memory_space<hbm>> -> memref<2000000x64xf32, #tpu.memory_space<hbm>>
        tpu.enqueue_indirect_dma source(%dma_start3A_609 : memref<2000000x64xf32, #tpu.memory_space<hbm>>) target(%dma_start3A_603 : memref<100x64xf32, #tpu.memory_space<vmem>>) offsets(%dma_start3A_606 : memref<100xi32, #tpu.memory_space<vmem>>) semaphore(%arg10 : memref<!tpu.dma_semaphore, #tpu.memory_space<semaphore_mem>>)
        %dma_start3A_610 = arith.constant 5 : i32
        %dma_start3A_611 = arith.constant 500 : i32
        %dma_start3A_612 = arith.constant 0 : i32
        %dma_start3A_613 = tpu.memref_slice %arg7[%dma_start3A_611, %dma_start3A_612] : memref<800x64xf32, #tpu.memory_space<vmem>> -> memref<100x64xf32, #tpu.memory_space<vmem>>
        %dma_start3A_614 = arith.constant 0 : i32
        %dma_start3A_615 = tpu.memref_slice %arg5[%dma_start3A_610, %dma_start3A_614] : memref<8x100xi32, #tpu.memory_space<vmem>> -> memref<1x100xi32, #tpu.memory_space<vmem>>
        %dma_start3A_616 = tpu.memref_squeeze %dma_start3A_615 : memref<1x100xi32, #tpu.memory_space<vmem>> -> memref<100xi32, #tpu.memory_space<vmem>>
        %dma_start3A_617 = arith.constant 0 : i32
        %dma_start3A_618 = arith.constant 0 : i32
        %dma_start3A_619 = tpu.memref_slice %arg3[%dma_start3A_617, %dma_start3A_618] : memref<2000000x64xf32, #tpu.memory_space<hbm>> -> memref<2000000x64xf32, #tpu.memory_space<hbm>>
        tpu.enqueue_indirect_dma source(%dma_start3A_619 : memref<2000000x64xf32, #tpu.memory_space<hbm>>) target(%dma_start3A_613 : memref<100x64xf32, #tpu.memory_space<vmem>>) offsets(%dma_start3A_616 : memref<100xi32, #tpu.memory_space<vmem>>) semaphore(%arg10 : memref<!tpu.dma_semaphore, #tpu.memory_space<semaphore_mem>>)
        %dma_start3A_620 = arith.constant 6 : i32
        %dma_start3A_621 = arith.constant 600 : i32
        %dma_start3A_622 = arith.constant 0 : i32
        %dma_start3A_623 = tpu.memref_slice %arg7[%dma_start3A_621, %dma_start3A_622] : memref<800x64xf32, #tpu.memory_space<vmem>> -> memref<100x64xf32, #tpu.memory_space<vmem>>
        %dma_start3A_624 = arith.constant 0 : i32
        %dma_start3A_625 = tpu.memref_slice %arg5[%dma_start3A_620, %dma_start3A_624] : memref<8x100xi32, #tpu.memory_space<vmem>> -> memref<1x100xi32, #tpu.memory_space<vmem>>
        %dma_start3A_626 = tpu.memref_squeeze %dma_start3A_625 : memref<1x100xi32, #tpu.memory_space<vmem>> -> memref<100xi32, #tpu.memory_space<vmem>>
        %dma_start3A_627 = arith.constant 0 : i32
        %dma_start3A_628 = arith.constant 0 : i32
        %dma_start3A_629 = tpu.memref_slice %arg3[%dma_start3A_627, %dma_start3A_628] : memref<2000000x64xf32, #tpu.memory_space<hbm>> -> memref<2000000x64xf32, #tpu.memory_space<hbm>>
        tpu.enqueue_indirect_dma source(%dma_start3A_629 : memref<2000000x64xf32, #tpu.memory_space<hbm>>) target(%dma_start3A_623 : memref<100x64xf32, #tpu.memory_space<vmem>>) offsets(%dma_start3A_626 : memref<100xi32, #tpu.memory_space<vmem>>) semaphore(%arg10 : memref<!tpu.dma_semaphore, #tpu.memory_space<semaphore_mem>>)
        %dma_start3A_630 = arith.constant 7 : i32
        %dma_start3A_631 = arith.constant 700 : i32
        %dma_start3A_632 = arith.constant 0 : i32
        %dma_start3A_633 = tpu.memref_slice %arg7[%dma_start3A_631, %dma_start3A_632] : memref<800x64xf32, #tpu.memory_space<vmem>> -> memref<100x64xf32, #tpu.memory_space<vmem>>
        %dma_start3A_634 = arith.constant 0 : i32
        %dma_start3A_635 = tpu.memref_slice %arg5[%dma_start3A_630, %dma_start3A_634] : memref<8x100xi32, #tpu.memory_space<vmem>> -> memref<1x100xi32, #tpu.memory_space<vmem>>
        %dma_start3A_636 = tpu.memref_squeeze %dma_start3A_635 : memref<1x100xi32, #tpu.memory_space<vmem>> -> memref<100xi32, #tpu.memory_space<vmem>>
        %dma_start3A_637 = arith.constant 0 : i32
        %dma_start3A_638 = arith.constant 0 : i32
        %dma_start3A_639 = tpu.memref_slice %arg3[%dma_start3A_637, %dma_start3A_638] : memref<2000000x64xf32, #tpu.memory_space<hbm>> -> memref<2000000x64xf32, #tpu.memory_space<hbm>>
        tpu.enqueue_indirect_dma source(%dma_start3A_639 : memref<2000000x64xf32, #tpu.memory_space<hbm>>) target(%dma_start3A_633 : memref<100x64xf32, #tpu.memory_space<vmem>>) offsets(%dma_start3A_636 : memref<100xi32, #tpu.memory_space<vmem>>) semaphore(%arg10 : memref<!tpu.dma_semaphore, #tpu.memory_space<semaphore_mem>>)
      } else {
      }
      %dma_wait3A_366 = arith.constant 0 : i32
      %dma_wait3A_367 = arith.constant 0 : i32
      %dma_wait3A_368 = tpu.memref_slice %arg3[%dma_wait3A_366, %dma_wait3A_367] : memref<2000000x64xf32, #tpu.memory_space<hbm>> -> memref<800x64xf32, #tpu.memory_space<hbm>>
      %dma_wait3A_369 = arith.constant 0 : i32
      %dma_wait3A_370 = arith.constant 0 : i32
      %dma_wait3A_371 = tpu.memref_slice %arg3[%dma_wait3A_369, %dma_wait3A_370] : memref<2000000x64xf32, #tpu.memory_space<hbm>> -> memref<800x64xf32, #tpu.memory_space<hbm>>
      tpu.wait_dma2 semaphore(%arg11 : memref<!tpu.dma_semaphore, #tpu.memory_space<semaphore_mem>>) src(%dma_wait3A_371 : memref<800x64xf32, #tpu.memory_space<hbm>>) dst(%arg8 : memref<800x64xf32, #tpu.memory_space<vmem>>)
      %add3A_372 = arith.constant 1 : i32
      %add3A_373 = arith.addi %mul3A_92, %add3A_372 : i32
      %broadcast_in_dim3A_374 = arith.constant 0.000000e+00 : f32
      %broadcast_in_dim3A_375 = vector.broadcast %broadcast_in_dim3A_374 : f32 to vector<16xf32>
      %scan3A_376 = arith.constant 0 : i32
      %scan3A_377 = arith.constant 200 : i32
      %scan3A_378 = arith.addi %scan3A_376, %scan3A_377 : i32
      %scan3A_379 = arith.constant 4 : i32
      %scan3A_380:4 = scf.for %scan3A_553 = %scan3A_376 to %scan3A_378 step %scan3A_379 iter_args(%scan3A_554 = %broadcast_in_dim3A_375, %scan3A_555 = %broadcast_in_dim3A_375, %scan3A_556 = %broadcast_in_dim3A_375, %scan3A_557 = %broadcast_in_dim3A_375) -> (vector<16xf32>, vector<16xf32>, vector<16xf32>, vector<16xf32>)  : i32 {
        %add3A_558 = arith.constant 0 : i32
        %add3A_559 = arith.addi %add3A_558, %scan3A_553 : i32
        %get3A = arith.index_cast %add3A_559 : i32 to index
        %get3A_560 = arith.constant 0 : index
        %get3A_561 = tpu.vector_load %arg8[%get3A, %get3A_560] {strides = array<i32>} : memref<800x64xf32, #tpu.memory_space<vmem>>, vector<1x16xf32>,
        %get3A_562 = vector.shape_cast %get3A_561 : vector<1x16xf32> to vector<16xf32>
        %add3A_563 = arith.addf %scan3A_554, %get3A_562 : vector<16xf32>
        %add3A_564 = arith.constant 0 : i32
        %add3A_565 = arith.addi %add3A_564, %scan3A_553 : i32
        %get3A_566 = arith.index_cast %add3A_565 : i32 to index
        %get3A_567 = arith.constant 16 : index
        %get3A_568 = tpu.vector_load %arg8[%get3A_566, %get3A_567] {strides = array<i32>} : memref<800x64xf32, #tpu.memory_space<vmem>>, vector<1x16xf32>,
        %get3A_569 = vector.shape_cast %get3A_568 : vector<1x16xf32> to vector<16xf32>
        %add3A_570 = arith.addf %scan3A_555, %get3A_569 : vector<16xf32>
        %add3A_571 = arith.constant 0 : i32
        %add3A_572 = arith.addi %add3A_571, %scan3A_553 : i32
        %get3A_573 = arith.index_cast %add3A_572 : i32 to index
        %get3A_574 = arith.constant 32 : index
        %get3A_575 = tpu.vector_load %arg8[%get3A_573, %get3A_574] {strides = array<i32>} : memref<800x64xf32, #tpu.memory_space<vmem>>, vector<1x16xf32>,
        %get3A_576 = vector.shape_cast %get3A_575 : vector<1x16xf32> to vector<16xf32>
        %add3A_577 = arith.addf %scan3A_556, %get3A_576 : vector<16xf32>
        %add3A_578 = arith.constant 0 : i32
        %add3A_579 = arith.addi %add3A_578, %scan3A_553 : i32
        %get3A_580 = arith.index_cast %add3A_579 : i32 to index
        %get3A_581 = arith.constant 48 : index
        %get3A_582 = tpu.vector_load %arg8[%get3A_580, %get3A_581] {strides = array<i32>} : memref<800x64xf32, #tpu.memory_space<vmem>>, vector<1x16xf32>,
        %get3A_583 = vector.shape_cast %get3A_582 : vector<1x16xf32> to vector<16xf32>
        %add3A_584 = arith.addf %scan3A_557, %get3A_583 : vector<16xf32>
        %scan3A_585 = arith.constant 1 : i32
        %scan3A_586 = arith.addi %scan3A_553, %scan3A_585 : i32
        %add3A_587 = arith.constant 0 : i32
        %add3A_588 = arith.addi %add3A_587, %scan3A_586 : i32
        %get3A_589 = arith.index_cast %add3A_588 : i32 to index
        %get3A_590 = arith.constant 0 : index
        %get3A_591 = tpu.vector_load %arg8[%get3A_589, %get3A_590] {strides = array<i32>} : memref<800x64xf32, #tpu.memory_space<vmem>>, vector<1x16xf32>,
        %get3A_592 = vector.shape_cast %get3A_591 : vector<1x16xf32> to vector<16xf32>
        %add3A_593 = arith.addf %add3A_563, %get3A_592 : vector<16xf32>
        %add3A_594 = arith.constant 0 : i32
        %add3A_595 = arith.addi %add3A_594, %scan3A_586 : i32
        %get3A_596 = arith.index_cast %add3A_595 : i32 to index
        %get3A_597 = arith.constant 16 : index
        %get3A_598 = tpu.vector_load %arg8[%get3A_596, %get3A_597] {strides = array<i32>} : memref<800x64xf32, #tpu.memory_space<vmem>>, vector<1x16xf32>,
        %get3A_599 = vector.shape_cast %get3A_598 : vector<1x16xf32> to vector<16xf32>
        %add3A_600 = arith.addf %add3A_570, %get3A_599 : vector<16xf32>
        %add3A_601 = arith.constant 0 : i32
        %add3A_602 = arith.addi %add3A_601, %scan3A_586 : i32
        %get3A_603 = arith.index_cast %add3A_602 : i32 to index
        %get3A_604 = arith.constant 32 : index
        %get3A_605 = tpu.vector_load %arg8[%get3A_603, %get3A_604] {strides = array<i32>} : memref<800x64xf32, #tpu.memory_space<vmem>>, vector<1x16xf32>,
        %get3A_606 = vector.shape_cast %get3A_605 : vector<1x16xf32> to vector<16xf32>
        %add3A_607 = arith.addf %add3A_577, %get3A_606 : vector<16xf32>
        %add3A_608 = arith.constant 0 : i32
        %add3A_609 = arith.addi %add3A_608, %scan3A_586 : i32
        %get3A_610 = arith.index_cast %add3A_609 : i32 to index
        %get3A_611 = arith.constant 48 : index
        %get3A_612 = tpu.vector_load %arg8[%get3A_610, %get3A_611] {strides = array<i32>} : memref<800x64xf32, #tpu.memory_space<vmem>>, vector<1x16xf32>,
        %get3A_613 = vector.shape_cast %get3A_612 : vector<1x16xf32> to vector<16xf32>
        %add3A_614 = arith.addf %add3A_584, %get3A_613 : vector<16xf32>
        %scan3A_615 = arith.constant 2 : i32
        %scan3A_616 = arith.addi %scan3A_553, %scan3A_615 : i32
        %add3A_617 = arith.constant 0 : i32
        %add3A_618 = arith.addi %add3A_617, %scan3A_616 : i32
        %get3A_619 = arith.index_cast %add3A_618 : i32 to index
        %get3A_620 = arith.constant 0 : index
        %get3A_621 = tpu.vector_load %arg8[%get3A_619, %get3A_620] {strides = array<i32>} : memref<800x64xf32, #tpu.memory_space<vmem>>, vector<1x16xf32>,
        %get3A_622 = vector.shape_cast %get3A_621 : vector<1x16xf32> to vector<16xf32>
        %add3A_623 = arith.addf %add3A_593, %get3A_622 : vector<16xf32>
        %add3A_624 = arith.constant 0 : i32
        %add3A_625 = arith.addi %add3A_624, %scan3A_616 : i32
        %get3A_626 = arith.index_cast %add3A_625 : i32 to index
        %get3A_627 = arith.constant 16 : index
        %get3A_628 = tpu.vector_load %arg8[%get3A_626, %get3A_627] {strides = array<i32>} : memref<800x64xf32, #tpu.memory_space<vmem>>, vector<1x16xf32>,
        %get3A_629 = vector.shape_cast %get3A_628 : vector<1x16xf32> to vector<16xf32>
        %add3A_630 = arith.addf %add3A_600, %get3A_629 : vector<16xf32>
        %add3A_631 = arith.constant 0 : i32
        %add3A_632 = arith.addi %add3A_631, %scan3A_616 : i32
        %get3A_633 = arith.index_cast %add3A_632 : i32 to index
        %get3A_634 = arith.constant 32 : index
        %get3A_635 = tpu.vector_load %arg8[%get3A_633, %get3A_634] {strides = array<i32>} : memref<800x64xf32, #tpu.memory_space<vmem>>, vector<1x16xf32>,
        %get3A_636 = vector.shape_cast %get3A_635 : vector<1x16xf32> to vector<16xf32>
        %add3A_637 = arith.addf %add3A_607, %get3A_636 : vector<16xf32>
        %add3A_638 = arith.constant 0 : i32
        %add3A_639 = arith.addi %add3A_638, %scan3A_616 : i32
        %get3A_640 = arith.index_cast %add3A_639 : i32 to index
        %get3A_641 = arith.constant 48 : index
        %get3A_642 = tpu.vector_load %arg8[%get3A_640, %get3A_641] {strides = array<i32>} : memref<800x64xf32, #tpu.memory_space<vmem>>, vector<1x16xf32>,
        %get3A_643 = vector.shape_cast %get3A_642 : vector<1x16xf32> to vector<16xf32>
        %add3A_644 = arith.addf %add3A_614, %get3A_643 : vector<16xf32>
        %scan3A_645 = arith.constant 3 : i32
        %scan3A_646 = arith.addi %scan3A_553, %scan3A_645 : i32
        %add3A_647 = arith.constant 0 : i32
        %add3A_648 = arith.addi %add3A_647, %scan3A_646 : i32
        %get3A_649 = arith.index_cast %add3A_648 : i32 to index
        %get3A_650 = arith.constant 0 : index
        %get3A_651 = tpu.vector_load %arg8[%get3A_649, %get3A_650] {strides = array<i32>} : memref<800x64xf32, #tpu.memory_space<vmem>>, vector<1x16xf32>,
        %get3A_652 = vector.shape_cast %get3A_651 : vector<1x16xf32> to vector<16xf32>
        %add3A_653 = arith.addf %add3A_623, %get3A_652 : vector<16xf32>
        %add3A_654 = arith.constant 0 : i32
        %add3A_655 = arith.addi %add3A_654, %scan3A_646 : i32
        %get3A_656 = arith.index_cast %add3A_655 : i32 to index
        %get3A_657 = arith.constant 16 : index
        %get3A_658 = tpu.vector_load %arg8[%get3A_656, %get3A_657] {strides = array<i32>} : memref<800x64xf32, #tpu.memory_space<vmem>>, vector<1x16xf32>,
        %get3A_659 = vector.shape_cast %get3A_658 : vector<1x16xf32> to vector<16xf32>
        %add3A_660 = arith.addf %add3A_630, %get3A_659 : vector<16xf32>
        %add3A_661 = arith.constant 0 : i32
        %add3A_662 = arith.addi %add3A_661, %scan3A_646 : i32
        %get3A_663 = arith.index_cast %add3A_662 : i32 to index
        %get3A_664 = arith.constant 32 : index
        %get3A_665 = tpu.vector_load %arg8[%get3A_663, %get3A_664] {strides = array<i32>} : memref<800x64xf32, #tpu.memory_space<vmem>>, vector<1x16xf32>,
        %get3A_666 = vector.shape_cast %get3A_665 : vector<1x16xf32> to vector<16xf32>
        %add3A_667 = arith.addf %add3A_637, %get3A_666 : vector<16xf32>
        %add3A_668 = arith.constant 0 : i32
        %add3A_669 = arith.addi %add3A_668, %scan3A_646 : i32
        %get3A_670 = arith.index_cast %add3A_669 : i32 to index
        %get3A_671 = arith.constant 48 : index
        %get3A_672 = tpu.vector_load %arg8[%get3A_670, %get3A_671] {strides = array<i32>} : memref<800x64xf32, #tpu.memory_space<vmem>>, vector<1x16xf32>,
        %get3A_673 = vector.shape_cast %get3A_672 : vector<1x16xf32> to vector<16xf32>
        %add3A_674 = arith.addf %add3A_644, %get3A_673 : vector<16xf32>
        scf.yield %add3A_653, %add3A_660, %add3A_667, %add3A_674 : vector<16xf32>, vector<16xf32>, vector<16xf32>, vector<16xf32>
      }
      %scan3A_381 = arith.constant 200 : i32
      %mul3A_382 = arith.constant 5.000000e-03 : f32
      %mul3A_383 = vector.broadcast %mul3A_382 : f32 to vector<16xf32>
      %mul3A_384 = arith.mulf %scan3A_380#0, %mul3A_383 : vector<16xf32>
      %swap3A_385 = arith.constant 0 : i32
      %swap3A_386 = arith.index_cast %swap3A_385 : i32 to index
      %swap3A_387 = arith.constant 0 : index
      %swap3A_388 = tpu.vector_load %arg9[%swap3A_386, %swap3A_387] {strides = array<i32>} : memref<4x64xf32, #tpu.memory_space<vmem>>, vector<1x16xf32>,
      %swap3A_389 = vector.shape_cast %swap3A_388 : vector<1x16xf32> to vector<16xf32>
      %swap3A_390 = vector.shape_cast %mul3A_384 : vector<16xf32> to vector<1x16xf32>
      tpu.vector_store %arg9[%swap3A_386, %swap3A_387], %swap3A_390 {strides = array<i32>} : memref<4x64xf32, #tpu.memory_space<vmem>>, vector<1x16xf32>,
      %mul3A_391 = arith.constant 5.000000e-03 : f32
      %mul3A_392 = vector.broadcast %mul3A_391 : f32 to vector<16xf32>
      %mul3A_393 = arith.mulf %scan3A_380#1, %mul3A_392 : vector<16xf32>
      %swap3A_394 = arith.constant 0 : i32
      %swap3A_395 = arith.index_cast %swap3A_394 : i32 to index
      %swap3A_396 = arith.constant 16 : index
      %swap3A_397 = tpu.vector_load %arg9[%swap3A_395, %swap3A_396] {strides = array<i32>} : memref<4x64xf32, #tpu.memory_space<vmem>>, vector<1x16xf32>,
      %swap3A_398 = vector.shape_cast %swap3A_397 : vector<1x16xf32> to vector<16xf32>
      %swap3A_399 = vector.shape_cast %mul3A_393 : vector<16xf32> to vector<1x16xf32>
      tpu.vector_store %arg9[%swap3A_395, %swap3A_396], %swap3A_399 {strides = array<i32>} : memref<4x64xf32, #tpu.memory_space<vmem>>, vector<1x16xf32>,
      %mul3A_400 = arith.constant 5.000000e-03 : f32
      %mul3A_401 = vector.broadcast %mul3A_400 : f32 to vector<16xf32>
      %mul3A_402 = arith.mulf %scan3A_380#2, %mul3A_401 : vector<16xf32>
      %swap3A_403 = arith.constant 0 : i32
      %swap3A_404 = arith.index_cast %swap3A_403 : i32 to index
      %swap3A_405 = arith.constant 32 : index
      %swap3A_406 = tpu.vector_load %arg9[%swap3A_404, %swap3A_405] {strides = array<i32>} : memref<4x64xf32, #tpu.memory_space<vmem>>, vector<1x16xf32>,
      %swap3A_407 = vector.shape_cast %swap3A_406 : vector<1x16xf32> to vector<16xf32>
      %swap3A_408 = vector.shape_cast %mul3A_402 : vector<16xf32> to vector<1x16xf32>
      tpu.vector_store %arg9[%swap3A_404, %swap3A_405], %swap3A_408 {strides = array<i32>} : memref<4x64xf32, #tpu.memory_space<vmem>>, vector<1x16xf32>,
      %mul3A_409 = arith.constant 5.000000e-03 : f32
      %mul3A_410 = vector.broadcast %mul3A_409 : f32 to vector<16xf32>
      %mul3A_411 = arith.mulf %scan3A_380#3, %mul3A_410 : vector<16xf32>
      %swap3A_412 = arith.constant 0 : i32
      %swap3A_413 = arith.index_cast %swap3A_412 : i32 to index
      %swap3A_414 = arith.constant 48 : index
      %swap3A_415 = tpu.vector_load %arg9[%swap3A_413, %swap3A_414] {strides = array<i32>} : memref<4x64xf32, #tpu.memory_space<vmem>>, vector<1x16xf32>,
      %swap3A_416 = vector.shape_cast %swap3A_415 : vector<1x16xf32> to vector<16xf32>
      %swap3A_417 = vector.shape_cast %mul3A_411 : vector<16xf32> to vector<1x16xf32>
      tpu.vector_store %arg9[%swap3A_413, %swap3A_414], %swap3A_417 {strides = array<i32>} : memref<4x64xf32, #tpu.memory_space<vmem>>, vector<1x16xf32>,
      %broadcast_in_dim3A_418 = arith.constant 0.000000e+00 : f32
      %broadcast_in_dim3A_419 = vector.broadcast %broadcast_in_dim3A_418 : f32 to vector<16xf32>
      %scan3A_420 = arith.constant 0 : i32
      %scan3A_421 = arith.constant 200 : i32
      %scan3A_422 = arith.addi %scan3A_420, %scan3A_421 : i32
      %scan3A_423 = arith.constant 4 : i32
      %scan3A_424:4 = scf.for %scan3A_553 = %scan3A_420 to %scan3A_422 step %scan3A_423 iter_args(%scan3A_554 = %broadcast_in_dim3A_419, %scan3A_555 = %broadcast_in_dim3A_419, %scan3A_556 = %broadcast_in_dim3A_419, %scan3A_557 = %broadcast_in_dim3A_419) -> (vector<16xf32>, vector<16xf32>, vector<16xf32>, vector<16xf32>)  : i32 {
        %add3A_558 = arith.constant 200 : i32
        %add3A_559 = arith.addi %add3A_558, %scan3A_553 : i32
        %get3A = arith.index_cast %add3A_559 : i32 to index
        %get3A_560 = arith.constant 0 : index
        %get3A_561 = tpu.vector_load %arg8[%get3A, %get3A_560] {strides = array<i32>} : memref<800x64xf32, #tpu.memory_space<vmem>>, vector<1x16xf32>,
        %get3A_562 = vector.shape_cast %get3A_561 : vector<1x16xf32> to vector<16xf32>
        %add3A_563 = arith.addf %scan3A_554, %get3A_562 : vector<16xf32>
        %add3A_564 = arith.constant 200 : i32
        %add3A_565 = arith.addi %add3A_564, %scan3A_553 : i32
        %get3A_566 = arith.index_cast %add3A_565 : i32 to index
        %get3A_567 = arith.constant 16 : index
        %get3A_568 = tpu.vector_load %arg8[%get3A_566, %get3A_567] {strides = array<i32>} : memref<800x64xf32, #tpu.memory_space<vmem>>, vector<1x16xf32>,
        %get3A_569 = vector.shape_cast %get3A_568 : vector<1x16xf32> to vector<16xf32>
        %add3A_570 = arith.addf %scan3A_555, %get3A_569 : vector<16xf32>
        %add3A_571 = arith.constant 200 : i32
        %add3A_572 = arith.addi %add3A_571, %scan3A_553 : i32
        %get3A_573 = arith.index_cast %add3A_572 : i32 to index
        %get3A_574 = arith.constant 32 : index
        %get3A_575 = tpu.vector_load %arg8[%get3A_573, %get3A_574] {strides = array<i32>} : memref<800x64xf32, #tpu.memory_space<vmem>>, vector<1x16xf32>,
        %get3A_576 = vector.shape_cast %get3A_575 : vector<1x16xf32> to vector<16xf32>
        %add3A_577 = arith.addf %scan3A_556, %get3A_576 : vector<16xf32>
        %add3A_578 = arith.constant 200 : i32
        %add3A_579 = arith.addi %add3A_578, %scan3A_553 : i32
        %get3A_580 = arith.index_cast %add3A_579 : i32 to index
        %get3A_581 = arith.constant 48 : index
        %get3A_582 = tpu.vector_load %arg8[%get3A_580, %get3A_581] {strides = array<i32>} : memref<800x64xf32, #tpu.memory_space<vmem>>, vector<1x16xf32>,
        %get3A_583 = vector.shape_cast %get3A_582 : vector<1x16xf32> to vector<16xf32>
        %add3A_584 = arith.addf %scan3A_557, %get3A_583 : vector<16xf32>
        %scan3A_585 = arith.constant 1 : i32
        %scan3A_586 = arith.addi %scan3A_553, %scan3A_585 : i32
        %add3A_587 = arith.constant 200 : i32
        %add3A_588 = arith.addi %add3A_587, %scan3A_586 : i32
        %get3A_589 = arith.index_cast %add3A_588 : i32 to index
        %get3A_590 = arith.constant 0 : index
        %get3A_591 = tpu.vector_load %arg8[%get3A_589, %get3A_590] {strides = array<i32>} : memref<800x64xf32, #tpu.memory_space<vmem>>, vector<1x16xf32>,
        %get3A_592 = vector.shape_cast %get3A_591 : vector<1x16xf32> to vector<16xf32>
        %add3A_593 = arith.addf %add3A_563, %get3A_592 : vector<16xf32>
        %add3A_594 = arith.constant 200 : i32
        %add3A_595 = arith.addi %add3A_594, %scan3A_586 : i32
        %get3A_596 = arith.index_cast %add3A_595 : i32 to index
        %get3A_597 = arith.constant 16 : index
        %get3A_598 = tpu.vector_load %arg8[%get3A_596, %get3A_597] {strides = array<i32>} : memref<800x64xf32, #tpu.memory_space<vmem>>, vector<1x16xf32>,
        %get3A_599 = vector.shape_cast %get3A_598 : vector<1x16xf32> to vector<16xf32>
        %add3A_600 = arith.addf %add3A_570, %get3A_599 : vector<16xf32>
        %add3A_601 = arith.constant 200 : i32
        %add3A_602 = arith.addi %add3A_601, %scan3A_586 : i32
        %get3A_603 = arith.index_cast %add3A_602 : i32 to index
        %get3A_604 = arith.constant 32 : index
        %get3A_605 = tpu.vector_load %arg8[%get3A_603, %get3A_604] {strides = array<i32>} : memref<800x64xf32, #tpu.memory_space<vmem>>, vector<1x16xf32>,
        %get3A_606 = vector.shape_cast %get3A_605 : vector<1x16xf32> to vector<16xf32>
        %add3A_607 = arith.addf %add3A_577, %get3A_606 : vector<16xf32>
        %add3A_608 = arith.constant 200 : i32
        %add3A_609 = arith.addi %add3A_608, %scan3A_586 : i32
        %get3A_610 = arith.index_cast %add3A_609 : i32 to index
        %get3A_611 = arith.constant 48 : index
        %get3A_612 = tpu.vector_load %arg8[%get3A_610, %get3A_611] {strides = array<i32>} : memref<800x64xf32, #tpu.memory_space<vmem>>, vector<1x16xf32>,
        %get3A_613 = vector.shape_cast %get3A_612 : vector<1x16xf32> to vector<16xf32>
        %add3A_614 = arith.addf %add3A_584, %get3A_613 : vector<16xf32>
        %scan3A_615 = arith.constant 2 : i32
        %scan3A_616 = arith.addi %scan3A_553, %scan3A_615 : i32
        %add3A_617 = arith.constant 200 : i32
        %add3A_618 = arith.addi %add3A_617, %scan3A_616 : i32
        %get3A_619 = arith.index_cast %add3A_618 : i32 to index
        %get3A_620 = arith.constant 0 : index
        %get3A_621 = tpu.vector_load %arg8[%get3A_619, %get3A_620] {strides = array<i32>} : memref<800x64xf32, #tpu.memory_space<vmem>>, vector<1x16xf32>,
        %get3A_622 = vector.shape_cast %get3A_621 : vector<1x16xf32> to vector<16xf32>
        %add3A_623 = arith.addf %add3A_593, %get3A_622 : vector<16xf32>
        %add3A_624 = arith.constant 200 : i32
        %add3A_625 = arith.addi %add3A_624, %scan3A_616 : i32
        %get3A_626 = arith.index_cast %add3A_625 : i32 to index
        %get3A_627 = arith.constant 16 : index
        %get3A_628 = tpu.vector_load %arg8[%get3A_626, %get3A_627] {strides = array<i32>} : memref<800x64xf32, #tpu.memory_space<vmem>>, vector<1x16xf32>,
        %get3A_629 = vector.shape_cast %get3A_628 : vector<1x16xf32> to vector<16xf32>
        %add3A_630 = arith.addf %add3A_600, %get3A_629 : vector<16xf32>
        %add3A_631 = arith.constant 200 : i32
        %add3A_632 = arith.addi %add3A_631, %scan3A_616 : i32
        %get3A_633 = arith.index_cast %add3A_632 : i32 to index
        %get3A_634 = arith.constant 32 : index
        %get3A_635 = tpu.vector_load %arg8[%get3A_633, %get3A_634] {strides = array<i32>} : memref<800x64xf32, #tpu.memory_space<vmem>>, vector<1x16xf32>,
        %get3A_636 = vector.shape_cast %get3A_635 : vector<1x16xf32> to vector<16xf32>
        %add3A_637 = arith.addf %add3A_607, %get3A_636 : vector<16xf32>
        %add3A_638 = arith.constant 200 : i32
        %add3A_639 = arith.addi %add3A_638, %scan3A_616 : i32
        %get3A_640 = arith.index_cast %add3A_639 : i32 to index
        %get3A_641 = arith.constant 48 : index
        %get3A_642 = tpu.vector_load %arg8[%get3A_640, %get3A_641] {strides = array<i32>} : memref<800x64xf32, #tpu.memory_space<vmem>>, vector<1x16xf32>,
        %get3A_643 = vector.shape_cast %get3A_642 : vector<1x16xf32> to vector<16xf32>
        %add3A_644 = arith.addf %add3A_614, %get3A_643 : vector<16xf32>
        %scan3A_645 = arith.constant 3 : i32
        %scan3A_646 = arith.addi %scan3A_553, %scan3A_645 : i32
        %add3A_647 = arith.constant 200 : i32
        %add3A_648 = arith.addi %add3A_647, %scan3A_646 : i32
        %get3A_649 = arith.index_cast %add3A_648 : i32 to index
        %get3A_650 = arith.constant 0 : index
        %get3A_651 = tpu.vector_load %arg8[%get3A_649, %get3A_650] {strides = array<i32>} : memref<800x64xf32, #tpu.memory_space<vmem>>, vector<1x16xf32>,
        %get3A_652 = vector.shape_cast %get3A_651 : vector<1x16xf32> to vector<16xf32>
        %add3A_653 = arith.addf %add3A_623, %get3A_652 : vector<16xf32>
        %add3A_654 = arith.constant 200 : i32
        %add3A_655 = arith.addi %add3A_654, %scan3A_646 : i32
        %get3A_656 = arith.index_cast %add3A_655 : i32 to index
        %get3A_657 = arith.constant 16 : index
        %get3A_658 = tpu.vector_load %arg8[%get3A_656, %get3A_657] {strides = array<i32>} : memref<800x64xf32, #tpu.memory_space<vmem>>, vector<1x16xf32>,
        %get3A_659 = vector.shape_cast %get3A_658 : vector<1x16xf32> to vector<16xf32>
        %add3A_660 = arith.addf %add3A_630, %get3A_659 : vector<16xf32>
        %add3A_661 = arith.constant 200 : i32
        %add3A_662 = arith.addi %add3A_661, %scan3A_646 : i32
        %get3A_663 = arith.index_cast %add3A_662 : i32 to index
        %get3A_664 = arith.constant 32 : index
        %get3A_665 = tpu.vector_load %arg8[%get3A_663, %get3A_664] {strides = array<i32>} : memref<800x64xf32, #tpu.memory_space<vmem>>, vector<1x16xf32>,
        %get3A_666 = vector.shape_cast %get3A_665 : vector<1x16xf32> to vector<16xf32>
        %add3A_667 = arith.addf %add3A_637, %get3A_666 : vector<16xf32>
        %add3A_668 = arith.constant 200 : i32
        %add3A_669 = arith.addi %add3A_668, %scan3A_646 : i32
        %get3A_670 = arith.index_cast %add3A_669 : i32 to index
        %get3A_671 = arith.constant 48 : index
        %get3A_672 = tpu.vector_load %arg8[%get3A_670, %get3A_671] {strides = array<i32>} : memref<800x64xf32, #tpu.memory_space<vmem>>, vector<1x16xf32>,
        %get3A_673 = vector.shape_cast %get3A_672 : vector<1x16xf32> to vector<16xf32>
        %add3A_674 = arith.addf %add3A_644, %get3A_673 : vector<16xf32>
        scf.yield %add3A_653, %add3A_660, %add3A_667, %add3A_674 : vector<16xf32>, vector<16xf32>, vector<16xf32>, vector<16xf32>
      }
      %scan3A_425 = arith.constant 200 : i32
      %mul3A_426 = arith.constant 5.000000e-03 : f32
      %mul3A_427 = vector.broadcast %mul3A_426 : f32 to vector<16xf32>
      %mul3A_428 = arith.mulf %scan3A_424#0, %mul3A_427 : vector<16xf32>
      %swap3A_429 = arith.constant 1 : i32
      %swap3A_430 = arith.index_cast %swap3A_429 : i32 to index
      %swap3A_431 = arith.constant 0 : index
      %swap3A_432 = tpu.vector_load %arg9[%swap3A_430, %swap3A_431] {strides = array<i32>} : memref<4x64xf32, #tpu.memory_space<vmem>>, vector<1x16xf32>,
      %swap3A_433 = vector.shape_cast %swap3A_432 : vector<1x16xf32> to vector<16xf32>
      %swap3A_434 = vector.shape_cast %mul3A_428 : vector<16xf32> to vector<1x16xf32>
      tpu.vector_store %arg9[%swap3A_430, %swap3A_431], %swap3A_434 {strides = array<i32>} : memref<4x64xf32, #tpu.memory_space<vmem>>, vector<1x16xf32>,
      %mul3A_435 = arith.constant 5.000000e-03 : f32
      %mul3A_436 = vector.broadcast %mul3A_435 : f32 to vector<16xf32>
      %mul3A_437 = arith.mulf %scan3A_424#1, %mul3A_436 : vector<16xf32>
      %swap3A_438 = arith.constant 1 : i32
      %swap3A_439 = arith.index_cast %swap3A_438 : i32 to index
      %swap3A_440 = arith.constant 16 : index
      %swap3A_441 = tpu.vector_load %arg9[%swap3A_439, %swap3A_440] {strides = array<i32>} : memref<4x64xf32, #tpu.memory_space<vmem>>, vector<1x16xf32>,
      %swap3A_442 = vector.shape_cast %swap3A_441 : vector<1x16xf32> to vector<16xf32>
      %swap3A_443 = vector.shape_cast %mul3A_437 : vector<16xf32> to vector<1x16xf32>
      tpu.vector_store %arg9[%swap3A_439, %swap3A_440], %swap3A_443 {strides = array<i32>} : memref<4x64xf32, #tpu.memory_space<vmem>>, vector<1x16xf32>,
      %mul3A_444 = arith.constant 5.000000e-03 : f32
      %mul3A_445 = vector.broadcast %mul3A_444 : f32 to vector<16xf32>
      %mul3A_446 = arith.mulf %scan3A_424#2, %mul3A_445 : vector<16xf32>
      %swap3A_447 = arith.constant 1 : i32
      %swap3A_448 = arith.index_cast %swap3A_447 : i32 to index
      %swap3A_449 = arith.constant 32 : index
      %swap3A_450 = tpu.vector_load %arg9[%swap3A_448, %swap3A_449] {strides = array<i32>} : memref<4x64xf32, #tpu.memory_space<vmem>>, vector<1x16xf32>,
      %swap3A_451 = vector.shape_cast %swap3A_450 : vector<1x16xf32> to vector<16xf32>
      %swap3A_452 = vector.shape_cast %mul3A_446 : vector<16xf32> to vector<1x16xf32>
      tpu.vector_store %arg9[%swap3A_448, %swap3A_449], %swap3A_452 {strides = array<i32>} : memref<4x64xf32, #tpu.memory_space<vmem>>, vector<1x16xf32>,
      %mul3A_453 = arith.constant 5.000000e-03 : f32
      %mul3A_454 = vector.broadcast %mul3A_453 : f32 to vector<16xf32>
      %mul3A_455 = arith.mulf %scan3A_424#3, %mul3A_454 : vector<16xf32>
      %swap3A_456 = arith.constant 1 : i32
      %swap3A_457 = arith.index_cast %swap3A_456 : i32 to index
      %swap3A_458 = arith.constant 48 : index
      %swap3A_459 = tpu.vector_load %arg9[%swap3A_457, %swap3A_458] {strides = array<i32>} : memref<4x64xf32, #tpu.memory_space<vmem>>, vector<1x16xf32>,
      %swap3A_460 = vector.shape_cast %swap3A_459 : vector<1x16xf32> to vector<16xf32>
      %swap3A_461 = vector.shape_cast %mul3A_455 : vector<16xf32> to vector<1x16xf32>
      tpu.vector_store %arg9[%swap3A_457, %swap3A_458], %swap3A_461 {strides = array<i32>} : memref<4x64xf32, #tpu.memory_space<vmem>>, vector<1x16xf32>,
      %broadcast_in_dim3A_462 = arith.constant 0.000000e+00 : f32
      %broadcast_in_dim3A_463 = vector.broadcast %broadcast_in_dim3A_462 : f32 to vector<16xf32>
      %scan3A_464 = arith.constant 0 : i32
      %scan3A_465 = arith.constant 200 : i32
      %scan3A_466 = arith.addi %scan3A_464, %scan3A_465 : i32
      %scan3A_467 = arith.constant 4 : i32
      %scan3A_468:4 = scf.for %scan3A_553 = %scan3A_464 to %scan3A_466 step %scan3A_467 iter_args(%scan3A_554 = %broadcast_in_dim3A_463, %scan3A_555 = %broadcast_in_dim3A_463, %scan3A_556 = %broadcast_in_dim3A_463, %scan3A_557 = %broadcast_in_dim3A_463) -> (vector<16xf32>, vector<16xf32>, vector<16xf32>, vector<16xf32>)  : i32 {
        %add3A_558 = arith.constant 400 : i32
        %add3A_559 = arith.addi %add3A_558, %scan3A_553 : i32
        %get3A = arith.index_cast %add3A_559 : i32 to index
        %get3A_560 = arith.constant 0 : index
        %get3A_561 = tpu.vector_load %arg8[%get3A, %get3A_560] {strides = array<i32>} : memref<800x64xf32, #tpu.memory_space<vmem>>, vector<1x16xf32>,
        %get3A_562 = vector.shape_cast %get3A_561 : vector<1x16xf32> to vector<16xf32>
        %add3A_563 = arith.addf %scan3A_554, %get3A_562 : vector<16xf32>
        %add3A_564 = arith.constant 400 : i32
        %add3A_565 = arith.addi %add3A_564, %scan3A_553 : i32
        %get3A_566 = arith.index_cast %add3A_565 : i32 to index
        %get3A_567 = arith.constant 16 : index
        %get3A_568 = tpu.vector_load %arg8[%get3A_566, %get3A_567] {strides = array<i32>} : memref<800x64xf32, #tpu.memory_space<vmem>>, vector<1x16xf32>,
        %get3A_569 = vector.shape_cast %get3A_568 : vector<1x16xf32> to vector<16xf32>
        %add3A_570 = arith.addf %scan3A_555, %get3A_569 : vector<16xf32>
        %add3A_571 = arith.constant 400 : i32
        %add3A_572 = arith.addi %add3A_571, %scan3A_553 : i32
        %get3A_573 = arith.index_cast %add3A_572 : i32 to index
        %get3A_574 = arith.constant 32 : index
        %get3A_575 = tpu.vector_load %arg8[%get3A_573, %get3A_574] {strides = array<i32>} : memref<800x64xf32, #tpu.memory_space<vmem>>, vector<1x16xf32>,
        %get3A_576 = vector.shape_cast %get3A_575 : vector<1x16xf32> to vector<16xf32>
        %add3A_577 = arith.addf %scan3A_556, %get3A_576 : vector<16xf32>
        %add3A_578 = arith.constant 400 : i32
        %add3A_579 = arith.addi %add3A_578, %scan3A_553 : i32
        %get3A_580 = arith.index_cast %add3A_579 : i32 to index
        %get3A_581 = arith.constant 48 : index
        %get3A_582 = tpu.vector_load %arg8[%get3A_580, %get3A_581] {strides = array<i32>} : memref<800x64xf32, #tpu.memory_space<vmem>>, vector<1x16xf32>,
        %get3A_583 = vector.shape_cast %get3A_582 : vector<1x16xf32> to vector<16xf32>
        %add3A_584 = arith.addf %scan3A_557, %get3A_583 : vector<16xf32>
        %scan3A_585 = arith.constant 1 : i32
        %scan3A_586 = arith.addi %scan3A_553, %scan3A_585 : i32
        %add3A_587 = arith.constant 400 : i32
        %add3A_588 = arith.addi %add3A_587, %scan3A_586 : i32
        %get3A_589 = arith.index_cast %add3A_588 : i32 to index
        %get3A_590 = arith.constant 0 : index
        %get3A_591 = tpu.vector_load %arg8[%get3A_589, %get3A_590] {strides = array<i32>} : memref<800x64xf32, #tpu.memory_space<vmem>>, vector<1x16xf32>,
        %get3A_592 = vector.shape_cast %get3A_591 : vector<1x16xf32> to vector<16xf32>
        %add3A_593 = arith.addf %add3A_563, %get3A_592 : vector<16xf32>
        %add3A_594 = arith.constant 400 : i32
        %add3A_595 = arith.addi %add3A_594, %scan3A_586 : i32
        %get3A_596 = arith.index_cast %add3A_595 : i32 to index
        %get3A_597 = arith.constant 16 : index
        %get3A_598 = tpu.vector_load %arg8[%get3A_596, %get3A_597] {strides = array<i32>} : memref<800x64xf32, #tpu.memory_space<vmem>>, vector<1x16xf32>,
        %get3A_599 = vector.shape_cast %get3A_598 : vector<1x16xf32> to vector<16xf32>
        %add3A_600 = arith.addf %add3A_570, %get3A_599 : vector<16xf32>
        %add3A_601 = arith.constant 400 : i32
        %add3A_602 = arith.addi %add3A_601, %scan3A_586 : i32
        %get3A_603 = arith.index_cast %add3A_602 : i32 to index
        %get3A_604 = arith.constant 32 : index
        %get3A_605 = tpu.vector_load %arg8[%get3A_603, %get3A_604] {strides = array<i32>} : memref<800x64xf32, #tpu.memory_space<vmem>>, vector<1x16xf32>,
        %get3A_606 = vector.shape_cast %get3A_605 : vector<1x16xf32> to vector<16xf32>
        %add3A_607 = arith.addf %add3A_577, %get3A_606 : vector<16xf32>
        %add3A_608 = arith.constant 400 : i32
        %add3A_609 = arith.addi %add3A_608, %scan3A_586 : i32
        %get3A_610 = arith.index_cast %add3A_609 : i32 to index
        %get3A_611 = arith.constant 48 : index
        %get3A_612 = tpu.vector_load %arg8[%get3A_610, %get3A_611] {strides = array<i32>} : memref<800x64xf32, #tpu.memory_space<vmem>>, vector<1x16xf32>,
        %get3A_613 = vector.shape_cast %get3A_612 : vector<1x16xf32> to vector<16xf32>
        %add3A_614 = arith.addf %add3A_584, %get3A_613 : vector<16xf32>
        %scan3A_615 = arith.constant 2 : i32
        %scan3A_616 = arith.addi %scan3A_553, %scan3A_615 : i32
        %add3A_617 = arith.constant 400 : i32
        %add3A_618 = arith.addi %add3A_617, %scan3A_616 : i32
        %get3A_619 = arith.index_cast %add3A_618 : i32 to index
        %get3A_620 = arith.constant 0 : index
        %get3A_621 = tpu.vector_load %arg8[%get3A_619, %get3A_620] {strides = array<i32>} : memref<800x64xf32, #tpu.memory_space<vmem>>, vector<1x16xf32>,
        %get3A_622 = vector.shape_cast %get3A_621 : vector<1x16xf32> to vector<16xf32>
        %add3A_623 = arith.addf %add3A_593, %get3A_622 : vector<16xf32>
        %add3A_624 = arith.constant 400 : i32
        %add3A_625 = arith.addi %add3A_624, %scan3A_616 : i32
        %get3A_626 = arith.index_cast %add3A_625 : i32 to index
        %get3A_627 = arith.constant 16 : index
        %get3A_628 = tpu.vector_load %arg8[%get3A_626, %get3A_627] {strides = array<i32>} : memref<800x64xf32, #tpu.memory_space<vmem>>, vector<1x16xf32>,
        %get3A_629 = vector.shape_cast %get3A_628 : vector<1x16xf32> to vector<16xf32>
        %add3A_630 = arith.addf %add3A_600, %get3A_629 : vector<16xf32>
        %add3A_631 = arith.constant 400 : i32
        %add3A_632 = arith.addi %add3A_631, %scan3A_616 : i32
        %get3A_633 = arith.index_cast %add3A_632 : i32 to index
        %get3A_634 = arith.constant 32 : index
        %get3A_635 = tpu.vector_load %arg8[%get3A_633, %get3A_634] {strides = array<i32>} : memref<800x64xf32, #tpu.memory_space<vmem>>, vector<1x16xf32>,
        %get3A_636 = vector.shape_cast %get3A_635 : vector<1x16xf32> to vector<16xf32>
        %add3A_637 = arith.addf %add3A_607, %get3A_636 : vector<16xf32>
        %add3A_638 = arith.constant 400 : i32
        %add3A_639 = arith.addi %add3A_638, %scan3A_616 : i32
        %get3A_640 = arith.index_cast %add3A_639 : i32 to index
        %get3A_641 = arith.constant 48 : index
        %get3A_642 = tpu.vector_load %arg8[%get3A_640, %get3A_641] {strides = array<i32>} : memref<800x64xf32, #tpu.memory_space<vmem>>, vector<1x16xf32>,
        %get3A_643 = vector.shape_cast %get3A_642 : vector<1x16xf32> to vector<16xf32>
        %add3A_644 = arith.addf %add3A_614, %get3A_643 : vector<16xf32>
        %scan3A_645 = arith.constant 3 : i32
        %scan3A_646 = arith.addi %scan3A_553, %scan3A_645 : i32
        %add3A_647 = arith.constant 400 : i32
        %add3A_648 = arith.addi %add3A_647, %scan3A_646 : i32
        %get3A_649 = arith.index_cast %add3A_648 : i32 to index
        %get3A_650 = arith.constant 0 : index
        %get3A_651 = tpu.vector_load %arg8[%get3A_649, %get3A_650] {strides = array<i32>} : memref<800x64xf32, #tpu.memory_space<vmem>>, vector<1x16xf32>,
        %get3A_652 = vector.shape_cast %get3A_651 : vector<1x16xf32> to vector<16xf32>
        %add3A_653 = arith.addf %add3A_623, %get3A_652 : vector<16xf32>
        %add3A_654 = arith.constant 400 : i32
        %add3A_655 = arith.addi %add3A_654, %scan3A_646 : i32
        %get3A_656 = arith.index_cast %add3A_655 : i32 to index
        %get3A_657 = arith.constant 16 : index
        %get3A_658 = tpu.vector_load %arg8[%get3A_656, %get3A_657] {strides = array<i32>} : memref<800x64xf32, #tpu.memory_space<vmem>>, vector<1x16xf32>,
        %get3A_659 = vector.shape_cast %get3A_658 : vector<1x16xf32> to vector<16xf32>
        %add3A_660 = arith.addf %add3A_630, %get3A_659 : vector<16xf32>
        %add3A_661 = arith.constant 400 : i32
        %add3A_662 = arith.addi %add3A_661, %scan3A_646 : i32
        %get3A_663 = arith.index_cast %add3A_662 : i32 to index
        %get3A_664 = arith.constant 32 : index
        %get3A_665 = tpu.vector_load %arg8[%get3A_663, %get3A_664] {strides = array<i32>} : memref<800x64xf32, #tpu.memory_space<vmem>>, vector<1x16xf32>,
        %get3A_666 = vector.shape_cast %get3A_665 : vector<1x16xf32> to vector<16xf32>
        %add3A_667 = arith.addf %add3A_637, %get3A_666 : vector<16xf32>
        %add3A_668 = arith.constant 400 : i32
        %add3A_669 = arith.addi %add3A_668, %scan3A_646 : i32
        %get3A_670 = arith.index_cast %add3A_669 : i32 to index
        %get3A_671 = arith.constant 48 : index
        %get3A_672 = tpu.vector_load %arg8[%get3A_670, %get3A_671] {strides = array<i32>} : memref<800x64xf32, #tpu.memory_space<vmem>>, vector<1x16xf32>,
        %get3A_673 = vector.shape_cast %get3A_672 : vector<1x16xf32> to vector<16xf32>
        %add3A_674 = arith.addf %add3A_644, %get3A_673 : vector<16xf32>
        scf.yield %add3A_653, %add3A_660, %add3A_667, %add3A_674 : vector<16xf32>, vector<16xf32>, vector<16xf32>, vector<16xf32>
      }
      %scan3A_469 = arith.constant 200 : i32
      %mul3A_470 = arith.constant 5.000000e-03 : f32
      %mul3A_471 = vector.broadcast %mul3A_470 : f32 to vector<16xf32>
      %mul3A_472 = arith.mulf %scan3A_468#0, %mul3A_471 : vector<16xf32>
      %swap3A_473 = arith.constant 2 : i32
      %swap3A_474 = arith.index_cast %swap3A_473 : i32 to index
      %swap3A_475 = arith.constant 0 : index
      %swap3A_476 = tpu.vector_load %arg9[%swap3A_474, %swap3A_475] {strides = array<i32>} : memref<4x64xf32, #tpu.memory_space<vmem>>, vector<1x16xf32>,
      %swap3A_477 = vector.shape_cast %swap3A_476 : vector<1x16xf32> to vector<16xf32>
      %swap3A_478 = vector.shape_cast %mul3A_472 : vector<16xf32> to vector<1x16xf32>
      tpu.vector_store %arg9[%swap3A_474, %swap3A_475], %swap3A_478 {strides = array<i32>} : memref<4x64xf32, #tpu.memory_space<vmem>>, vector<1x16xf32>,
      %mul3A_479 = arith.constant 5.000000e-03 : f32
      %mul3A_480 = vector.broadcast %mul3A_479 : f32 to vector<16xf32>
      %mul3A_481 = arith.mulf %scan3A_468#1, %mul3A_480 : vector<16xf32>
      %swap3A_482 = arith.constant 2 : i32
      %swap3A_483 = arith.index_cast %swap3A_482 : i32 to index
      %swap3A_484 = arith.constant 16 : index
      %swap3A_485 = tpu.vector_load %arg9[%swap3A_483, %swap3A_484] {strides = array<i32>} : memref<4x64xf32, #tpu.memory_space<vmem>>, vector<1x16xf32>,
      %swap3A_486 = vector.shape_cast %swap3A_485 : vector<1x16xf32> to vector<16xf32>
      %swap3A_487 = vector.shape_cast %mul3A_481 : vector<16xf32> to vector<1x16xf32>
      tpu.vector_store %arg9[%swap3A_483, %swap3A_484], %swap3A_487 {strides = array<i32>} : memref<4x64xf32, #tpu.memory_space<vmem>>, vector<1x16xf32>,
      %mul3A_488 = arith.constant 5.000000e-03 : f32
      %mul3A_489 = vector.broadcast %mul3A_488 : f32 to vector<16xf32>
      %mul3A_490 = arith.mulf %scan3A_468#2, %mul3A_489 : vector<16xf32>
      %swap3A_491 = arith.constant 2 : i32
      %swap3A_492 = arith.index_cast %swap3A_491 : i32 to index
      %swap3A_493 = arith.constant 32 : index
      %swap3A_494 = tpu.vector_load %arg9[%swap3A_492, %swap3A_493] {strides = array<i32>} : memref<4x64xf32, #tpu.memory_space<vmem>>, vector<1x16xf32>,
      %swap3A_495 = vector.shape_cast %swap3A_494 : vector<1x16xf32> to vector<16xf32>
      %swap3A_496 = vector.shape_cast %mul3A_490 : vector<16xf32> to vector<1x16xf32>
      tpu.vector_store %arg9[%swap3A_492, %swap3A_493], %swap3A_496 {strides = array<i32>} : memref<4x64xf32, #tpu.memory_space<vmem>>, vector<1x16xf32>,
      %mul3A_497 = arith.constant 5.000000e-03 : f32
      %mul3A_498 = vector.broadcast %mul3A_497 : f32 to vector<16xf32>
      %mul3A_499 = arith.mulf %scan3A_468#3, %mul3A_498 : vector<16xf32>
      %swap3A_500 = arith.constant 2 : i32
      %swap3A_501 = arith.index_cast %swap3A_500 : i32 to index
      %swap3A_502 = arith.constant 48 : index
      %swap3A_503 = tpu.vector_load %arg9[%swap3A_501, %swap3A_502] {strides = array<i32>} : memref<4x64xf32, #tpu.memory_space<vmem>>, vector<1x16xf32>,
      %swap3A_504 = vector.shape_cast %swap3A_503 : vector<1x16xf32> to vector<16xf32>
      %swap3A_505 = vector.shape_cast %mul3A_499 : vector<16xf32> to vector<1x16xf32>
      tpu.vector_store %arg9[%swap3A_501, %swap3A_502], %swap3A_505 {strides = array<i32>} : memref<4x64xf32, #tpu.memory_space<vmem>>, vector<1x16xf32>,
      %broadcast_in_dim3A_506 = arith.constant 0.000000e+00 : f32
      %broadcast_in_dim3A_507 = vector.broadcast %broadcast_in_dim3A_506 : f32 to vector<16xf32>
      %scan3A_508 = arith.constant 0 : i32
      %scan3A_509 = arith.constant 200 : i32
      %scan3A_510 = arith.addi %scan3A_508, %scan3A_509 : i32
      %scan3A_511 = arith.constant 4 : i32
      %scan3A_512:4 = scf.for %scan3A_553 = %scan3A_508 to %scan3A_510 step %scan3A_511 iter_args(%scan3A_554 = %broadcast_in_dim3A_507, %scan3A_555 = %broadcast_in_dim3A_507, %scan3A_556 = %broadcast_in_dim3A_507, %scan3A_557 = %broadcast_in_dim3A_507) -> (vector<16xf32>, vector<16xf32>, vector<16xf32>, vector<16xf32>)  : i32 {
        %add3A_558 = arith.constant 600 : i32
        %add3A_559 = arith.addi %add3A_558, %scan3A_553 : i32
        %get3A = arith.index_cast %add3A_559 : i32 to index
        %get3A_560 = arith.constant 0 : index
        %get3A_561 = tpu.vector_load %arg8[%get3A, %get3A_560] {strides = array<i32>} : memref<800x64xf32, #tpu.memory_space<vmem>>, vector<1x16xf32>,
        %get3A_562 = vector.shape_cast %get3A_561 : vector<1x16xf32> to vector<16xf32>
        %add3A_563 = arith.addf %scan3A_554, %get3A_562 : vector<16xf32>
        %add3A_564 = arith.constant 600 : i32
        %add3A_565 = arith.addi %add3A_564, %scan3A_553 : i32
        %get3A_566 = arith.index_cast %add3A_565 : i32 to index
        %get3A_567 = arith.constant 16 : index
        %get3A_568 = tpu.vector_load %arg8[%get3A_566, %get3A_567] {strides = array<i32>} : memref<800x64xf32, #tpu.memory_space<vmem>>, vector<1x16xf32>,
        %get3A_569 = vector.shape_cast %get3A_568 : vector<1x16xf32> to vector<16xf32>
        %add3A_570 = arith.addf %scan3A_555, %get3A_569 : vector<16xf32>
        %add3A_571 = arith.constant 600 : i32
        %add3A_572 = arith.addi %add3A_571, %scan3A_553 : i32
        %get3A_573 = arith.index_cast %add3A_572 : i32 to index
        %get3A_574 = arith.constant 32 : index
        %get3A_575 = tpu.vector_load %arg8[%get3A_573, %get3A_574] {strides = array<i32>} : memref<800x64xf32, #tpu.memory_space<vmem>>, vector<1x16xf32>,
        %get3A_576 = vector.shape_cast %get3A_575 : vector<1x16xf32> to vector<16xf32>
        %add3A_577 = arith.addf %scan3A_556, %get3A_576 : vector<16xf32>
        %add3A_578 = arith.constant 600 : i32
        %add3A_579 = arith.addi %add3A_578, %scan3A_553 : i32
        %get3A_580 = arith.index_cast %add3A_579 : i32 to index
        %get3A_581 = arith.constant 48 : index
        %get3A_582 = tpu.vector_load %arg8[%get3A_580, %get3A_581] {strides = array<i32>} : memref<800x64xf32, #tpu.memory_space<vmem>>, vector<1x16xf32>,
        %get3A_583 = vector.shape_cast %get3A_582 : vector<1x16xf32> to vector<16xf32>
        %add3A_584 = arith.addf %scan3A_557, %get3A_583 : vector<16xf32>
        %scan3A_585 = arith.constant 1 : i32
        %scan3A_586 = arith.addi %scan3A_553, %scan3A_585 : i32
        %add3A_587 = arith.constant 600 : i32
        %add3A_588 = arith.addi %add3A_587, %scan3A_586 : i32
        %get3A_589 = arith.index_cast %add3A_588 : i32 to index
        %get3A_590 = arith.constant 0 : index
        %get3A_591 = tpu.vector_load %arg8[%get3A_589, %get3A_590] {strides = array<i32>} : memref<800x64xf32, #tpu.memory_space<vmem>>, vector<1x16xf32>,
        %get3A_592 = vector.shape_cast %get3A_591 : vector<1x16xf32> to vector<16xf32>
        %add3A_593 = arith.addf %add3A_563, %get3A_592 : vector<16xf32>
        %add3A_594 = arith.constant 600 : i32
        %add3A_595 = arith.addi %add3A_594, %scan3A_586 : i32
        %get3A_596 = arith.index_cast %add3A_595 : i32 to index
        %get3A_597 = arith.constant 16 : index
        %get3A_598 = tpu.vector_load %arg8[%get3A_596, %get3A_597] {strides = array<i32>} : memref<800x64xf32, #tpu.memory_space<vmem>>, vector<1x16xf32>,
        %get3A_599 = vector.shape_cast %get3A_598 : vector<1x16xf32> to vector<16xf32>
        %add3A_600 = arith.addf %add3A_570, %get3A_599 : vector<16xf32>
        %add3A_601 = arith.constant 600 : i32
        %add3A_602 = arith.addi %add3A_601, %scan3A_586 : i32
        %get3A_603 = arith.index_cast %add3A_602 : i32 to index
        %get3A_604 = arith.constant 32 : index
        %get3A_605 = tpu.vector_load %arg8[%get3A_603, %get3A_604] {strides = array<i32>} : memref<800x64xf32, #tpu.memory_space<vmem>>, vector<1x16xf32>,
        %get3A_606 = vector.shape_cast %get3A_605 : vector<1x16xf32> to vector<16xf32>
        %add3A_607 = arith.addf %add3A_577, %get3A_606 : vector<16xf32>
        %add3A_608 = arith.constant 600 : i32
        %add3A_609 = arith.addi %add3A_608, %scan3A_586 : i32
        %get3A_610 = arith.index_cast %add3A_609 : i32 to index
        %get3A_611 = arith.constant 48 : index
        %get3A_612 = tpu.vector_load %arg8[%get3A_610, %get3A_611] {strides = array<i32>} : memref<800x64xf32, #tpu.memory_space<vmem>>, vector<1x16xf32>,
        %get3A_613 = vector.shape_cast %get3A_612 : vector<1x16xf32> to vector<16xf32>
        %add3A_614 = arith.addf %add3A_584, %get3A_613 : vector<16xf32>
        %scan3A_615 = arith.constant 2 : i32
        %scan3A_616 = arith.addi %scan3A_553, %scan3A_615 : i32
        %add3A_617 = arith.constant 600 : i32
        %add3A_618 = arith.addi %add3A_617, %scan3A_616 : i32
        %get3A_619 = arith.index_cast %add3A_618 : i32 to index
        %get3A_620 = arith.constant 0 : index
        %get3A_621 = tpu.vector_load %arg8[%get3A_619, %get3A_620] {strides = array<i32>} : memref<800x64xf32, #tpu.memory_space<vmem>>, vector<1x16xf32>,
        %get3A_622 = vector.shape_cast %get3A_621 : vector<1x16xf32> to vector<16xf32>
        %add3A_623 = arith.addf %add3A_593, %get3A_622 : vector<16xf32>
        %add3A_624 = arith.constant 600 : i32
        %add3A_625 = arith.addi %add3A_624, %scan3A_616 : i32
        %get3A_626 = arith.index_cast %add3A_625 : i32 to index
        %get3A_627 = arith.constant 16 : index
        %get3A_628 = tpu.vector_load %arg8[%get3A_626, %get3A_627] {strides = array<i32>} : memref<800x64xf32, #tpu.memory_space<vmem>>, vector<1x16xf32>,
        %get3A_629 = vector.shape_cast %get3A_628 : vector<1x16xf32> to vector<16xf32>
        %add3A_630 = arith.addf %add3A_600, %get3A_629 : vector<16xf32>
        %add3A_631 = arith.constant 600 : i32
        %add3A_632 = arith.addi %add3A_631, %scan3A_616 : i32
        %get3A_633 = arith.index_cast %add3A_632 : i32 to index
        %get3A_634 = arith.constant 32 : index
        %get3A_635 = tpu.vector_load %arg8[%get3A_633, %get3A_634] {strides = array<i32>} : memref<800x64xf32, #tpu.memory_space<vmem>>, vector<1x16xf32>,
        %get3A_636 = vector.shape_cast %get3A_635 : vector<1x16xf32> to vector<16xf32>
        %add3A_637 = arith.addf %add3A_607, %get3A_636 : vector<16xf32>
        %add3A_638 = arith.constant 600 : i32
        %add3A_639 = arith.addi %add3A_638, %scan3A_616 : i32
        %get3A_640 = arith.index_cast %add3A_639 : i32 to index
        %get3A_641 = arith.constant 48 : index
        %get3A_642 = tpu.vector_load %arg8[%get3A_640, %get3A_641] {strides = array<i32>} : memref<800x64xf32, #tpu.memory_space<vmem>>, vector<1x16xf32>,
        %get3A_643 = vector.shape_cast %get3A_642 : vector<1x16xf32> to vector<16xf32>
        %add3A_644 = arith.addf %add3A_614, %get3A_643 : vector<16xf32>
        %scan3A_645 = arith.constant 3 : i32
        %scan3A_646 = arith.addi %scan3A_553, %scan3A_645 : i32
        %add3A_647 = arith.constant 600 : i32
        %add3A_648 = arith.addi %add3A_647, %scan3A_646 : i32
        %get3A_649 = arith.index_cast %add3A_648 : i32 to index
        %get3A_650 = arith.constant 0 : index
        %get3A_651 = tpu.vector_load %arg8[%get3A_649, %get3A_650] {strides = array<i32>} : memref<800x64xf32, #tpu.memory_space<vmem>>, vector<1x16xf32>,
        %get3A_652 = vector.shape_cast %get3A_651 : vector<1x16xf32> to vector<16xf32>
        %add3A_653 = arith.addf %add3A_623, %get3A_652 : vector<16xf32>
        %add3A_654 = arith.constant 600 : i32
        %add3A_655 = arith.addi %add3A_654, %scan3A_646 : i32
        %get3A_656 = arith.index_cast %add3A_655 : i32 to index
        %get3A_657 = arith.constant 16 : index
        %get3A_658 = tpu.vector_load %arg8[%get3A_656, %get3A_657] {strides = array<i32>} : memref<800x64xf32, #tpu.memory_space<vmem>>, vector<1x16xf32>,
        %get3A_659 = vector.shape_cast %get3A_658 : vector<1x16xf32> to vector<16xf32>
        %add3A_660 = arith.addf %add3A_630, %get3A_659 : vector<16xf32>
        %add3A_661 = arith.constant 600 : i32
        %add3A_662 = arith.addi %add3A_661, %scan3A_646 : i32
        %get3A_663 = arith.index_cast %add3A_662 : i32 to index
        %get3A_664 = arith.constant 32 : index
        %get3A_665 = tpu.vector_load %arg8[%get3A_663, %get3A_664] {strides = array<i32>} : memref<800x64xf32, #tpu.memory_space<vmem>>, vector<1x16xf32>,
        %get3A_666 = vector.shape_cast %get3A_665 : vector<1x16xf32> to vector<16xf32>
        %add3A_667 = arith.addf %add3A_637, %get3A_666 : vector<16xf32>
        %add3A_668 = arith.constant 600 : i32
        %add3A_669 = arith.addi %add3A_668, %scan3A_646 : i32
        %get3A_670 = arith.index_cast %add3A_669 : i32 to index
        %get3A_671 = arith.constant 48 : index
        %get3A_672 = tpu.vector_load %arg8[%get3A_670, %get3A_671] {strides = array<i32>} : memref<800x64xf32, #tpu.memory_space<vmem>>, vector<1x16xf32>,
        %get3A_673 = vector.shape_cast %get3A_672 : vector<1x16xf32> to vector<16xf32>
        %add3A_674 = arith.addf %add3A_644, %get3A_673 : vector<16xf32>
        scf.yield %add3A_653, %add3A_660, %add3A_667, %add3A_674 : vector<16xf32>, vector<16xf32>, vector<16xf32>, vector<16xf32>
      }
      %scan3A_513 = arith.constant 200 : i32
      %mul3A_514 = arith.constant 5.000000e-03 : f32
      %mul3A_515 = vector.broadcast %mul3A_514 : f32 to vector<16xf32>
      %mul3A_516 = arith.mulf %scan3A_512#0, %mul3A_515 : vector<16xf32>
      %swap3A_517 = arith.constant 3 : i32
      %swap3A_518 = arith.index_cast %swap3A_517 : i32 to index
      %swap3A_519 = arith.constant 0 : index
      %swap3A_520 = tpu.vector_load %arg9[%swap3A_518, %swap3A_519] {strides = array<i32>} : memref<4x64xf32, #tpu.memory_space<vmem>>, vector<1x16xf32>,
      %swap3A_521 = vector.shape_cast %swap3A_520 : vector<1x16xf32> to vector<16xf32>
      %swap3A_522 = vector.shape_cast %mul3A_516 : vector<16xf32> to vector<1x16xf32>
      tpu.vector_store %arg9[%swap3A_518, %swap3A_519], %swap3A_522 {strides = array<i32>} : memref<4x64xf32, #tpu.memory_space<vmem>>, vector<1x16xf32>,
      %mul3A_523 = arith.constant 5.000000e-03 : f32
      %mul3A_524 = vector.broadcast %mul3A_523 : f32 to vector<16xf32>
      %mul3A_525 = arith.mulf %scan3A_512#1, %mul3A_524 : vector<16xf32>
      %swap3A_526 = arith.constant 3 : i32
      %swap3A_527 = arith.index_cast %swap3A_526 : i32 to index
      %swap3A_528 = arith.constant 16 : index
      %swap3A_529 = tpu.vector_load %arg9[%swap3A_527, %swap3A_528] {strides = array<i32>} : memref<4x64xf32, #tpu.memory_space<vmem>>, vector<1x16xf32>,
      %swap3A_530 = vector.shape_cast %swap3A_529 : vector<1x16xf32> to vector<16xf32>
      %swap3A_531 = vector.shape_cast %mul3A_525 : vector<16xf32> to vector<1x16xf32>
      tpu.vector_store %arg9[%swap3A_527, %swap3A_528], %swap3A_531 {strides = array<i32>} : memref<4x64xf32, #tpu.memory_space<vmem>>, vector<1x16xf32>,
      %mul3A_532 = arith.constant 5.000000e-03 : f32
      %mul3A_533 = vector.broadcast %mul3A_532 : f32 to vector<16xf32>
      %mul3A_534 = arith.mulf %scan3A_512#2, %mul3A_533 : vector<16xf32>
      %swap3A_535 = arith.constant 3 : i32
      %swap3A_536 = arith.index_cast %swap3A_535 : i32 to index
      %swap3A_537 = arith.constant 32 : index
      %swap3A_538 = tpu.vector_load %arg9[%swap3A_536, %swap3A_537] {strides = array<i32>} : memref<4x64xf32, #tpu.memory_space<vmem>>, vector<1x16xf32>,
      %swap3A_539 = vector.shape_cast %swap3A_538 : vector<1x16xf32> to vector<16xf32>
      %swap3A_540 = vector.shape_cast %mul3A_534 : vector<16xf32> to vector<1x16xf32>
      tpu.vector_store %arg9[%swap3A_536, %swap3A_537], %swap3A_540 {strides = array<i32>} : memref<4x64xf32, #tpu.memory_space<vmem>>, vector<1x16xf32>,
      %mul3A_541 = arith.constant 5.000000e-03 : f32
      %mul3A_542 = vector.broadcast %mul3A_541 : f32 to vector<16xf32>
      %mul3A_543 = arith.mulf %scan3A_512#3, %mul3A_542 : vector<16xf32>
      %swap3A_544 = arith.constant 3 : i32
      %swap3A_545 = arith.index_cast %swap3A_544 : i32 to index
      %swap3A_546 = arith.constant 48 : index
      %swap3A_547 = tpu.vector_load %arg9[%swap3A_545, %swap3A_546] {strides = array<i32>} : memref<4x64xf32, #tpu.memory_space<vmem>>, vector<1x16xf32>,
      %swap3A_548 = vector.shape_cast %swap3A_547 : vector<1x16xf32> to vector<16xf32>
      %swap3A_549 = vector.shape_cast %mul3A_543 : vector<16xf32> to vector<1x16xf32>
      tpu.vector_store %arg9[%swap3A_545, %swap3A_546], %swap3A_549 {strides = array<i32>} : memref<4x64xf32, #tpu.memory_space<vmem>>, vector<1x16xf32>,
      %mul3A_550 = arith.constant 4 : i32
      %mul3A_551 = arith.muli %add3A_373, %mul3A_550 : i32
      %add3A_552 = arith.addi %mul3A_2, %mul3A_551 : i32
      "tpu.region"() ({
        %run_scoped3A = tpu.sem_alloc : memref<!tpu.dma_semaphore, #tpu.memory_space<semaphore_mem>>
        %dma_start3A_553 = arith.constant 0 : i32
        %dma_start3A_554 = tpu.memref_slice %arg4[%add3A_552, %dma_start3A_553] : memref<16384x64xf32, #tpu.memory_space<hbm>> -> memref<4x64xf32, #tpu.memory_space<hbm>>
        %dma_start3A_555 = arith.constant 0 : i32
        %dma_start3A_556 = tpu.memref_slice %arg4[%add3A_552, %dma_start3A_555] : memref<16384x64xf32, #tpu.memory_space<hbm>> -> memref<4x64xf32, #tpu.memory_space<hbm>>
        tpu.enqueue_dma source(%arg9 : memref<4x64xf32, #tpu.memory_space<vmem>>) target(%dma_start3A_556 : memref<4x64xf32, #tpu.memory_space<hbm>>) target_semaphore(%run_scoped3A : memref<!tpu.dma_semaphore, #tpu.memory_space<semaphore_mem>>)
        %dma_wait3A_557 = arith.constant 0 : i32
        %dma_wait3A_558 = tpu.memref_slice %arg4[%add3A_552, %dma_wait3A_557] : memref<16384x64xf32, #tpu.memory_space<hbm>> -> memref<4x64xf32, #tpu.memory_space<hbm>>
        %dma_wait3A_559 = arith.constant 0 : i32
        %dma_wait3A_560 = tpu.memref_slice %arg4[%add3A_552, %dma_wait3A_559] : memref<16384x64xf32, #tpu.memory_space<hbm>> -> memref<4x64xf32, #tpu.memory_space<hbm>>
        tpu.wait_dma2 semaphore(%run_scoped3A : memref<!tpu.dma_semaphore, #tpu.memory_space<semaphore_mem>>) src(%arg9 : memref<4x64xf32, #tpu.memory_space<vmem>>) dst(%dma_wait3A_560 : memref<4x64xf32, #tpu.memory_space<hbm>>)
        tpu.yield
      }) : () -> ()
    }
    %scan3A_89 = arith.constant 64 : i32
    return
  }
}

</mosaic_0001>

<sc_bundles>
// kernel: kernel.3.cloned.1.call-start
scs
__scs_entry_jumppad:
0x0: {  	(pc) =	sbr.rel $0x88, $3  }
0x1: {  	(tag) =	ssettag $0x0;
	lr =	simm.s32 $0x1  }
0x2: {  	[smem:$0x3F9F] =	sst lr;
	_ =	strace $0xD0000000  }
0x3: {  	_ = 	snop  }
0x4: {  	_ = 	snop  }
0x5: {  	_ = 	snop  }
0x6: {  	_ = 	snop  }
0x7: {  	_ = 	snop  }
__scs_overlays_trampoline_lowered:
0x8: {  	[smem:$0x3FAE] =	sst s0  }
0x9: {  	[smem:$0x3FAF] =	sst s1  }
0xa: {  	[smem:$0x3FB0] =	sst s2  }
0xb: {  	[smem:$0x3FB1] =	sst s3  }
0xc: {  	[smem:$0x3FB2] =	sst s4  }
0xd: {  	[smem:$0x3FB3] =	sst s5  }
0xe: {  	[smem:$0x3FB4] =	sst s6  }
0xf: {  	[smem:$0x3FB5] =	sst s7  }
0x10: {  	[smem:$0x3FB6] =	sst s8  }
0x11: {  	[smem:$0x3FB7] =	sst s9;
	s0 =	simm.s32 @!p0 $0x0  }
0x12: {  	s1 =	sld [smem:$0x3F9D];
	s0 =	simm.s32 @p0 $0x1  }
0x13: {  	[smem:$0x3FB8] =	sst s0;
	s0 =	simm.s32 @!p1 $0x0  }
0x14: {  	s2 =	sld [smem:$0x3F9C];
	s0 =	simm.s32 @p1 $0x1  }
0x15: {  	[smem:$0x3FB9] =	sst s0;
	s0 =	simm.s32 @!p2 $0x0  }
0x16: {  	s3 =	sld [smem:$0x3FDB];
	s0 =	simm.s32 @p2 $0x1  }
0x17: {  	s4 =	simm.s32 $0x1BF5;
	[smem:$0x3FBB] =	sst s0  }
0x18: {  	s0 =	sld [smem:$0x3F9E];
	_ =	swait.ge [sflag:s4], $0x0  }
0x19: {  	s7 =	sld [smem:$0x3F9F]  }
0x1a: {  	s8 =	sadd.s32 $0xFFFFE003, lr  }
0x1b: {  	s9 =	sadd.s32 $0xFFFFFEF7, lr;
	s5 =	simm.s32 $0xFFFFFFFF;
	p2 =	slt.u32 s8, $0xFFFFF086  }
0x1c: {  	p1 =	slt.u32 s9, $0xF7A;
	s5 =	simm.s32 @!p2 $0x0  }
0x1d: {  	s5 =	simm.s32 @p1 $0x1;
	p0 =	seq.s32 s7, s2  }
0x1e: {  	s7 =	smul.u32 @!p0 $0xF7A, s2;
	p2 =	seq.s32 @!p0 s5, $0x0  }
0x1f: {  	s9 =	smul.u32 $0xF7A, s1;
	s8 =	simm.s32 @!p0 $0x1BF5;
	p2 =	por !p2, p0  }
0x20: {  	[sflag:s8] =	ssyncset.s32 @!p0 $0xFFFFF086;
	s6 =	sadd.s32 @!p0 s3, s7;
	s7 =	simm.s32 @!p0 $0x108  }
0x21: {  	s3 =	sadd.s32 s3, s9;
	s6 =	sadd.s32 @!p0 $0x88, s6;
	s7 =	simm.s32 @p2 $0x1082  }
0x22: {  	[simem:s7], [sflag:s8] =	dma.local @!p0 [hbm:s6], $0xF7A  }
0x23: {  	s9 =	sor.u32 $0xD0000000, s2;
	s6 =	simm.s32 $0x108;
	_ =	swait.ge @!p0 [sflag:s8], $0x0  }
0x24: {  	s3 =	sadd.s32 $0x88, s3;
	s6 =	simm.s32 @!p1 $0x1082;
	[sflag:s4] =	ssyncset.s32 $0xFFFFF086  }
0x25: {  	[simem:s6], [sflag:s4] =	dma.local [hbm:s3], $0xF7A  }
0x26: {  	[smem:$0x3F9F] =	sst s1;
	(tag) =	ssettag s2;
	_ =	strace s9  }
0x27: {  	s1 =	sld [smem:$0x3FAF]  }
0x28: {  	s2 =	sld [smem:$0x3FB0]  }
0x29: {  	s4 =	sld [smem:$0x3FB2]  }
0x2a: {  	p0 =	seq.s32 s5, $0x0;
	s5 =	sld [smem:$0x3FB3]  }
0x2b: {  	s6 =	sld [smem:$0x3FB4]  }
0x2c: {  	s7 =	sld [smem:$0x3FB5]  }
0x2d: {  	s3 =	simm.s32 $0x108;
	s8 =	sld [smem:$0x3FB6]  }
0x2e: {  	s3 =	simm.s32 @!p0 $0x1082;
	s9 =	sld [smem:$0x3FB7]  }
0x2f: {  	lr =	sadd.s32 s0, s3;
	s0 =	sld [smem:$0x3FAE]  }
0x30: {  	s3 =	sld [smem:$0x3FB1]  }
0x31: {  	[smem:$0x3FBA] =	sst s10  }
0x32: {  	s10 =	sld [smem:$0x3FB8];
	_ =	sdelay $0x3  }
0x33: {  	p0 =	seq.s32 s10, $0x1;
	s10 =	sld [smem:$0x3FBA];
	_ =	sdelay $0x3  }
0x34: {  	[smem:$0x3FBA] =	sst s10  }
0x35: {  	s10 =	sld [smem:$0x3FB9];
	_ =	sdelay $0x3  }
0x36: {  	p1 =	seq.s32 s10, $0x1;
	s10 =	sld [smem:$0x3FBA];
	_ =	sdelay $0x3  }
0x37: {  	[smem:$0x3FBA] =	sst s10  }
0x38: {  	s10 =	sld [smem:$0x3FBB]  }
0x39: {  	_ = 	snop;
	(pc) =	sbr.ind lr, $3  }
0x3a: {  	_ = 	snop  }
0x3b: {  	_ = 	snop  }
0x3c: {  	p2 =	seq.s32 s10, $0x1;
	s10 =	sld [smem:$0x3FBA]  }
0x3d: {  	_ =	shalt  }
0x3e: {  	_ =	shalt  }
0x3f: {  	_ =	shalt  }
0x40: {  	_ =	shalt  }
0x41: {  	_ =	shalt  }
0x42: {  	_ =	shalt  }
0x43: {  	_ =	shalt  }
0x44: {  	_ =	shalt  }
0x45: {  	_ =	shalt  }
0x46: {  	_ =	shalt  }
0x47: {  	_ =	shalt  }
0x48: {  	_ =	shalt  }
0x49: {  	_ =	shalt  }
0x4a: {  	_ =	shalt  }
0x4b: {  	_ =	shalt  }
0x4c: {  	_ =	shalt  }
0x4d: {  	_ =	shalt  }
0x4e: {  	_ =	shalt  }
0x4f: {  	_ =	shalt  }
0x50: {  	_ =	shalt  }
0x51: {  	_ =	shalt  }
0x52: {  	_ =	shalt  }
0x53: {  	_ =	shalt  }
0x54: {  	_ =	shalt  }
0x55: {  	_ =	shalt  }
0x56: {  	_ =	shalt  }
0x57: {  	_ =	shalt  }
0x58: {  	_ =	shalt  }
0x59: {  	_ =	shalt  }
0x5a: {  	_ =	shalt  }
0x5b: {  	_ =	shalt  }
0x5c: {  	_ =	shalt  }
0x5d: {  	_ =	shalt  }
0x5e: {  	_ =	shalt  }
0x5f: {  	_ =	shalt  }
0x60: {  	_ =	shalt  }
0x61: {  	_ =	shalt  }
0x62: {  	_ =	shalt  }
0x63: {  	_ =	shalt  }
0x64: {  	_ =	shalt  }
0x65: {  	_ =	shalt  }
0x66: {  	_ =	shalt  }
0x67: {  	_ =	shalt  }
0x68: {  	_ =	shalt  }
0x69: {  	_ =	shalt  }
0x6a: {  	_ =	shalt  }
0x6b: {  	_ =	shalt  }
0x6c: {  	_ =	shalt  }
0x6d: {  	_ =	shalt  }
0x6e: {  	_ =	shalt  }
0x6f: {  	_ =	shalt  }
0x70: {  	_ =	shalt  }
0x71: {  	_ =	shalt  }
0x72: {  	_ =	shalt  }
0x73: {  	_ =	shalt  }
0x74: {  	_ =	shalt  }
0x75: {  	_ =	shalt  }
0x76: {  	_ =	shalt  }
0x77: {  	_ =	shalt  }
0x78: {  	_ =	shalt  }
0x79: {  	_ =	shalt  }
0x7a: {  	_ =	shalt  }
0x7b: {  	_ =	shalt  }
0x7c: {  	_ =	shalt  }
0x7d: {  	_ =	shalt  }
0x7e: {  	_ =	shalt  }
0x7f: {  	_ =	shalt  }
0x80: {  	_ =	shalt  }
0x81: {  	_ =	shalt  }
0x82: {  	_ =	shalt  }
0x83: {  	_ =	shalt  }
0x84: {  	_ =	shalt  }
0x85: {  	_ =	shalt  }
0x86: {  	_ =	shalt  }
0x87: {  	_ =	shalt  }
.Lfunc_end0:
.L_simem_size_0:
called_computation.1_lowered:
.L_overlay_start_0:
0x88: {  	s2 =	sld [smem:$0x3FD9]  }
0x89: {  	s3 =	sld [smem:$0x3FFE];
	_ =	sdelay $0x1  }
0x8a: {  	s1 =	srdreg.scid  }
0x8b: {  	s0 =	sand.u32 $0x1, s1  }
0x8c: {  	s17 =	sshll.u32 s0, $0xA;
	s2 =	sadd.s32 s3, s2  }
0x8d: {  	s2 =	sadd.s32 s2, s17  }
0x8e: {  	[smem:$0x3FC6] =	sst s2  }
0x8f: {  	_ = 	snop  }
0x90: {  	s2 =	sld [smem:$0x3FD0];
	(tm) =	ssettm $0x1  }
0x91: {  	s18 =	sld [smem:$0x3FFB];
	_ =	sdelay $0x3  }
0x92: {  	_ =	strace s18  }
0x93: {  	s3 =	sld [smem:$0x3FFC];
	_ =	sdelay $0x3  }
0x94: {  	_ =	strace s3  }
0x95: {  	s3 =	sld [smem:$0x3FFD];
	_ =	sdelay $0x3  }
0x96: {  	_ =	strace s3  }
0x97: {  	_ =	strace $0x8FFFFFFF  }
0x98: {  	s19 =	sld [smem:$0x3FDB];
	_ =	sdelay $0x1  }
0x99: {  	s4 =	simm.s32 $_scs_section_size  }
0x9a: {  	s5 =	simm.s32 $_size__tile_overlayer_lowered;
	s6 =	simm.s32 $_tile_overlayer_lowered  }
0x9b: {  	s22 =	simm.s32 $0x1BFF;
	s21 =	sshll.u32 s6, $0x1;
	s3 =	sadd.s32 s4, s19  }
0x9c: {  	s7 =	simm.s32 $0x0;
	s20 =	sshll.u32 s5, $0x1;
	s5 =	sadd.s32 s21, s3  }
0x9d: {  	[timem:s7], [sflag:s22] =	dma.local [hbm:s5], s20  }
0x9e: {  	_ =	swait.ge [sflag:s22], s20  }
0x9f: {  	s4 =	ssub.s32 $0x0, s20;
	[sflag:s22] =	ssyncset.done $0x0  }
0xa0: {  	[sflag:s22] =	ssyncadd.s32 s4;
	_ =	sdelay $0x1  }
0xa1: {  	s23 =	simm.s32 $0x1B8B  }
0xa2: {  	_ =	swait.ge [sflag:s23], $0x1  }
0xa3: {  	[sflag:s23] =	ssyncset.done $0x0  }
0xa4: {  	s25 =	simm.s32 $0x1B8E;
	s24 =	sld [smem:$0x3FFE];
	[sflag:s23] =	ssyncadd.s32 $0xFFFFFFFF  }
0xa5: {  	s26 =	simm.s32 $execute0_lowered;
	[smem:$0x3FD2] =	sst s25  }
0xa6: {  	s5 =	sshll.u32 s26, $0x1;
	_ =	strace $0x80000049;
	[dreg:$0x1] =	wrdreg $0xFFFFFFFF  }
0xa7: {  	s28 =	simm.s32 $_size_execute0_lowered;
	s3 =	sadd.s32 s3, s5;
	[dreg:$0x0] =	wrdreg $0x0  }
0xa8: {  	s5 =	sshll.u32 s28, $0x1;
	[dreg:$0x2] =	wrdreg s3  }
0xa9: {  	[dreg:$0x3] =	wrdreg s5  }
0xaa: {  	[dreg:$0x4] =	wrdreg $0xC0  }
0xab: {  	_ =	task [dreg:s7], $0x5FFFF  }
0xac: {  	[dreg:$0x1] =	wrdreg $0xFFFFFFFF  }
0xad: {  	[dreg:$0x0] =	wrdreg $0x60  }
0xae: {  	[dreg:$0x2] =	wrdreg s24  }
0xaf: {  	[dreg:$0x3] =	wrdreg s2  }
0xb0: {  	[dreg:$0x4] =	wrdreg $0x9  }
0xb1: {  	_ =	task.clear_ibuf [dreg:s7], $0x5FFFF;
	_ =	strace $0x90000049  }
0xb2: {  	s29 =	simm.s32 $0x9;
	_ =	strace $0x8000004B  }
0xb3: {  	_ =	swait.ge [sflag:s29], $0x1  }
0xb4: {  	[sflag:s29] =	ssyncadd.s32 $0xFFFFFFFF  }
0xb5: {  	_ =	strace $0x9000004B  }
0xb6: {  	_ =	sfence  }
0xb7: {  	s30 =	sld [smem:$0x0];
	_ =	sdelay $0x2  }
0xb8: {  	s31 =	sshll.u32 s1, $0xD;
	s1 =	sshrl.u32 s1, $0x2  }
0xb9: {  	s3 =	sand.u32 $0x4000, s31;
	s1 =	sadd.s32 s1, s30  }
0xba: {  	s0 =	sor.u32 s3, s0;
	s1 =	sshll.u32 s1, $0x11  }
0xbb: {  	s0 =	sor.u32 s1, s0  }
0xbc: {  	s0 =	sadd.s32 $0x8F2B, s0  }
0xbd: {  	[sflag:s0] =	ssyncadd.remote.s32 $0x1  }
0xbe: {  	_ =	sfence.sel $0xFFFF  }
0xbf: {  	[dreg:$0x0] =	wrdreg $0xFFFFFFFF;
	(pc) =	sbr.abs _section_cstart, $3  }
0xc0: {  	[dreg:$0x1] =	wrdreg $0xFFFFFFFF  }
0xc1: {  	_ =	task.clear_ibuf [dreg:s7], $0x2FFFF;
	_ =	strace $0x9FFFFFFF  }
0xc2: {  	(tm) =	ssettm $0x7FFFFFFF  }
0xc3: {  	_ =	shalt  }
tec
execute0_lowered:
.L_overlay_start_1:
0x0: {  	(tag) =	ssettag $0x1  }
0x1: {  	s0 =	rddreg [dreg:$0x0]  }
0x2: {  	s7 =	rddreg [dreg:$0x1];
	s3 =	simm.s32 $0x0;
	s1 =	srdreg.scid  }
0x3: {  	s2 =	stileid.u32;
	s11 =	simm.s32 $0x3;
	s12 =	simm.s32 $0x64  }
0x4: {  	s29 =	simm.s32 $0x340;
	s31 =	simm.s32 $0x3A8;
	s13 =	simm.s32 $0x10080  }
0x5: {  	s14 =	simm.s32 $0x478;
	s15 =	simm.s32 $0x11980;
	s16 =	simm.s32 $0x4E0  }
0x6: {  	s17 =	simm.s32 $0x13280;
	s18 =	simm.s32 $0x548;
	s19 =	simm.s32 $0x14B80  }
0x7: {  	s20 =	simm.s32 $0x5B0;
	s21 =	simm.s32 $0x16480;
	s22 =	simm.s32 $0x618  }
0x8: {  	s23 =	simm.s32 $0x17D80;
	s24 =	simm.s32 $0x1;
	s25 =	simm.s32 $0x19680  }
0x9: {  	s26 =	simm.s32 $0x2;
	[smem:$0x7FF] =	sst s3;
	s1 =	sand.u32 $0x1, s1  }
0xa: {  	s2 =	sshll.u32 s2, $0x1;
	s4 =	sadd.s32 $0xF42E00, s0;
	s6 =	ssub.s32 $0x2, s1  }
0xb: {  	s5 =	sadd.s32 $0xFAAE00, s0;
	s1 =	sor.u32 s1, s2;
	s28 =	sshrl.u32 s6, $0x1  }
0xc: {  	s2 =	smul.u32 $0x3400, s1;
	s30 =	sshll.u32 s1, $0x9;
	s1 =	sshll.u32 s1, $0xC  }
0xd: {  	_ =	strace $0x8000004A;
	s0 =	ssub.s32 s6, s28;
	s7 =	sadd.s32 s7, s1  }
0xe: {  	s8 =	sor.u32 $0x8, s30;
	s10 =	sor.u32 $0x4, s30;
	s2 =	sadd.s32 s4, s2  }
0xf: {  	s6 =	simm.s32 $0x0;
	s0 =	smax.u32 s0, $0x1;
	[dreg:$0x3] =	wrdreg s2  }
0x10: {  	[dreg:$0x4] =	wrdreg s0;
	s0 =	simm.s32 $0xE780;
	s2 =	simm.s32 $0x410  }
.LBB2_1:
0x11: {  	[dreg:$0x5] =	wrdreg s6  }
0x12: {  	s1 =	rddreg [dreg:$0x3]  }
0x13: {  	[tilespmem:s3], [sflag:$0x3] =	stream.linear.gather [hbm4b:s1+s3], $0x340, $0x38;
	[tilespmem:$0x19780] =	vst v63  }
0x14: {  	_ =	swait.ge [sflag:s11], $0x340  }
0x15: {  	[sflag:s11] =	ssyncset.done $0x0  }
0x16: {  	s9 =	simm.s32 $0x680;
	[sflag:s11] =	ssyncadd.s32 $0xFFFFFCC0  }
0x17: {  	[tilespmem:s9], [sflag:$0x1] =	stream.indirect.gather [hbm4b:s5+s12], $0x40, s3, s12, $0xb8;
	[tilespmem:$0x19780] =	vst v63  }
0x18: {  	s28 =	simm.s32 $0x68;
	s30 =	simm.s32 $0x1F80  }
0x19: {  	[tilespmem:s30], [sflag:$0x1] =	stream.indirect.gather [hbm4b:s5+s12], $0x40, s28, s12, $0xb8;
	[tilespmem:$0x19780] =	vst v63  }
0x1a: {  	s6 =	simm.s32 $0xD0;
	s9 =	simm.s32 $0x3880  }
0x1b: {  	[tilespmem:s9], [sflag:$0x1] =	stream.indirect.gather [hbm4b:s5+s12], $0x40, s6, s12, $0xb8;
	[tilespmem:$0x19780] =	vst v63  }
0x1c: {  	s28 =	simm.s32 $0x138;
	s30 =	simm.s32 $0x5180  }
0x1d: {  	[tilespmem:s30], [sflag:$0x1] =	stream.indirect.gather [hbm4b:s5+s12], $0x40, s28, s12, $0xb8;
	[tilespmem:$0x19780] =	vst v63  }
0x1e: {  	s6 =	simm.s32 $0x1A0;
	s9 =	simm.s32 $0x6A80  }
0x1f: {  	[tilespmem:s9], [sflag:$0x1] =	stream.indirect.gather [hbm4b:s5+s12], $0x40, s6, s12, $0xb8;
	[tilespmem:$0x19780] =	vst v63  }
0x20: {  	s28 =	simm.s32 $0x208;
	s30 =	simm.s32 $0x8380  }
0x21: {  	[tilespmem:s30], [sflag:$0x1] =	stream.indirect.gather [hbm4b:s5+s12], $0x40, s28, s12, $0xb8;
	[tilespmem:$0x19780] =	vst v63  }
0x22: {  	s6 =	simm.s32 $0x270;
	s9 =	simm.s32 $0x9C80  }
0x23: {  	[tilespmem:s9], [sflag:$0x1] =	stream.indirect.gather [hbm4b:s5+s12], $0x40, s6, s12, $0xb8;
	[tilespmem:$0x19780] =	vst v63  }
0x24: {  	s28 =	simm.s32 $0x2D8;
	s30 =	simm.s32 $0xB580;
	s9 =	simm.s32 $0x0  }
0x25: {  	[tilespmem:s30], [sflag:$0x1] =	stream.indirect.gather [hbm4b:s5+s12], $0x40, s28, s12, $0xb8;
	[tilespmem:$0x19780] =	vst v63  }
.LBB2_2:
0x26: {  	s28 =	sshll.u32 s9, $0x3  }
0x27: {  	s6 =	sor.u32 s10, s28  }
0x28: {  	s1 =	smul.u32 $0x1A, s6;
	_ =	sdelay $0x1  }
0x29: {  	s1 =	sadd.s32 s4, s1  }
0x2a: {  	[tilespmem:s29], [sflag:$0x3] =	stream.linear.gather [hbm4b:s1+s3], $0x340, $0x38;
	[tilespmem:$0x19780] =	vst v63  }
0x2b: {  	_ =	swait.ge [sflag:s11], $0x340  }
0x2c: {  	[sflag:s11] =	ssyncset.done $0x0  }
0x2d: {  	s1 =	simm.s32 $0xCE80;
	[sflag:s11] =	ssyncadd.s32 $0xFFFFFCC0  }
0x2e: {  	[tilespmem:s1], [sflag:$0x2] =	stream.indirect.gather [hbm4b:s5+s12], $0x40, s29, s12, $0xb8;
	[tilespmem:$0x19780] =	vst v63  }
0x2f: {  	_ = 	snop  }
0x30: {  	[tilespmem:s0], [sflag:$0x2] =	stream.indirect.gather [hbm4b:s5+s12], $0x40, s31, s12, $0xb8;
	[tilespmem:$0x19780] =	vst v63  }
0x31: {  	_ = 	snop  }
0x32: {  	[tilespmem:s13], [sflag:$0x2] =	stream.indirect.gather [hbm4b:s5+s12], $0x40, s2, s12, $0xb8;
	[tilespmem:$0x19780] =	vst v63  }
0x33: {  	_ = 	snop  }
0x34: {  	[tilespmem:s15], [sflag:$0x2] =	stream.indirect.gather [hbm4b:s5+s12], $0x40, s14, s12, $0xb8;
	[tilespmem:$0x19780] =	vst v63  }
0x35: {  	_ = 	snop  }
0x36: {  	[tilespmem:s17], [sflag:$0x2] =	stream.indirect.gather [hbm4b:s5+s12], $0x40, s16, s12, $0xb8;
	[tilespmem:$0x19780] =	vst v63  }
0x37: {  	_ = 	snop  }
0x38: {  	[tilespmem:s19], [sflag:$0x2] =	stream.indirect.gather [hbm4b:s5+s12], $0x40, s18, s12, $0xb8;
	[tilespmem:$0x19780] =	vst v63  }
0x39: {  	_ = 	snop  }
0x3a: {  	[tilespmem:s21], [sflag:$0x2] =	stream.indirect.gather [hbm4b:s5+s12], $0x40, s20, s12, $0xb8;
	[tilespmem:$0x19780] =	vst v63  }
0x3b: {  	_ = 	snop  }
0x3c: {  	[tilespmem:s23], [sflag:$0x2] =	stream.indirect.gather [hbm4b:s5+s12], $0x40, s22, s12, $0xb8;
	[tilespmem:$0x19780] =	vst v63  }
0x3d: {  	_ =	swait.ge [sflag:s24], $0xC800  }
0x3e: {  	[sflag:s24] =	ssyncset.done $0x0  }
0x3f: {  	s30 =	simm.s32 $0x700;
	[sflag:s24] =	ssyncadd.s32 $0xFFFF3800  }
0x40: {  	v0 =	vld [tilespmem:s30+$0x40]  }
0x41: {  	v1 =	vld [tilespmem:s30+$0x50]  }
0x42: {  	v2 =	vld [tilespmem:s30+$0x0]  }
0x43: {  	v3 =	vld [tilespmem:s30+$0x10]  }
0x44: {  	v9 =	vld [tilespmem:s30+$0xFFFFFFC0]  }
0x45: {  	v12 =	vld [tilespmem:s30+$0xFFFFFFD0]  }
0x46: {  	v5 =	vld [tilespmem:s30+$0xFFFFFF80]  }
0x47: {  	v7 =	vld [tilespmem:s30+$0xFFFFFF90]  }
0x48: {  	v10 =	vld [tilespmem:s30+$0xFFFFFFA0]  }
0x49: {  	v13 =	vld [tilespmem:s30+$0xFFFFFFB0]  }
0x4a: {  	v6 =	vld [tilespmem:s30+$0xFFFFFFE0]  }
0x4b: {  	v8 =	vld [tilespmem:s30+$0xFFFFFFF0]  }
0x4c: {  	v14 =	vimm.f32 $0.0e+00;
	v4 =	vld [tilespmem:s30+$0x20]  }
0x4d: {  	v15 =	vadd.f32 v5, v14;
	v16 =	vadd.f32 v7, v14;
	v7 =	vld [tilespmem:s30+$0x30]  }
0x4e: {  	v11 =	vadd.f32 v10, v14;
	v10 =	vadd.f32 v13, v14;
	v5 =	vld [tilespmem:s30+$0x60]  }
0x4f: {  	s1 =	simm.s32 $0x0;
	v13 =	vadd.f32 v9, v15;
	v12 =	vadd.f32 v12, v16;
	v9 =	vld [tilespmem:s30+$0x70];
	s30 =	simm.s32 $0x800  }
.LBB2_3:
0x50: {  	v14 =	vld [tilespmem:s30+$0x40];
	v6 =	vadd.f32 v6, v11;
	v8 =	vadd.f32 v8, v10  }
0x51: {  	v10 =	vld [tilespmem:s30+$0x50];
	v11 =	vadd.f32 v2, v13;
	v12 =	vadd.f32 v3, v12  }
0x52: {  	v2 =	vld [tilespmem:s30+$0x0];
	v4 =	vadd.f32 v4, v6;
	v6 =	vadd.f32 v7, v8  }
0x53: {  	v3 =	vld [tilespmem:s30+$0x10];
	v7 =	vadd.f32 v0, v11;
	v11 =	vadd.f32 v1, v12  }
0x54: {  	v12 =	vld [tilespmem:s30+$0xFFFFFFC0];
	v5 =	vadd.f32 v5, v4;
	v9 =	vadd.f32 v9, v6  }
0x55: {  	v15 =	vld [tilespmem:s30+$0xFFFFFFD0];
	v0 =	vmov v14  }
0x56: {  	v13 =	vld [tilespmem:s30+$0xFFFFFF80];
	v1 =	vmov v10  }
0x57: {  	v10 =	vld [tilespmem:s30+$0xFFFFFF90]  }
0x58: {  	v14 =	vld [tilespmem:s30+$0xFFFFFFA0]  }
0x59: {  	s1 =	sadd.s32 $0x4, s1;
	v16 =	vld [tilespmem:s30+$0xFFFFFFB0]  }
0x5a: {  	p0 =	slt.u32 s1, $0xC4;
	v6 =	vld [tilespmem:s30+$0xFFFFFFE0]  }
.Ltmp0:
0x5b: {  	v8 =	vld [tilespmem:s30+$0xFFFFFFF0];
	(pc) =	sbr.rel @p0 .LBB2_3-.Ltmp0, $4  }
0x5c: {  	v4 =	vld [tilespmem:s30+$0x20]  }
0x5d: {  	v13 =	vadd.f32 v13, v7;
	v17 =	vadd.f32 v10, v11;
	v7 =	vld [tilespmem:s30+$0x30]  }
0x5e: {  	v11 =	vadd.f32 v14, v5;
	v10 =	vadd.f32 v16, v9;
	v5 =	vld [tilespmem:s30+$0x60]  }
0x5f: {  	v13 =	vadd.f32 v12, v13;
	v12 =	vadd.f32 v15, v17;
	v9 =	vld [tilespmem:s30+$0x70];
	s30 =	sadd.s32 $0x100, s30  }
0x60: {  	_ = 	snop  }
0x61: {  	v6 =	vadd.f32 v6, v11;
	v2 =	vadd.f32 v2, v13  }
0x62: {  	v8 =	vadd.f32 v8, v10;
	v3 =	vadd.f32 v3, v12  }
0x63: {  	v4 =	vadd.f32 v4, v6;
	v0 =	vadd.f32 v0, v2  }
0x64: {  	v2 =	vadd.f32 v7, v8;
	v1 =	vadd.f32 v1, v3  }
0x65: {  	v3 =	vadd.f32 v5, v4;
	v0 =	vmul.f32 $4.999999890e-03, v0  }
0x66: {  	v2 =	vadd.f32 v9, v2;
	v1 =	vmul.f32 $4.999999890e-03, v1  }
0x67: {  	[tilespmem:$0x19680] =	vst v0;
	v0 =	vmul.f32 $4.999999890e-03, v3  }
0x68: {  	[tilespmem:$0x19690] =	vst v1;
	v1 =	vmul.f32 $4.999999890e-03, v2  }
0x69: {  	[tilespmem:$0x196A0] =	vst v0  }
0x6a: {  	s30 =	simm.s32 $0x3970;
	[tilespmem:$0x196B0] =	vst v1  }
0x6b: {  	v0 =	vld [tilespmem:s30+$0xFFFFFFD0]  }
0x6c: {  	v1 =	vld [tilespmem:s30+$0xFFFFFFE0]  }
0x6d: {  	v2 =	vld [tilespmem:s30+$0xFFFFFF90]  }
0x6e: {  	v3 =	vld [tilespmem:s30+$0xFFFFFFA0]  }
0x6f: {  	v9 =	vld [tilespmem:s30+$0xFFFFFF50]  }
0x70: {  	v12 =	vld [tilespmem:s30+$0xFFFFFF60]  }
0x71: {  	v5 =	vld [tilespmem:s30+$0xFFFFFF10]  }
0x72: {  	v7 =	vld [tilespmem:s30+$0xFFFFFF20]  }
0x73: {  	v10 =	vld [tilespmem:s30+$0xFFFFFF30]  }
0x74: {  	v13 =	vld [tilespmem:s30+$0xFFFFFF40]  }
0x75: {  	v6 =	vld [tilespmem:s30+$0xFFFFFF70]  }
0x76: {  	v8 =	vld [tilespmem:s30+$0xFFFFFF80]  }
0x77: {  	v14 =	vimm.f32 $0.0e+00;
	v4 =	vld [tilespmem:s30+$0xFFFFFFB0]  }
0x78: {  	v15 =	vadd.f32 v5, v14;
	v16 =	vadd.f32 v7, v14;
	v7 =	vld [tilespmem:s30+$0xFFFFFFC0]  }
0x79: {  	v11 =	vadd.f32 v10, v14;
	v10 =	vadd.f32 v13, v14;
	v5 =	vld [tilespmem:s30+$0xFFFFFFF0]  }
0x7a: {  	s1 =	simm.s32 $0x0;
	v13 =	vadd.f32 v9, v15;
	v12 =	vadd.f32 v12, v16;
	v9 =	vld [tilespmem:s30+$0x0];
	s30 =	simm.s32 $0x3A70  }
.LBB2_5:
0x7b: {  	v14 =	vld [tilespmem:s30+$0xFFFFFFD0];
	v6 =	vadd.f32 v6, v11;
	v8 =	vadd.f32 v8, v10  }
0x7c: {  	v10 =	vld [tilespmem:s30+$0xFFFFFFE0];
	v11 =	vadd.f32 v2, v13;
	v12 =	vadd.f32 v3, v12  }
0x7d: {  	v2 =	vld [tilespmem:s30+$0xFFFFFF90];
	v4 =	vadd.f32 v4, v6;
	v6 =	vadd.f32 v7, v8  }
0x7e: {  	v3 =	vld [tilespmem:s30+$0xFFFFFFA0];
	v7 =	vadd.f32 v0, v11;
	v11 =	vadd.f32 v1, v12  }
0x7f: {  	v12 =	vld [tilespmem:s30+$0xFFFFFF50];
	v5 =	vadd.f32 v5, v4;
	v9 =	vadd.f32 v9, v6  }
0x80: {  	v15 =	vld [tilespmem:s30+$0xFFFFFF60];
	v0 =	vmov v14  }
0x81: {  	v13 =	vld [tilespmem:s30+$0xFFFFFF10];
	v1 =	vmov v10  }
0x82: {  	v10 =	vld [tilespmem:s30+$0xFFFFFF20]  }
0x83: {  	v14 =	vld [tilespmem:s30+$0xFFFFFF30]  }
0x84: {  	s1 =	sadd.s32 $0x4, s1;
	v16 =	vld [tilespmem:s30+$0xFFFFFF40]  }
0x85: {  	p0 =	slt.u32 s1, $0xC4;
	v6 =	vld [tilespmem:s30+$0xFFFFFF70]  }
.Ltmp1:
0x86: {  	v8 =	vld [tilespmem:s30+$0xFFFFFF80];
	(pc) =	sbr.rel @p0 .LBB2_5-.Ltmp1, $4  }
0x87: {  	v4 =	vld [tilespmem:s30+$0xFFFFFFB0]  }
0x88: {  	v13 =	vadd.f32 v13, v7;
	v17 =	vadd.f32 v10, v11;
	v7 =	vld [tilespmem:s30+$0xFFFFFFC0]  }
0x89: {  	v11 =	vadd.f32 v14, v5;
	v10 =	vadd.f32 v16, v9;
	v5 =	vld [tilespmem:s30+$0xFFFFFFF0]  }
0x8a: {  	v13 =	vadd.f32 v12, v13;
	v12 =	vadd.f32 v15, v17;
	v9 =	vld [tilespmem:s30+$0x0];
	s30 =	sadd.s32 $0x100, s30  }
0x8b: {  	_ = 	snop  }
0x8c: {  	v6 =	vadd.f32 v6, v11;
	v2 =	vadd.f32 v2, v13  }
0x8d: {  	v8 =	vadd.f32 v8, v10;
	v3 =	vadd.f32 v3, v12  }
0x8e: {  	v4 =	vadd.f32 v4, v6;
	v0 =	vadd.f32 v0, v2  }
0x8f: {  	v2 =	vadd.f32 v7, v8;
	v1 =	vadd.f32 v1, v3  }
0x90: {  	v3 =	vadd.f32 v5, v4;
	v0 =	vmul.f32 $4.999999890e-03, v0  }
0x91: {  	v2 =	vadd.f32 v9, v2;
	v1 =	vmul.f32 $4.999999890e-03, v1  }
0x92: {  	[tilespmem:$0x196C0] =	vst v0;
	v0 =	vmul.f32 $4.999999890e-03, v3  }
0x93: {  	[tilespmem:$0x196D0] =	vst v1;
	v1 =	vmul.f32 $4.999999890e-03, v2  }
0x94: {  	[tilespmem:$0x196E0] =	vst v0  }
0x95: {  	s30 =	simm.s32 $0x6A80;
	[tilespmem:$0x196F0] =	vst v1  }
0x96: {  	v0 =	vld [tilespmem:s30+$0xC0]  }
0x97: {  	v1 =	vld [tilespmem:s30+$0xD0]  }
0x98: {  	v2 =	vld [tilespmem:s30+$0x80]  }
0x99: {  	v3 =	vld [tilespmem:s30+$0x90]  }
0x9a: {  	v9 =	vld [tilespmem:s30+$0x40]  }
0x9b: {  	v12 =	vld [tilespmem:s30+$0x50]  }
0x9c: {  	v5 =	vld [tilespmem:s30+$0x0]  }
0x9d: {  	v7 =	vld [tilespmem:s30+$0x10]  }
0x9e: {  	v10 =	vld [tilespmem:s30+$0x20]  }
0x9f: {  	v13 =	vld [tilespmem:s30+$0x30]  }
0xa0: {  	v6 =	vld [tilespmem:s30+$0x60]  }
0xa1: {  	v8 =	vld [tilespmem:s30+$0x70]  }
0xa2: {  	v14 =	vimm.f32 $0.0e+00;
	v4 =	vld [tilespmem:s30+$0xA0]  }
0xa3: {  	v15 =	vadd.f32 v5, v14;
	v16 =	vadd.f32 v7, v14;
	v7 =	vld [tilespmem:s30+$0xB0]  }
0xa4: {  	v11 =	vadd.f32 v10, v14;
	v10 =	vadd.f32 v13, v14;
	v5 =	vld [tilespmem:s30+$0xE0]  }
0xa5: {  	s1 =	simm.s32 $0x0;
	v13 =	vadd.f32 v9, v15;
	v12 =	vadd.f32 v12, v16;
	v9 =	vld [tilespmem:s30+$0xF0];
	s30 =	simm.s32 $0x6B80  }
.LBB2_7:
0xa6: {  	v14 =	vld [tilespmem:s30+$0xC0];
	v6 =	vadd.f32 v6, v11;
	v8 =	vadd.f32 v8, v10  }
0xa7: {  	v10 =	vld [tilespmem:s30+$0xD0];
	v11 =	vadd.f32 v2, v13;
	v12 =	vadd.f32 v3, v12  }
0xa8: {  	v2 =	vld [tilespmem:s30+$0x80];
	v4 =	vadd.f32 v4, v6;
	v6 =	vadd.f32 v7, v8  }
0xa9: {  	v3 =	vld [tilespmem:s30+$0x90];
	v7 =	vadd.f32 v0, v11;
	v11 =	vadd.f32 v1, v12  }
0xaa: {  	v12 =	vld [tilespmem:s30+$0x40];
	v5 =	vadd.f32 v5, v4;
	v9 =	vadd.f32 v9, v6  }
0xab: {  	v15 =	vld [tilespmem:s30+$0x50];
	v0 =	vmov v14  }
0xac: {  	v13 =	vld [tilespmem:s30+$0x0];
	v1 =	vmov v10  }
0xad: {  	v10 =	vld [tilespmem:s30+$0x10]  }
0xae: {  	v14 =	vld [tilespmem:s30+$0x20]  }
0xaf: {  	s1 =	sadd.s32 $0x4, s1;
	v16 =	vld [tilespmem:s30+$0x30]  }
0xb0: {  	p0 =	slt.u32 s1, $0xC4;
	v6 =	vld [tilespmem:s30+$0x60]  }
.Ltmp2:
0xb1: {  	v8 =	vld [tilespmem:s30+$0x70];
	(pc) =	sbr.rel @p0 .LBB2_7-.Ltmp2, $4  }
0xb2: {  	v4 =	vld [tilespmem:s30+$0xA0]  }
0xb3: {  	v13 =	vadd.f32 v13, v7;
	v17 =	vadd.f32 v10, v11;
	v7 =	vld [tilespmem:s30+$0xB0]  }
0xb4: {  	v11 =	vadd.f32 v14, v5;
	v10 =	vadd.f32 v16, v9;
	v5 =	vld [tilespmem:s30+$0xE0]  }
0xb5: {  	v13 =	vadd.f32 v12, v13;
	v12 =	vadd.f32 v15, v17;
	v9 =	vld [tilespmem:s30+$0xF0];
	s30 =	sadd.s32 $0x100, s30  }
0xb6: {  	_ = 	snop  }
0xb7: {  	v6 =	vadd.f32 v6, v11;
	v2 =	vadd.f32 v2, v13  }
0xb8: {  	v8 =	vadd.f32 v8, v10;
	v3 =	vadd.f32 v3, v12  }
0xb9: {  	v4 =	vadd.f32 v4, v6;
	v0 =	vadd.f32 v0, v2  }
0xba: {  	v2 =	vadd.f32 v7, v8;
	v1 =	vadd.f32 v1, v3  }
0xbb: {  	v3 =	vadd.f32 v5, v4;
	v0 =	vmul.f32 $4.999999890e-03, v0  }
0xbc: {  	v2 =	vadd.f32 v9, v2;
	v1 =	vmul.f32 $4.999999890e-03, v1  }
0xbd: {  	[tilespmem:$0x19700] =	vst v0;
	v0 =	vmul.f32 $4.999999890e-03, v3  }
0xbe: {  	[tilespmem:$0x19710] =	vst v1;
	v1 =	vmul.f32 $4.999999890e-03, v2  }
0xbf: {  	[tilespmem:$0x19720] =	vst v0  }
0xc0: {  	s30 =	simm.s32 $0x9C80;
	[tilespmem:$0x19730] =	vst v1  }
0xc1: {  	v0 =	vld [tilespmem:s30+$0xC0]  }
0xc2: {  	v1 =	vld [tilespmem:s30+$0xD0]  }
0xc3: {  	v2 =	vld [tilespmem:s30+$0x80]  }
0xc4: {  	v3 =	vld [tilespmem:s30+$0x90]  }
0xc5: {  	v9 =	vld [tilespmem:s30+$0x40]  }
0xc6: {  	v12 =	vld [tilespmem:s30+$0x50]  }
0xc7: {  	v5 =	vld [tilespmem:s30+$0x0]  }
0xc8: {  	v7 =	vld [tilespmem:s30+$0x10]  }
0xc9: {  	v10 =	vld [tilespmem:s30+$0x20]  }
0xca: {  	v13 =	vld [tilespmem:s30+$0x30]  }
0xcb: {  	v6 =	vld [tilespmem:s30+$0x60]  }
0xcc: {  	v8 =	vld [tilespmem:s30+$0x70]  }
0xcd: {  	v14 =	vimm.f32 $0.0e+00;
	v4 =	vld [tilespmem:s30+$0xA0]  }
0xce: {  	v15 =	vadd.f32 v5, v14;
	v16 =	vadd.f32 v7, v14;
	v7 =	vld [tilespmem:s30+$0xB0]  }
0xcf: {  	v11 =	vadd.f32 v10, v14;
	v10 =	vadd.f32 v13, v14;
	v5 =	vld [tilespmem:s30+$0xE0]  }
0xd0: {  	s1 =	simm.s32 $0x0;
	v13 =	vadd.f32 v9, v15;
	v12 =	vadd.f32 v12, v16;
	v9 =	vld [tilespmem:s30+$0xF0];
	s30 =	simm.s32 $0x9D80  }
.LBB2_9:
0xd1: {  	v14 =	vld [tilespmem:s30+$0xC0];
	v6 =	vadd.f32 v6, v11;
	v8 =	vadd.f32 v8, v10  }
0xd2: {  	v10 =	vld [tilespmem:s30+$0xD0];
	v11 =	vadd.f32 v2, v13;
	v12 =	vadd.f32 v3, v12  }
0xd3: {  	v2 =	vld [tilespmem:s30+$0x80];
	v4 =	vadd.f32 v4, v6;
	v6 =	vadd.f32 v7, v8  }
0xd4: {  	v3 =	vld [tilespmem:s30+$0x90];
	v7 =	vadd.f32 v0, v11;
	v11 =	vadd.f32 v1, v12  }
0xd5: {  	v12 =	vld [tilespmem:s30+$0x40];
	v5 =	vadd.f32 v5, v4;
	v9 =	vadd.f32 v9, v6  }
0xd6: {  	v15 =	vld [tilespmem:s30+$0x50];
	v0 =	vmov v14  }
0xd7: {  	v13 =	vld [tilespmem:s30+$0x0];
	v1 =	vmov v10  }
0xd8: {  	v10 =	vld [tilespmem:s30+$0x10]  }
0xd9: {  	v14 =	vld [tilespmem:s30+$0x20]  }
0xda: {  	s1 =	sadd.s32 $0x4, s1;
	v16 =	vld [tilespmem:s30+$0x30]  }
0xdb: {  	p0 =	slt.u32 s1, $0xC4;
	v6 =	vld [tilespmem:s30+$0x60]  }
.Ltmp3:
0xdc: {  	v8 =	vld [tilespmem:s30+$0x70];
	(pc) =	sbr.rel @p0 .LBB2_9-.Ltmp3, $4  }
0xdd: {  	v4 =	vld [tilespmem:s30+$0xA0]  }
0xde: {  	v13 =	vadd.f32 v13, v7;
	v17 =	vadd.f32 v10, v11;
	v7 =	vld [tilespmem:s30+$0xB0]  }
0xdf: {  	v11 =	vadd.f32 v14, v5;
	v10 =	vadd.f32 v16, v9;
	v5 =	vld [tilespmem:s30+$0xE0]  }
0xe0: {  	v13 =	vadd.f32 v12, v13;
	v12 =	vadd.f32 v15, v17;
	v9 =	vld [tilespmem:s30+$0xF0];
	s30 =	sadd.s32 $0x100, s30  }
0xe1: {  	_ = 	snop  }
0xe2: {  	v6 =	vadd.f32 v6, v11;
	v2 =	vadd.f32 v2, v13  }
0xe3: {  	v8 =	vadd.f32 v8, v10;
	v3 =	vadd.f32 v3, v12  }
0xe4: {  	v4 =	vadd.f32 v4, v6;
	v0 =	vadd.f32 v0, v2  }
0xe5: {  	v2 =	vadd.f32 v7, v8;
	v1 =	vadd.f32 v1, v3  }
0xe6: {  	v3 =	vadd.f32 v5, v4;
	v0 =	vmul.f32 $4.999999890e-03, v0  }
0xe7: {  	v2 =	vadd.f32 v9, v2;
	v1 =	vmul.f32 $4.999999890e-03, v1  }
0xe8: {  	[tilespmem:$0x19740] =	vst v0;
	v0 =	vmul.f32 $4.999999890e-03, v3  }
0xe9: {  	[tilespmem:$0x19750] =	vst v1;
	v1 =	vmul.f32 $4.999999890e-03, v2  }
0xea: {  	s1 =	sshll.u32 s9, $0x6;
	[tilespmem:$0x19760] =	vst v0  }
0xeb: {  	p0 =	seq.s32 s9, $0x3F;
	s1 =	sadd.s32 s1, s7;
	[tilespmem:$0x19770] =	vst v1  }
0xec: {  	[hbm4b:s1+s3] =	stream.linear.scatter [tilespmem:s25], [sflag:$0x3], $0x100, $0x38;
	[tilespmem:$0x19780] =	vst v63  }
0xed: {  	s1 =	sadd.s32 @!p0 s28, s8  }
0xee: {  	_ =	swait.ge [sflag:s11], $0x100;
	s1 =	smul.u32 @!p0 $0x1A, s1  }
0xef: {  	[sflag:s11] =	ssyncset.done $0x0  }
0xf0: {  	s28 =	simm.s32 @!p0 $0x0;
	[sflag:s11] =	ssyncadd.s32 $0xFFFFFF00;
	s1 =	sadd.s32 @!p0 s4, s1  }
0xf1: {  	[tilespmem:s28], [sflag:$0x3] =	stream.linear.gather @!p0 [hbm4b:s1+s28], $0x340, $0x38;
	[tilespmem:$0x19780] =	vst v63  }
0xf2: {  	s1 =	simm.s32 @!p0 $0x3  }
0xf3: {  	_ =	swait.ge @!p0 [sflag:s1], $0x340  }
0xf4: {  	[sflag:s1] =	ssyncset.done @!p0 $0x0  }
0xf5: {  	s30 =	simm.s32 @!p0 $0x680;
	[sflag:s1] =	ssyncadd.s32 @!p0 $0xFFFFFCC0;
	s1 =	simm.s32 @!p0 $0x64  }
0xf6: {  	[tilespmem:s30], [sflag:$0x1] =	stream.indirect.gather @!p0 [hbm4b:s5+s1], $0x40, s28, s1, $0xb8;
	[tilespmem:$0x19780] =	vst v63  }
0xf7: {  	s28 =	simm.s32 @!p0 $0x68;
	s30 =	simm.s32 @!p0 $0x1F80  }
0xf8: {  	[tilespmem:s30], [sflag:$0x1] =	stream.indirect.gather @!p0 [hbm4b:s5+s1], $0x40, s28, s1, $0xb8;
	[tilespmem:$0x19780] =	vst v63  }
0xf9: {  	s28 =	simm.s32 @!p0 $0xD0;
	s30 =	simm.s32 @!p0 $0x3880  }
0xfa: {  	[tilespmem:s30], [sflag:$0x1] =	stream.indirect.gather @!p0 [hbm4b:s5+s1], $0x40, s28, s1, $0xb8;
	[tilespmem:$0x19780] =	vst v63  }
0xfb: {  	s28 =	simm.s32 @!p0 $0x138;
	s30 =	simm.s32 @!p0 $0x5180  }
0xfc: {  	[tilespmem:s30], [sflag:$0x1] =	stream.indirect.gather @!p0 [hbm4b:s5+s1], $0x40, s28, s1, $0xb8;
	[tilespmem:$0x19780] =	vst v63  }
0xfd: {  	s28 =	simm.s32 @!p0 $0x1A0;
	s30 =	simm.s32 @!p0 $0x6A80  }
0xfe: {  	[tilespmem:s30], [sflag:$0x1] =	stream.indirect.gather @!p0 [hbm4b:s5+s1], $0x40, s28, s1, $0xb8;
	[tilespmem:$0x19780] =	vst v63  }
0xff: {  	s28 =	simm.s32 @!p0 $0x208;
	s30 =	simm.s32 @!p0 $0x8380  }
0x100: {  	[tilespmem:s30], [sflag:$0x1] =	stream.indirect.gather @!p0 [hbm4b:s5+s1], $0x40, s28, s1, $0xb8;
	[tilespmem:$0x19780] =	vst v63  }
0x101: {  	s28 =	simm.s32 @!p0 $0x270;
	s30 =	simm.s32 @!p0 $0x9C80  }
0x102: {  	[tilespmem:s30], [sflag:$0x1] =	stream.indirect.gather @!p0 [hbm4b:s5+s1], $0x40, s28, s1, $0xb8;
	[tilespmem:$0x19780] =	vst v63  }
0x103: {  	s28 =	simm.s32 @!p0 $0x2D8;
	s30 =	simm.s32 @!p0 $0xB580  }
0x104: {  	[tilespmem:s30], [sflag:$0x1] =	stream.indirect.gather @!p0 [hbm4b:s5+s1], $0x40, s28, s1, $0xb8;
	[tilespmem:$0x19780] =	vst v63  }
0x105: {  	_ =	swait.ge [sflag:s26], $0xC800  }
0x106: {  	[sflag:s26] =	ssyncset.done $0x0  }
0x107: {  	s28 =	simm.s32 $0xCF00;
	[sflag:s26] =	ssyncadd.s32 $0xFFFF3800  }
0x108: {  	v0 =	vld [tilespmem:s28+$0x40]  }
0x109: {  	v1 =	vld [tilespmem:s28+$0x50]  }
0x10a: {  	v2 =	vld [tilespmem:s28+$0x0]  }
0x10b: {  	v3 =	vld [tilespmem:s28+$0x10]  }
0x10c: {  	v9 =	vld [tilespmem:s28+$0xFFFFFFC0]  }
0x10d: {  	v12 =	vld [tilespmem:s28+$0xFFFFFFD0]  }
0x10e: {  	v5 =	vld [tilespmem:s28+$0xFFFFFF80]  }
0x10f: {  	v7 =	vld [tilespmem:s28+$0xFFFFFF90]  }
0x110: {  	v10 =	vld [tilespmem:s28+$0xFFFFFFA0]  }
0x111: {  	v13 =	vld [tilespmem:s28+$0xFFFFFFB0]  }
0x112: {  	v6 =	vld [tilespmem:s28+$0xFFFFFFE0]  }
0x113: {  	v8 =	vld [tilespmem:s28+$0xFFFFFFF0]  }
0x114: {  	v14 =	vimm.f32 $0.0e+00;
	v4 =	vld [tilespmem:s28+$0x20]  }
0x115: {  	v15 =	vadd.f32 v5, v14;
	v16 =	vadd.f32 v7, v14;
	v7 =	vld [tilespmem:s28+$0x30]  }
0x116: {  	v11 =	vadd.f32 v10, v14;
	v10 =	vadd.f32 v13, v14;
	v5 =	vld [tilespmem:s28+$0x60]  }
0x117: {  	s9 =	sadd.s32 $0x1, s9;
	s1 =	simm.s32 $0x0;
	v13 =	vadd.f32 v9, v15;
	v12 =	vadd.f32 v12, v16;
	v9 =	vld [tilespmem:s28+$0x70];
	s28 =	simm.s32 $0xD000  }
.LBB2_11:
0x118: {  	v14 =	vld [tilespmem:s28+$0x40];
	v6 =	vadd.f32 v6, v11;
	v8 =	vadd.f32 v8, v10  }
0x119: {  	v10 =	vld [tilespmem:s28+$0x50];
	v11 =	vadd.f32 v2, v13;
	v12 =	vadd.f32 v3, v12  }
0x11a: {  	v2 =	vld [tilespmem:s28+$0x0];
	v4 =	vadd.f32 v4, v6;
	v6 =	vadd.f32 v7, v8  }
0x11b: {  	v3 =	vld [tilespmem:s28+$0x10];
	v7 =	vadd.f32 v0, v11;
	v11 =	vadd.f32 v1, v12  }
0x11c: {  	v12 =	vld [tilespmem:s28+$0xFFFFFFC0];
	v5 =	vadd.f32 v5, v4;
	v9 =	vadd.f32 v9, v6  }
0x11d: {  	v15 =	vld [tilespmem:s28+$0xFFFFFFD0];
	v0 =	vmov v14  }
0x11e: {  	v13 =	vld [tilespmem:s28+$0xFFFFFF80];
	v1 =	vmov v10  }
0x11f: {  	v10 =	vld [tilespmem:s28+$0xFFFFFF90]  }
0x120: {  	v14 =	vld [tilespmem:s28+$0xFFFFFFA0]  }
0x121: {  	s1 =	sadd.s32 $0x4, s1;
	v16 =	vld [tilespmem:s28+$0xFFFFFFB0]  }
0x122: {  	p0 =	slt.u32 s1, $0xC4;
	v6 =	vld [tilespmem:s28+$0xFFFFFFE0]  }
.Ltmp4:
0x123: {  	v8 =	vld [tilespmem:s28+$0xFFFFFFF0];
	(pc) =	sbr.rel @p0 .LBB2_11-.Ltmp4, $4  }
0x124: {  	v4 =	vld [tilespmem:s28+$0x20]  }
0x125: {  	v13 =	vadd.f32 v13, v7;
	v17 =	vadd.f32 v10, v11;
	v7 =	vld [tilespmem:s28+$0x30]  }
0x126: {  	v11 =	vadd.f32 v14, v5;
	v10 =	vadd.f32 v16, v9;
	v5 =	vld [tilespmem:s28+$0x60]  }
0x127: {  	v13 =	vadd.f32 v12, v13;
	v12 =	vadd.f32 v15, v17;
	v9 =	vld [tilespmem:s28+$0x70];
	s28 =	sadd.s32 $0x100, s28  }
0x128: {  	_ = 	snop  }
0x129: {  	v6 =	vadd.f32 v6, v11;
	v2 =	vadd.f32 v2, v13  }
0x12a: {  	v8 =	vadd.f32 v8, v10;
	v3 =	vadd.f32 v3, v12  }
0x12b: {  	v4 =	vadd.f32 v4, v6;
	v0 =	vadd.f32 v0, v2  }
0x12c: {  	v2 =	vadd.f32 v7, v8;
	v1 =	vadd.f32 v1, v3  }
0x12d: {  	v3 =	vadd.f32 v5, v4;
	v0 =	vmul.f32 $4.999999890e-03, v0  }
0x12e: {  	v2 =	vadd.f32 v9, v2;
	v1 =	vmul.f32 $4.999999890e-03, v1  }
0x12f: {  	[tilespmem:$0x19680] =	vst v0;
	v0 =	vmul.f32 $4.999999890e-03, v3  }
0x130: {  	[tilespmem:$0x19690] =	vst v1;
	v1 =	vmul.f32 $4.999999890e-03, v2  }
0x131: {  	[tilespmem:$0x196A0] =	vst v0  }
0x132: {  	s28 =	simm.s32 $0x10170;
	[tilespmem:$0x196B0] =	vst v1  }
0x133: {  	v0 =	vld [tilespmem:s28+$0xFFFFFFD0]  }
0x134: {  	v1 =	vld [tilespmem:s28+$0xFFFFFFE0]  }
0x135: {  	v2 =	vld [tilespmem:s28+$0xFFFFFF90]  }
0x136: {  	v3 =	vld [tilespmem:s28+$0xFFFFFFA0]  }
0x137: {  	v9 =	vld [tilespmem:s28+$0xFFFFFF50]  }
0x138: {  	v12 =	vld [tilespmem:s28+$0xFFFFFF60]  }
0x139: {  	v5 =	vld [tilespmem:s28+$0xFFFFFF10]  }
0x13a: {  	v7 =	vld [tilespmem:s28+$0xFFFFFF20]  }
0x13b: {  	v10 =	vld [tilespmem:s28+$0xFFFFFF30]  }
0x13c: {  	v13 =	vld [tilespmem:s28+$0xFFFFFF40]  }
0x13d: {  	v6 =	vld [tilespmem:s28+$0xFFFFFF70]  }
0x13e: {  	v8 =	vld [tilespmem:s28+$0xFFFFFF80]  }
0x13f: {  	v14 =	vimm.f32 $0.0e+00;
	v4 =	vld [tilespmem:s28+$0xFFFFFFB0]  }
0x140: {  	v15 =	vadd.f32 v5, v14;
	v16 =	vadd.f32 v7, v14;
	v7 =	vld [tilespmem:s28+$0xFFFFFFC0]  }
0x141: {  	v11 =	vadd.f32 v10, v14;
	v10 =	vadd.f32 v13, v14;
	v5 =	vld [tilespmem:s28+$0xFFFFFFF0]  }
0x142: {  	s1 =	simm.s32 $0x0;
	v13 =	vadd.f32 v9, v15;
	v12 =	vadd.f32 v12, v16;
	v9 =	vld [tilespmem:s28+$0x0];
	s28 =	simm.s32 $0x10270  }
.LBB2_13:
0x143: {  	v14 =	vld [tilespmem:s28+$0xFFFFFFD0];
	v6 =	vadd.f32 v6, v11;
	v8 =	vadd.f32 v8, v10  }
0x144: {  	v10 =	vld [tilespmem:s28+$0xFFFFFFE0];
	v11 =	vadd.f32 v2, v13;
	v12 =	vadd.f32 v3, v12  }
0x145: {  	v2 =	vld [tilespmem:s28+$0xFFFFFF90];
	v4 =	vadd.f32 v4, v6;
	v6 =	vadd.f32 v7, v8  }
0x146: {  	v3 =	vld [tilespmem:s28+$0xFFFFFFA0];
	v7 =	vadd.f32 v0, v11;
	v11 =	vadd.f32 v1, v12  }
0x147: {  	v12 =	vld [tilespmem:s28+$0xFFFFFF50];
	v5 =	vadd.f32 v5, v4;
	v9 =	vadd.f32 v9, v6  }
0x148: {  	v15 =	vld [tilespmem:s28+$0xFFFFFF60];
	v0 =	vmov v14  }
0x149: {  	v13 =	vld [tilespmem:s28+$0xFFFFFF10];
	v1 =	vmov v10  }
0x14a: {  	v10 =	vld [tilespmem:s28+$0xFFFFFF20]  }
0x14b: {  	v14 =	vld [tilespmem:s28+$0xFFFFFF30]  }
0x14c: {  	s1 =	sadd.s32 $0x4, s1;
	v16 =	vld [tilespmem:s28+$0xFFFFFF40]  }
0x14d: {  	p0 =	slt.u32 s1, $0xC4;
	v6 =	vld [tilespmem:s28+$0xFFFFFF70]  }
.Ltmp5:
0x14e: {  	v8 =	vld [tilespmem:s28+$0xFFFFFF80];
	(pc) =	sbr.rel @p0 .LBB2_13-.Ltmp5, $4  }
0x14f: {  	v4 =	vld [tilespmem:s28+$0xFFFFFFB0]  }
0x150: {  	v13 =	vadd.f32 v13, v7;
	v17 =	vadd.f32 v10, v11;
	v7 =	vld [tilespmem:s28+$0xFFFFFFC0]  }
0x151: {  	v11 =	vadd.f32 v14, v5;
	v10 =	vadd.f32 v16, v9;
	v5 =	vld [tilespmem:s28+$0xFFFFFFF0]  }
0x152: {  	v13 =	vadd.f32 v12, v13;
	v12 =	vadd.f32 v15, v17;
	v9 =	vld [tilespmem:s28+$0x0];
	s28 =	sadd.s32 $0x100, s28  }
0x153: {  	_ = 	snop  }
0x154: {  	v6 =	vadd.f32 v6, v11;
	v2 =	vadd.f32 v2, v13  }
0x155: {  	v8 =	vadd.f32 v8, v10;
	v3 =	vadd.f32 v3, v12  }
0x156: {  	v4 =	vadd.f32 v4, v6;
	v0 =	vadd.f32 v0, v2  }
0x157: {  	v2 =	vadd.f32 v7, v8;
	v1 =	vadd.f32 v1, v3  }
0x158: {  	v3 =	vadd.f32 v5, v4;
	v0 =	vmul.f32 $4.999999890e-03, v0  }
0x159: {  	v2 =	vadd.f32 v9, v2;
	v1 =	vmul.f32 $4.999999890e-03, v1  }
0x15a: {  	[tilespmem:$0x196C0] =	vst v0;
	v0 =	vmul.f32 $4.999999890e-03, v3  }
0x15b: {  	[tilespmem:$0x196D0] =	vst v1;
	v1 =	vmul.f32 $4.999999890e-03, v2  }
0x15c: {  	[tilespmem:$0x196E0] =	vst v0  }
0x15d: {  	s28 =	simm.s32 $0x13280;
	[tilespmem:$0x196F0] =	vst v1  }
0x15e: {  	v0 =	vld [tilespmem:s28+$0xC0]  }
0x15f: {  	v1 =	vld [tilespmem:s28+$0xD0]  }
0x160: {  	v2 =	vld [tilespmem:s28+$0x80]  }
0x161: {  	v3 =	vld [tilespmem:s28+$0x90]  }
0x162: {  	v9 =	vld [tilespmem:s28+$0x40]  }
0x163: {  	v12 =	vld [tilespmem:s28+$0x50]  }
0x164: {  	v5 =	vld [tilespmem:s28+$0x0]  }
0x165: {  	v7 =	vld [tilespmem:s28+$0x10]  }
0x166: {  	v10 =	vld [tilespmem:s28+$0x20]  }
0x167: {  	v13 =	vld [tilespmem:s28+$0x30]  }
0x168: {  	v6 =	vld [tilespmem:s28+$0x60]  }
0x169: {  	v8 =	vld [tilespmem:s28+$0x70]  }
0x16a: {  	v14 =	vimm.f32 $0.0e+00;
	v4 =	vld [tilespmem:s28+$0xA0]  }
0x16b: {  	v15 =	vadd.f32 v5, v14;
	v16 =	vadd.f32 v7, v14;
	v7 =	vld [tilespmem:s28+$0xB0]  }
0x16c: {  	v11 =	vadd.f32 v10, v14;
	v10 =	vadd.f32 v13, v14;
	v5 =	vld [tilespmem:s28+$0xE0]  }
0x16d: {  	s1 =	simm.s32 $0x0;
	v13 =	vadd.f32 v9, v15;
	v12 =	vadd.f32 v12, v16;
	v9 =	vld [tilespmem:s28+$0xF0];
	s28 =	simm.s32 $0x13380  }
.LBB2_15:
0x16e: {  	v14 =	vld [tilespmem:s28+$0xC0];
	v6 =	vadd.f32 v6, v11;
	v8 =	vadd.f32 v8, v10  }
0x16f: {  	v10 =	vld [tilespmem:s28+$0xD0];
	v11 =	vadd.f32 v2, v13;
	v12 =	vadd.f32 v3, v12  }
0x170: {  	v2 =	vld [tilespmem:s28+$0x80];
	v4 =	vadd.f32 v4, v6;
	v6 =	vadd.f32 v7, v8  }
0x171: {  	v3 =	vld [tilespmem:s28+$0x90];
	v7 =	vadd.f32 v0, v11;
	v11 =	vadd.f32 v1, v12  }
0x172: {  	v12 =	vld [tilespmem:s28+$0x40];
	v5 =	vadd.f32 v5, v4;
	v9 =	vadd.f32 v9, v6  }
0x173: {  	v15 =	vld [tilespmem:s28+$0x50];
	v0 =	vmov v14  }
0x174: {  	v13 =	vld [tilespmem:s28+$0x0];
	v1 =	vmov v10  }
0x175: {  	v10 =	vld [tilespmem:s28+$0x10]  }
0x176: {  	v14 =	vld [tilespmem:s28+$0x20]  }
0x177: {  	s1 =	sadd.s32 $0x4, s1;
	v16 =	vld [tilespmem:s28+$0x30]  }
0x178: {  	p0 =	slt.u32 s1, $0xC4;
	v6 =	vld [tilespmem:s28+$0x60]  }
.Ltmp6:
0x179: {  	v8 =	vld [tilespmem:s28+$0x70];
	(pc) =	sbr.rel @p0 .LBB2_15-.Ltmp6, $4  }
0x17a: {  	v4 =	vld [tilespmem:s28+$0xA0]  }
0x17b: {  	v13 =	vadd.f32 v13, v7;
	v17 =	vadd.f32 v10, v11;
	v7 =	vld [tilespmem:s28+$0xB0]  }
0x17c: {  	v11 =	vadd.f32 v14, v5;
	v10 =	vadd.f32 v16, v9;
	v5 =	vld [tilespmem:s28+$0xE0]  }
0x17d: {  	v13 =	vadd.f32 v12, v13;
	v12 =	vadd.f32 v15, v17;
	v9 =	vld [tilespmem:s28+$0xF0];
	s28 =	sadd.s32 $0x100, s28  }
0x17e: {  	_ = 	snop  }
0x17f: {  	v6 =	vadd.f32 v6, v11;
	v2 =	vadd.f32 v2, v13  }
0x180: {  	v8 =	vadd.f32 v8, v10;
	v3 =	vadd.f32 v3, v12  }
0x181: {  	v4 =	vadd.f32 v4, v6;
	v0 =	vadd.f32 v0, v2  }
0x182: {  	v2 =	vadd.f32 v7, v8;
	v1 =	vadd.f32 v1, v3  }
0x183: {  	v3 =	vadd.f32 v5, v4;
	v0 =	vmul.f32 $4.999999890e-03, v0  }
0x184: {  	v2 =	vadd.f32 v9, v2;
	v1 =	vmul.f32 $4.999999890e-03, v1  }
0x185: {  	[tilespmem:$0x19700] =	vst v0;
	v0 =	vmul.f32 $4.999999890e-03, v3  }
0x186: {  	[tilespmem:$0x19710] =	vst v1;
	v1 =	vmul.f32 $4.999999890e-03, v2  }
0x187: {  	[tilespmem:$0x19720] =	vst v0  }
0x188: {  	s28 =	simm.s32 $0x16480;
	[tilespmem:$0x19730] =	vst v1  }
0x189: {  	v0 =	vld [tilespmem:s28+$0xC0]  }
0x18a: {  	v1 =	vld [tilespmem:s28+$0xD0]  }
0x18b: {  	v2 =	vld [tilespmem:s28+$0x80]  }
0x18c: {  	v3 =	vld [tilespmem:s28+$0x90]  }
0x18d: {  	v9 =	vld [tilespmem:s28+$0x40]  }
0x18e: {  	v12 =	vld [tilespmem:s28+$0x50]  }
0x18f: {  	v5 =	vld [tilespmem:s28+$0x0]  }
0x190: {  	v7 =	vld [tilespmem:s28+$0x10]  }
0x191: {  	v10 =	vld [tilespmem:s28+$0x20]  }
0x192: {  	v13 =	vld [tilespmem:s28+$0x30]  }
0x193: {  	v6 =	vld [tilespmem:s28+$0x60]  }
0x194: {  	v8 =	vld [tilespmem:s28+$0x70]  }
0x195: {  	v14 =	vimm.f32 $0.0e+00;
	v4 =	vld [tilespmem:s28+$0xA0]  }
0x196: {  	v15 =	vadd.f32 v5, v14;
	v16 =	vadd.f32 v7, v14;
	v7 =	vld [tilespmem:s28+$0xB0]  }
0x197: {  	v11 =	vadd.f32 v10, v14;
	v10 =	vadd.f32 v13, v14;
	v5 =	vld [tilespmem:s28+$0xE0]  }
0x198: {  	s1 =	simm.s32 $0x0;
	v13 =	vadd.f32 v9, v15;
	v12 =	vadd.f32 v12, v16;
	v9 =	vld [tilespmem:s28+$0xF0];
	s28 =	simm.s32 $0x16580  }
.LBB2_17:
0x199: {  	v14 =	vld [tilespmem:s28+$0xC0];
	v6 =	vadd.f32 v6, v11;
	v8 =	vadd.f32 v8, v10  }
0x19a: {  	v10 =	vld [tilespmem:s28+$0xD0];
	v11 =	vadd.f32 v2, v13;
	v12 =	vadd.f32 v3, v12  }
0x19b: {  	v2 =	vld [tilespmem:s28+$0x80];
	v4 =	vadd.f32 v4, v6;
	v6 =	vadd.f32 v7, v8  }
0x19c: {  	v3 =	vld [tilespmem:s28+$0x90];
	v7 =	vadd.f32 v0, v11;
	v11 =	vadd.f32 v1, v12  }
0x19d: {  	v12 =	vld [tilespmem:s28+$0x40];
	v5 =	vadd.f32 v5, v4;
	v9 =	vadd.f32 v9, v6  }
0x19e: {  	v15 =	vld [tilespmem:s28+$0x50];
	v0 =	vmov v14  }
0x19f: {  	v13 =	vld [tilespmem:s28+$0x0];
	v1 =	vmov v10  }
0x1a0: {  	v10 =	vld [tilespmem:s28+$0x10]  }
0x1a1: {  	v14 =	vld [tilespmem:s28+$0x20]  }
0x1a2: {  	s1 =	sadd.s32 $0x4, s1;
	v16 =	vld [tilespmem:s28+$0x30]  }
0x1a3: {  	p0 =	slt.u32 s1, $0xC4;
	v6 =	vld [tilespmem:s28+$0x60]  }
.Ltmp7:
0x1a4: {  	v8 =	vld [tilespmem:s28+$0x70];
	(pc) =	sbr.rel @p0 .LBB2_17-.Ltmp7, $4  }
0x1a5: {  	v4 =	vld [tilespmem:s28+$0xA0]  }
0x1a6: {  	v13 =	vadd.f32 v13, v7;
	v17 =	vadd.f32 v10, v11;
	v7 =	vld [tilespmem:s28+$0xB0]  }
0x1a7: {  	v11 =	vadd.f32 v14, v5;
	v10 =	vadd.f32 v16, v9;
	v5 =	vld [tilespmem:s28+$0xE0]  }
0x1a8: {  	v13 =	vadd.f32 v12, v13;
	v12 =	vadd.f32 v15, v17;
	v9 =	vld [tilespmem:s28+$0xF0];
	s28 =	sadd.s32 $0x100, s28  }
0x1a9: {  	_ = 	snop  }
0x1aa: {  	v6 =	vadd.f32 v6, v11;
	v2 =	vadd.f32 v2, v13  }
0x1ab: {  	v8 =	vadd.f32 v8, v10;
	v3 =	vadd.f32 v3, v12  }
0x1ac: {  	v4 =	vadd.f32 v4, v6;
	v0 =	vadd.f32 v0, v2  }
0x1ad: {  	v60 =	vadd.f32 v7, v8;
	v1 =	vadd.f32 v1, v3  }
0x1ae: {  	v61 =	vadd.f32 v5, v4;
	v0 =	vmul.f32 $4.999999890e-03, v0  }
0x1af: {  	v2 =	vadd.f32 v9, v60;
	v1 =	vmul.f32 $4.999999890e-03, v1  }
0x1b0: {  	v62 =	vmul.f32 $4.999999890e-03, v61;
	[tilespmem:$0x19740] =	vst v0  }
0x1b1: {  	s1 =	sshll.u32 s6, $0x3;
	v63 =	vmul.f32 $4.999999890e-03, v2;
	[tilespmem:$0x19750] =	vst v1  }
0x1b2: {  	s30 =	rddreg [dreg:$0x1];
	p0 =	sne.s32 s9, $0x40;
	s1 =	sand.u32 $0x1FFFFFE0, s1;
	[tilespmem:$0x19760] =	vst v62  }
.Ltmp8:
0x1b3: {  	s1 =	sadd.s32 s30, s1;
	[tilespmem:$0x19770] =	vst v63;
	(pc) =	sbr.rel @p0 .LBB2_2-.Ltmp8, $4  }
0x1b4: {  	[hbm4b:s1+s3] =	stream.linear.scatter [tilespmem:s25], [sflag:$0x3], $0x100, $0x38;
	[tilespmem:$0x19780] =	vst v63  }
0x1b5: {  	_ =	swait.ge [sflag:s11], $0x100  }
0x1b6: {  	[sflag:s11] =	ssyncset.done $0x0  }
0x1b7: {  	[sflag:s11] =	ssyncadd.s32 $0xFFFFFF00  }
0x1b8: {  	s6 =	rddreg [dreg:$0x5]  }
0x1b9: {  	s1 =	rddreg [dreg:$0x4];
	s6 =	sadd.s32 $0x1, s6  }
0x1ba: {  	p0 =	sne.s32 s6, s1  }
.Ltmp9:
0x1bb: {  	_ = 	snop;
	(pc) =	sbr.rel @p0 .LBB2_1-.Ltmp9, $1  }
0x1bc: {  	_ =	sdelay $0x3  }
0x1bd: {  	_ =	sfence.sel $0x180000  }
0x1be: {  	[bflag:$0x0] =	sbarrier.arrive $0xFFFF  }
0x1bf: {  	_ =	strace $0x9000004A  }
0x1c0: {  	s0 =	stileid.u32;
	[bflag:$0x2] =	sbarrier.arrive $0xFFFF  }
0x1c1: {  	p0 =	sne.s32 s0, $0x0;
	s0 =	rddreg [dreg:$0x2]  }
0x1c2: {  	s0 =	sadd.s32 @!p0 $0x100000, s0  }
0x1c3: {  	[sflag:s0] =	ssyncadd.tile.s32 @!p0 $0x1;
	_ =	shalt  }
.Lfunc_end2:
_tile_overlayer_lowered:
.L_overlay_start_2:
0x1c4: {  	(tag) =	ssettag $0x2  }
0x1c5: {  	s0 =	rddreg [dreg:$0x0];
	s2 =	stileid.u32  }
0x1c6: {  	s1 =	rddreg [dreg:$0x1];
	p0 =	sne.s32 s2, $0x0  }
0x1c7: {  	s3 =	rddreg [dreg:$0x2];
	[bflag:$0x3] =	sbarrier.arrive $0xFFFF;
	s2 =	simm.s32 @!p0 $0x1C03  }
0x1c8: {  	[timem:s3], [sflag:s2] =	dma.local @!p0 [hbm:s0], s1  }
0x1c9: {  	s0 =	simm.s32 @!p0 $0x3  }
0x1ca: {  	_ =	swait.ge @!p0 [sflag:s0], s1  }
0x1cb: {  	s1 =	ssub.s32 @!p0 $0x0, s1;
	[sflag:s0] =	ssyncset.done @!p0 $0x0  }
0x1cc: {  	[sflag:s0] =	ssyncadd.s32 @!p0 s1  }
0x1cd: {  	[bflag:$0x3] =	sbarrier.arrive $0xFFFF  }
0x1ce: {  	_ =	shalt  }

// kernel: sparse-core-data-format-call.cloned.1.call-start
scs
called_computation_lowered:
.L_overlay_start_0:
0x0: {  	s2 =	sld [smem:$0x3FD9]  }
0x1: {  	s3 =	sld [smem:$0x3FFE];
	_ =	sdelay $0x1  }
0x2: {  	s1 =	srdreg.scid  }
0x3: {  	s0 =	sand.u32 $0x1, s1  }
0x4: {  	s18 =	sshll.u32 s0, $0xA;
	s2 =	sadd.s32 s3, s2  }
0x5: {  	s2 =	sadd.s32 s2, s18  }
0x6: {  	[smem:$0x3FC6] =	sst s2  }
0x7: {  	_ = 	snop  }
0x8: {  	s2 =	sld [smem:$0x3FC8];
	(tm) =	ssettm $0x1  }
0x9: {  	s19 =	sld [smem:$0x3FFB];
	_ =	sdelay $0x3  }
0xa: {  	_ =	strace s19  }
0xb: {  	s3 =	sld [smem:$0x3FFC];
	_ =	sdelay $0x3  }
0xc: {  	_ =	strace s3  }
0xd: {  	s3 =	sld [smem:$0x3FFD];
	_ =	sdelay $0x3  }
0xe: {  	_ =	strace s3  }
0xf: {  	_ =	strace $0x8FFFFFFF  }
0x10: {  	s20 =	sld [smem:$0x3FDB];
	_ =	sdelay $0x1  }
0x11: {  	s4 =	simm.s32 $_scs_section_size  }
0x12: {  	s5 =	simm.s32 $_size__tile_overlayer_lowered;
	s6 =	simm.s32 $_tile_overlayer_lowered  }
0x13: {  	s23 =	simm.s32 $0x1BFF;
	s22 =	sshll.u32 s6, $0x1;
	s3 =	sadd.s32 s4, s20  }
0x14: {  	s7 =	simm.s32 $0x0;
	s21 =	sshll.u32 s5, $0x1;
	s5 =	sadd.s32 s22, s3  }
0x15: {  	[timem:s7], [sflag:s23] =	dma.local [hbm:s5], s21  }
0x16: {  	_ =	swait.ge [sflag:s23], s21  }
0x17: {  	s4 =	ssub.s32 $0x0, s21;
	[sflag:s23] =	ssyncset.done $0x0  }
0x18: {  	[sflag:s23] =	ssyncadd.s32 s4;
	_ =	sdelay $0x1  }
0x19: {  	s24 =	simm.s32 $0x1B8B  }
0x1a: {  	_ =	swait.ge [sflag:s24], $0x1  }
0x1b: {  	[sflag:s24] =	ssyncset.done $0x0  }
0x1c: {  	s26 =	simm.s32 $0x1B8E;
	s25 =	sld [smem:$0x3FFE];
	[sflag:s24] =	ssyncadd.s32 $0xFFFFFFFF  }
0x1d: {  	s27 =	simm.s32 $execute0_lowered;
	[smem:$0x3FD2] =	sst s26  }
0x1e: {  	s5 =	sshll.u32 s27, $0x1;
	_ =	strace $0x80000046;
	[dreg:$0x1] =	wrdreg $0xFFFFFFFF  }
0x1f: {  	s28 =	simm.s32 $_size_execute0_lowered;
	s3 =	sadd.s32 s3, s5;
	[dreg:$0x0] =	wrdreg $0x0  }
0x20: {  	s5 =	sshll.u32 s28, $0x1;
	[dreg:$0x2] =	wrdreg s3  }
0x21: {  	[dreg:$0x3] =	wrdreg s5  }
0x22: {  	[dreg:$0x4] =	wrdreg $0xC0  }
0x23: {  	_ =	task [dreg:s7], $0x5FFFF  }
0x24: {  	[dreg:$0x1] =	wrdreg $0xFFFFFFFF  }
0x25: {  	[dreg:$0x0] =	wrdreg $0x60  }
0x26: {  	[dreg:$0x2] =	wrdreg s2  }
0x27: {  	[dreg:$0x3] =	wrdreg s25  }
0x28: {  	[dreg:$0x4] =	wrdreg $0x9  }
0x29: {  	_ =	task.clear_ibuf [dreg:s7], $0x5FFFF;
	_ =	strace $0x90000046  }
0x2a: {  	s29 =	simm.s32 $0x9;
	_ =	strace $0x80000048  }
0x2b: {  	_ =	swait.ge [sflag:s29], $0x1  }
0x2c: {  	[sflag:s29] =	ssyncadd.s32 $0xFFFFFFFF  }
0x2d: {  	_ =	strace $0x90000048  }
0x2e: {  	_ =	sfence  }
0x2f: {  	s30 =	sld [smem:$0x0];
	_ =	sdelay $0x2  }
0x30: {  	s31 =	sshll.u32 s1, $0xD;
	s1 =	sshrl.u32 s1, $0x2  }
0x31: {  	s3 =	sand.u32 $0x4000, s31;
	s1 =	sadd.s32 s1, s30  }
0x32: {  	s0 =	sor.u32 s3, s0;
	s1 =	sshll.u32 s1, $0x11  }
0x33: {  	s0 =	sor.u32 s1, s0  }
0x34: {  	s0 =	sadd.s32 $0x8F2B, s0  }
0x35: {  	[sflag:s0] =	ssyncadd.remote.s32 $0x1  }
0x36: {  	_ =	sfence.sel $0xFFFF  }
0x37: {  	[dreg:$0x0] =	wrdreg $0xFFFFFFFF;
	(pc) =	sbr.abs _section_cstart, $3  }
0x38: {  	[dreg:$0x1] =	wrdreg $0xFFFFFFFF  }
0x39: {  	_ =	task.clear_ibuf [dreg:s7], $0x2FFFF;
	_ =	strace $0x9FFFFFFF  }
0x3a: {  	(tm) =	ssettm $0x7FFFFFFF  }
0x3b: {  	_ =	shalt  }
tec
execute0_lowered:
.L_overlay_start_1:
0x0: {  	(tag) =	ssettag $0x1  }
0x1: {  	s0 =	srdreg.scid;
	s2 =	rddreg [dreg:$0x0]  }
0x2: {  	s5 =	rddreg [dreg:$0x1];
	s1 =	stileid.u32  }
0x3: {  	s4 =	simm.s32 $0x1;
	s6 =	simm.s32 $0x2;
	s15 =	simm.s32 $0x0  }
0x4: {  	p0 =	por $0x0, $0x0;
	s8 =	simm.s32 $0x80;
	s0 =	sshll.u32 s0, $0x4  }
0x5: {  	s14 =	simm.s32 $0x0;
	s9 =	simm.s32 $0x0;
	s3 =	sand.u32 $0x10, s0  }
.Ltmp0:
0x6: {  	s10 =	simm.s32 $0x0;
	s3 =	sor.u32 s1, s3;
	(pc) =	sbr.rel .LBB1_1-.Ltmp0, $4  }
0x7: {  	s0 =	rddreg [dreg:$0x2];
	_ =	strace $0x80000047;
	s3 =	sshll.u32 s3, $0x7  }
0x8: {  	s12 =	simm.s32 $0x0;
	[sflag:s4] =	ssyncpa.u1 $0x0;
	s7 =	ssub.s32 $0xF4200, s3  }
0x9: {  	s13 =	simm.s32 $0x0;
	[sflag:s6] =	ssyncpa.u1 $0x0;
	s6 =	sshrl.u32 s7, $0xC  }
0xa: {  	s5 =	sadd.s32 $0xA00, s5;
	s11 =	smov.u32 s3;
	s7 =	sadd.s32 $0x2, s6  }
.LBB1_5:
0xb: {  	p1 =	slt.u32 s13, $0x2  }
0xc: {  	s17 =	smov.u32 s15;
	p2 =	sgt.s32 @!p1 s15, $0xF41C0;
	s16 =	sshra.s32 @!p1 s15, $0x1F  }
0xd: {  	p3 =	sgt.s32 @!p1 s14, $0x40;
	s18 =	sshra.s32 @!p1 s14, $0x1F;
	p2 =	por !p2, p1  }
0xe: {  	s15 =	sand.u32 @!p1 s16, s15;
	p3 =	por !p3, p1;
	s16 =	smov.u32 s14  }
0xf: {  	s14 =	sand.u32 @!p1 s18, s14;
	s17 =	simm.s32 @p2 $0xF41C0;
	s16 =	simm.s32 @p3 $0x40  }
0x10: {  	s15 =	ssub.s32 @!p1 s17, s15;
	s14 =	ssub.s32 @!p1 s16, s14  }
0x11: {  	s18 =	smov.u32 s12;
	s16 =	sadd.s32 @!p1 $0xFFF0BE40, s15;
	s17 =	sadd.s32 @!p1 $0xFFFFFFC0, s14  }
0x12: {  	s15 =	ssub.s32 @!p1 $0xF4240, s15;
	p2 =	sgt.s32 @!p1 s16, $0x7F;
	p3 =	sgt.s32 @!p1 s17, $0x3F  }
0x13: {  	s14 =	ssub.s32 @!p1 $0x80, s14;
	p2 =	por !p2, p1;
	p3 =	por !p3, p1  }
0x14: {  	s16 =	sadd.s32 $0x1000, s11;
	s15 =	simm.s32 @!p2 $0x0;
	s14 =	simm.s32 @!p3 $0x0  }
0x15: {  	p2 =	sgt.s32 s16, $0xF423F;
	s14 =	smul.u32 @!p1 s14, s15;
	s15 =	sadd.s32 $0x40, s12  }
0x16: {  	s18 =	smov.u32 @p2 s15  }
0x17: {  	s16 =	smov.u32 @p2 s3;
	p2 =	sgt.s32 s18, $0x3F  }
0x18: {  	s18 =	simm.s32 @p2 $0x0;
	p2 =	sne.s32 s13, s7  }
.Ltmp1:
0x19: {  	p0 =	por !p0, !p0;
	s17 =	simm.s32 @!p1 $0x2;
	(pc) =	sbr.rel @!p2 .LBB1_6-.Ltmp1, $4  }
0x1a: {  	s15 =	smov.u32 s9;
	s9 =	smov.u32 s11;
	s14 =	sand.u32 @!p1 $0x3FFFFFFF, s14  }
0x1b: {  	s11 =	smov.u32 s16;
	_ =	swait.ge @!p1 [sflag:s17], s14;
	s19 =	ssub.s32 @!p1 $0x0, s14  }
0x1c: {  	s14 =	smov.u32 s10;
	s13 =	sadd.s32 $0x1, s13;
	[sflag:s17] =	ssyncset.done @!p1 $0x0  }
0x1d: {  	s10 =	smov.u32 s12;
	s12 =	smov.u32 s18;
	[sflag:s17] =	ssyncadd.s32 @!p1 s19  }
.LBB1_1:
0x1e: {  	p1 =	sgt.u32 s13, s6  }
0x1f: {  	s16 =	sshrl.u32 @!p1 s12, $0x3  }
0x20: {  	s17 =	sshll.u32 @!p1 s11, $0x3;
	s16 =	smul.u32 @!p1 $0x7A1400, s16  }
0x21: {  	s18 =	sshll.u32 @!p1 s12, $0x7;
	s17 =	sand.u32 @!p1 $0xFFFFFC00, s17  }
0x22: {  	s16 =	sadd.s32 @!p1 s16, s17;
	s17 =	sand.u32 @!p1 $0x380, s18  }
0x23: {  	s18 =	sand.u32 @!p1 $0x7F, s11;
	s16 =	sor.u32 @!p1 s17, s16  }
0x24: {  	s17 =	sor.u32 @!p1 s18, s16  }
0x25: {  	s18 =	smulhi.u32 @!p1 $0x218D6287, s17;
	_ =	sdelay $0x1  }
0x26: {  	s16 =	smulhi.u32 @!p1 $0x218D6287, s16;
	s18 =	sshrl.u32 @!p1 s18, $0x11  }
0x27: {  	s18 =	smul.u32 @!p1 $0xF4280, s18  }
0x28: {  	s19 =	sxor.u32 @!p1 $0xFFFFFFFF, s13;
	s16 =	sshrl.u32 @!p1 s16, $0x11  }
0x29: {  	s19 =	sshll.u32 @!p1 s19, $0xD;
	s16 =	sand.u32 @!p1 $0x3F, s16;
	s17 =	ssub.s32 @!p1 s17, s18  }
0x2a: {  	s16 =	smul.u32 @!p1 $0x1E850, s16;
	s18 =	sshrl.u32 @!p1 s17, $0x3;
	s17 =	sand.u32 @!p1 $0x7, s17  }
0x2b: {  	s19 =	sand.u32 @!p1 $0x2000, s19;
	s18 =	sadd.s32 @!p1 s2, s18;
	s17 =	sshll.u32 @!p1 s17, $0x12  }
0x2c: {  	s16 =	sadd.s32 @!p1 s16, s18;
	s17 =	sor.u32 @!p1 $0x400, s17;
	s18 =	simm.s32 @!p1 $0x7A1400  }
0x2d: {  	[tilespmem:s19], [sflag:$0x1] =	stream.strided.gather @!p1 [hbm4b:s16+s17], $0x2000, s18, s17, $0x38;
	[tilespmem:$0x8100] =	vst v63  }
0x2e: {  	p1 =	seq.s32 s13, $0x0  }
0x2f: {  	p2 =	sge.u32 @!p1 s13, s7  }
0x30: {  	p1 =	por p1, p2  }
.Ltmp2:
0x31: {  	_ = 	snop;
	(pc) =	sbr.rel @p1 .LBB1_5-.Ltmp2, $1  }
0x32: {  	_ =	sdelay $0x3  }
0x33: {  	s16 =	simm.s32 $0x1  }
0x34: {  	_ =	swait.ge [sflag:s4], $0x2000;
	s16 =	simm.s32 @!p0 $0x0  }
0x35: {  	[sflag:s4] =	ssyncset.done $0x0;
	s17 =	sshll.u32 s16, $0xD  }
0x36: {  	[sflag:s4] =	ssyncadd.s32 $0xFFFFE000;
	s17 =	sor.u32 $0x40, s17  }
0x37: {  	s16 =	smul.u32 $0x8200, s16;
	v0 =	vld [tilespmem:s17+$0x30]  }
0x38: {  	v1 =	vld [tilespmem:s17+$0xFFFFFFD0]  }
0x39: {  	s16 =	sshrl.u32 s16, $0x2;
	v5 =	vld [tilespmem:s17+$0xFFFFFFE0]  }
0x3a: {  	v6 =	vld [tilespmem:s17+$0xFFFFFFF0];
	s19 =	sor.u32 $0x4000, s16  }
0x3b: {  	s31 =	sand.u32 $0x1, s13;
	v4 =	vld [tilespmem:s17+$0x0];
	s18 =	sadd.s32 $0x0, s19  }
0x3c: {  	v3 =	vld [tilespmem:s17+$0x10];
	s16 =	smul.u32 $0x8200, s31;
	[tilespmem:s18+$0x1C70 ss:$0x41] =	vst.msk $0xffff, v0  }
0x3d: {  	v2 =	vld [tilespmem:s17+$0x20];
	[tilespmem:s18+$0x410 ss:$0x41] =	vst.msk $0xffff, v1  }
0x3e: {  	s16 =	sshrl.u32 s16, $0x2;
	v1 =	vld [tilespmem:s17+$0xFFFFFFC0];
	[tilespmem:s18+$0x820 ss:$0x41] =	vst.msk $0xffff, v5;
	s17 =	sadd.s32 $0x80, s17  }
0x3f: {  	s20 =	simm.s32 $0x4;
	s21 =	simm.s32 $0x8;
	s16 =	sor.u32 $0x4000, s16;
	[tilespmem:s18+$0xC30 ss:$0x41] =	vst.msk $0xffff, v6;
	v0 =	vld [tilespmem:s17+$0x30]  }
.LBB1_3:
0x40: {  	p1 =	sne.s32 s21, $0xFC;
	v5 =	vld [tilespmem:s17+$0xFFFFFFD0];
	[tilespmem:s18+$0x1040 ss:$0x41] =	vst.msk $0xffff, v4  }
0x41: {  	v6 =	vld [tilespmem:s17+$0xFFFFFFE0];
	[tilespmem:s18+$0x1450 ss:$0x41] =	vst.msk $0xffff, v3  }
0x42: {  	s22 =	sshra.s32 s20, $0x2;
	s20 =	smov.u32 s21;
	v7 =	vld [tilespmem:s17+$0xFFFFFFF0];
	[tilespmem:s18+$0x1860 ss:$0x41] =	vst.msk $0xffff, v2  }
.Ltmp3:
0x43: {  	v4 =	vld [tilespmem:s17+$0x0];
	[tilespmem:s18+$0x0 ss:$0x41] =	vst.msk $0xffff, v1;
	s18 =	sadd.s32 s22, s19;
	(pc) =	sbr.rel @p1 .LBB1_3-.Ltmp3, $4  }
0x44: {  	v3 =	vld [tilespmem:s17+$0x10];
	[tilespmem:s18+$0x1C70 ss:$0x41] =	vst.msk $0xffff, v0  }
0x45: {  	[tilespmem:s18+$0x410 ss:$0x41] =	vst.msk $0xffff, v5;
	v2 =	vld [tilespmem:s17+$0x20]  }
0x46: {  	v1 =	vld [tilespmem:s17+$0xFFFFFFC0];
	[tilespmem:s18+$0x820 ss:$0x41] =	vst.msk $0xffff, v6;
	s17 =	sadd.s32 $0x80, s17  }
0x47: {  	s21 =	sadd.s32 $0x4, s21;
	v0 =	vld [tilespmem:s17+$0x30];
	[tilespmem:s18+$0xC30 ss:$0x41] =	vst.msk $0xffff, v7  }
0x48: {  	s21 =	sshll.u32 s9, $0x7;
	s22 =	sshll.u32 s10, $0x3;
	s20 =	sshra.s32 s20, $0x2  }
0x49: {  	p1 =	sgt.s32 s9, $0xF41C0;
	s30 =	sshra.s32 s9, $0x1F;
	s25 =	sshra.s32 s10, $0x1F  }
0x4a: {  	v5 =	vld [tilespmem:s17+$0xFFFFFFD0];
	s28 =	sshrl.u32 s10, $0x3;
	s23 =	sand.u32 $0xFFFFFC00, s21;
	s22 =	sand.u32 $0xFFFFFC00, s22  }
0x4b: {  	[tilespmem:s18+$0x1040 ss:$0x41] =	vst.msk $0xffff, v4;
	v58 =	vld [tilespmem:s17+$0xFFFFFFE0];
	s21 =	sand.u32 $0x380, s21;
	s19 =	sadd.s32 s20, s19;
	s22 =	sadd.s32 s22, s23  }
0x4c: {  	v59 =	vld [tilespmem:s17+$0xFFFFFFF0];
	[tilespmem:s18+$0x1450 ss:$0x41] =	vst.msk $0xffff, v3;
	s29 =	sor.u32 s21, s22;
	s21 =	smov.u32 s9;
	s22 =	sand.u32 s30, s9  }
0x4d: {  	v60 =	vld [tilespmem:s17+$0x0];
	[tilespmem:s18+$0x1860 ss:$0x41] =	vst.msk $0xffff, v2;
	s30 =	sand.u32 $0x7, s10;
	s20 =	sshrl.u32 s29, $0x7;
	s21 =	simm.s32 @!p1 $0xF41C0  }
0x4e: {  	v61 =	vld [tilespmem:s17+$0x10];
	[tilespmem:s18+$0x0 ss:$0x41] =	vst.msk $0xffff, v1;
	p1 =	sgt.s32 s10, $0x40;
	s24 =	ssub.s32 s21, s22;
	s21 =	smov.u32 s10  }
0x4f: {  	v62 =	vld [tilespmem:s17+$0x20];
	[tilespmem:s19+$0x1C70 ss:$0x41] =	vst.msk $0xffff, v0;
	s31 =	smulhi.u32 $0x218DEF5, s20;
	s22 =	sand.u32 s25, s10;
	s21 =	simm.s32 @!p1 $0x40  }
0x50: {  	v63 =	vld [tilespmem:s17+$0xFFFFFFC0];
	[tilespmem:s19+$0x410 ss:$0x41] =	vst.msk $0xffff, v5;
	s26 =	sadd.s32 $0xFFF0BE40, s24;
	s17 =	ssub.s32 $0xF4240, s24;
	s21 =	ssub.s32 s21, s22  }
0x51: {  	[tilespmem:s19+$0x820 ss:$0x41] =	vst.msk $0xffff, v58;
	s23 =	sshrl.u32 s31, $0xD;
	p1 =	sgt.s32 s26, $0x7F;
	s27 =	sadd.s32 $0xFFFFFFC0, s21  }
0x52: {  	[tilespmem:s19+$0xC30 ss:$0x41] =	vst.msk $0xffff, v59;
	s23 =	smul.u32 $0xF4240, s23;
	s18 =	ssub.s32 $0x80, s21;
	p2 =	sgt.s32 s27, $0x3F  }
.Ltmp4:
0x53: {  	[tilespmem:s19+$0x1040 ss:$0x41] =	vst.msk $0xffff, v60;
	s17 =	simm.s32 @p1 $0x0;
	s18 =	simm.s32 @p2 $0x0;
	(pc) =	sbr.rel .LBB1_5-.Ltmp4, $4  }
0x54: {  	s29 =	sand.u32 $0xF, s28;
	[tilespmem:s19+$0x1450 ss:$0x41] =	vst.msk $0xffff, v61;
	s20 =	ssub.s32 s20, s23;
	s17 =	smul.u32 s18, s17  }
0x55: {  	[tilespmem:s19+$0x1860 ss:$0x41] =	vst.msk $0xffff, v62;
	s21 =	sshll.u32 s30, $0x12;
	s20 =	sshll.u32 s20, $0x4;
	s18 =	sadd.s32 s5, s29  }
0x56: {  	[tilespmem:s19+$0x0 ss:$0x41] =	vst.msk $0xffff, v63;
	s31 =	sor.u32 $0x40, s21;
	s18 =	sadd.s32 s20, s18;
	s17 =	sand.u32 $0x3FFFFFFF, s17  }
0x57: {  	[hbm4b:s18+s31] =	stream.strided.scatter [tilespmem:s16], [sflag:$0x2], s17, s8, s31, $0x18;
	[tilespmem:$0x8100] =	vst v63  }
.LBB1_6:
0x58: {  	_ =	sfence.sel $0x180000  }
0x59: {  	s2 =	simm.s32 $0x1;
	[bflag:$0x0] =	sbarrier.arrive $0xFFFF  }
0x5a: {  	s31 =	simm.s32 $0x2;
	[sflag:s2] =	ssyncpa.u1 $0x1  }
0x5b: {  	[sflag:s31] =	ssyncpa.u1 $0x1  }
0x5c: {  	p0 =	sne.s32 s1, $0x0;
	_ =	strace $0x90000047  }
0x5d: {  	s0 =	sadd.s32 @!p0 $0x100000, s0;
	[bflag:$0x2] =	sbarrier.arrive $0xFFFF  }
0x5e: {  	[sflag:s0] =	ssyncadd.tile.s32 @!p0 $0x1;
	_ =	shalt  }
.Lfunc_end1:
_tile_overlayer_lowered:
.L_overlay_start_2:
0x5f: {  	(tag) =	ssettag $0x2  }
0x60: {  	s0 =	rddreg [dreg:$0x0];
	s2 =	stileid.u32  }
0x61: {  	s1 =	rddreg [dreg:$0x1];
	p0 =	sne.s32 s2, $0x0  }
0x62: {  	s3 =	rddreg [dreg:$0x2];
	[bflag:$0x3] =	sbarrier.arrive $0xFFFF;
	s2 =	simm.s32 @!p0 $0x1C01  }
0x63: {  	[timem:s3], [sflag:s2] =	dma.local @!p0 [hbm:s0], s1  }
0x64: {  	s0 =	simm.s32 @!p0 $0x1  }
0x65: {  	_ =	swait.ge @!p0 [sflag:s0], s1  }
0x66: {  	s1 =	ssub.s32 @!p0 $0x0, s1;
	[sflag:s0] =	ssyncset.done @!p0 $0x0  }
0x67: {  	[sflag:s0] =	ssyncadd.s32 @!p0 s1  }
0x68: {  	[bflag:$0x3] =	sbarrier.arrive $0xFFFF  }
0x69: {  	_ =	shalt  }

</sc_bundles>
